<compile_context>
chip_gen: v7x
topology: tpu7x:2x2x1
jax: 0.10.2.dev20260603
libtpu: 0.0.44.dev20260713+nightly
codegen_flags: <defaults>
</compile_context>

<pallas_src>
import functools

import jax
import jax.numpy as jnp
from jax import lax
from jax.experimental import pallas as pl
from jax.experimental.pallas import tpu as pltpu
from jax.experimental.pallas import tpu_sc as plsc

N_NODE = 10000
E = 160000
HID = 128

NSUB = 16
PAD_N = 10240
DUMMY = PAD_N - 1
CHUNK = 128
EPAD = 163840
NCHUNK = EPAD // (NSUB * CHUNK)
ROWS_PER_SUB = PAD_N // NSUB

_sc_mesh = plsc.VectorSubcoreMesh(core_axis_name="c", subcore_axis_name="s")


def _fill_rows(ref, nrows, ncols16, value):
    @pl.loop(0, nrows)
    def _(i):
        for k in range(ncols16):
            ref[i, pl.ds(k * 16, 16)] = jnp.full((16,), value, jnp.float32)


@functools.partial(
    pl.kernel,
    out_type=[jax.ShapeDtypeStruct((2, PAD_N, HID), jnp.float32) for _ in range(2)],
    mesh=_sc_mesh,
    scratch_types=[
        pltpu.VMEM((NCHUNK, CHUNK), jnp.int32),
        pltpu.VMEM((CHUNK, HID), jnp.float32),
        pltpu.VMEM((CHUNK, HID), jnp.float32),
        pltpu.VMEM_SHARED((PAD_N, HID), jnp.float32),
    ],
)
def _sc_hist(e_src, e_dst, hist_s, hist_d, idx, ones_v, zero_v, acc):
    c = lax.axis_index("c")
    s = lax.axis_index("s")
    base = s * ROWS_PER_SUB
    _fill_rows(ones_v, CHUNK, HID // 16, 1.0)
    _fill_rows(zero_v, CHUNK, HID // 16, 0.0)
    for e_idx, hist_out in ((e_src, hist_s), (e_dst, hist_d)):
        for t in range(ROWS_PER_SUB // CHUNK):
            pltpu.sync_copy(zero_v, acc.at[pl.ds(base + t * CHUNK, CHUNK)])
        pltpu.sync_copy(e_idx.at[c, s], idx)
        plsc.subcore_barrier()

        @pl.loop(0, NCHUNK)
        def _(j):
            pltpu.sync_copy(ones_v, acc.at[idx.at[j]], add=True)

        plsc.subcore_barrier()
        pltpu.sync_copy(acc.at[pl.ds(base, ROWS_PER_SUB)],
                        hist_out.at[c, pl.ds(base, ROWS_PER_SUB)])
        plsc.subcore_barrier()


HCHUNK = NCHUNK // 2


@functools.partial(
    pl.kernel,
    out_type=jax.ShapeDtypeStruct((2, PAD_N, HID), jnp.float32),
    mesh=_sc_mesh,
    scratch_types=[
        pltpu.VMEM((HCHUNK, CHUNK), jnp.int32),
        pltpu.VMEM((HCHUNK, CHUNK), jnp.int32),
        pltpu.VMEM((CHUNK, HID), jnp.float32),
        pltpu.VMEM((CHUNK, HID), jnp.float32),
        pltpu.VMEM_SHARED((PAD_N, HID), jnp.float32),
        pltpu.SemaphoreType.DMA,
        pltpu.SemaphoreType.DMA,
    ],
)
def _sc_conv(feat, e_src, e_dst, agg,
             idx_s, idx_d, rows0, rows1, acc, sem0, sem1):
    c = lax.axis_index("c")
    s = lax.axis_index("s")
    base = s * ROWS_PER_SUB
    _fill_rows(rows0, CHUNK, HID // 16, 0.0)
    for t in range(ROWS_PER_SUB // CHUNK):
        pltpu.sync_copy(rows0, acc.at[pl.ds(base + t * CHUNK, CHUNK)])
    plsc.subcore_barrier()

    for h in range(2):
        pltpu.sync_copy(e_src.at[c, s, pl.ds(h * HCHUNK, HCHUNK)], idx_s)
        pltpu.sync_copy(e_dst.at[c, s, pl.ds(h * HCHUNK, HCHUNK)], idx_d)
        pltpu.async_copy(feat.at[idx_s.at[0]], rows0, sem0)

        @pl.loop(0, HCHUNK // 2 - 1)
        def _(t):
            j0 = 2 * t
            pltpu.async_copy(feat.at[idx_s.at[j0 + 1]], rows1, sem1)
            pltpu.make_async_copy(feat.at[idx_s.at[j0]], rows0, sem0).wait()
            pltpu.sync_copy(rows0, acc.at[idx_d.at[j0]], add=True)
            pltpu.async_copy(feat.at[idx_s.at[j0 + 2]], rows0, sem0)
            pltpu.make_async_copy(feat.at[idx_s.at[j0 + 1]], rows1, sem1).wait()
            pltpu.sync_copy(rows1, acc.at[idx_d.at[j0 + 1]], add=True)

        jl = HCHUNK - 2
        pltpu.async_copy(feat.at[idx_s.at[jl + 1]], rows1, sem1)
        pltpu.make_async_copy(feat.at[idx_s.at[jl]], rows0, sem0).wait()
        pltpu.sync_copy(rows0, acc.at[idx_d.at[jl]], add=True)
        pltpu.make_async_copy(feat.at[idx_s.at[jl + 1]], rows1, sem1).wait()
        pltpu.sync_copy(rows1, acc.at[idx_d.at[jl + 1]], add=True)

    plsc.subcore_barrier()
    pltpu.sync_copy(acc.at[pl.ds(base, ROWS_PER_SUB)], agg.at[c, pl.ds(base, ROWS_PER_SUB)])


_RB = PAD_N // 10
_RBP = 1000


def _norm_col(hist_blk):
    return lax.rsqrt(jnp.maximum(hist_blk[:, 0:1], 1.0))


def _dot(a, b):
    return jax.lax.dot_general(a, b, (((1,), (0,)), ((), ())),
                               preferred_element_type=jnp.float32,
                               precision=jax.lax.Precision.HIGHEST)


def _tc_pre_body(x_r, hs_r, Win_r, bin_r, Wrel_r, p_r, feat_r):
    p = _dot(x_r[0], Win_r[0]) + bin_r[0]
    p_r[0] = p
    feat_r[0] = _dot(p * _norm_col(hs_r[0]), Wrel_r[0])


def _tc_mid_body(agg_r, hd_r, hs_r, brel_r, Wrel_r, feat_r):
    h = jnp.maximum(agg_r[0] * _norm_col(hd_r[0]) + brel_r[0], 0.0)
    feat_r[0] = _dot(h * _norm_col(hs_r[0]), Wrel_r[0])


def _tc_post_body(aggA_r, aggB_r, hdA_r, hdB_r, bA_r, bB_r, fep_r, frp_r,
                  frfcW_r, frfcb_r, fefcW_r, fefcb_r,
                  fr_h_r, fe_h_r, h2_frame_r, h2_fe_r):
    h2_frame = aggA_r[0] * _norm_col(hdA_r[0]) + bA_r[0] + frp_r[0]
    h2_fe = aggB_r[0] * _norm_col(hdB_r[0]) + bB_r[0] + fep_r[0]
    h2_frame_r[...] = h2_frame
    h2_fe_r[...] = h2_fe
    fr_h_r[...] = _dot(h2_frame, frfcW_r[...]) + frfcb_r[...]
    fe_h_r[...] = _dot(h2_fe, fefcW_r[...]) + fefcb_r[...]


def _tc_pre(x_in, hist_s, W_in, b_in, W_rel):
    return pl.pallas_call(
        _tc_pre_body,
        grid=(2, PAD_N // _RB),
        in_specs=[
            pl.BlockSpec((1, _RB, 64), lambda r, i: (r, i, 0)),
            pl.BlockSpec((1, _RB, HID), lambda r, i: (r, i, 0)),
            pl.BlockSpec((1, 64, HID), lambda r, i: (r, 0, 0)),
            pl.BlockSpec((1, 1, HID), lambda r, i: (r, 0, 0)),
            pl.BlockSpec((1, HID, HID), lambda r, i: (r, 0, 0)),
        ],
        out_specs=[pl.BlockSpec((1, _RB, HID), lambda r, i: (r, i, 0))] * 2,
        out_shape=[jax.ShapeDtypeStruct((2, PAD_N, HID), jnp.float32)] * 2,
    )(x_in, hist_s, W_in, b_in, W_rel)


def _tc_mid(agg1, hist_d, hist_s, b_rel, W_rel):
    return pl.pallas_call(
        _tc_mid_body,
        grid=(2, PAD_N // _RB),
        in_specs=[
            pl.BlockSpec((1, _RB, HID), lambda r, i: (1 - r, i, 0)),
            pl.BlockSpec((1, _RB, HID), lambda r, i: (1 - r, i, 0)),
            pl.BlockSpec((1, _RB, HID), lambda r, i: (r, i, 0)),
            pl.BlockSpec((1, 1, HID), lambda r, i: (1 - r, 0, 0)),
            pl.BlockSpec((1, HID, HID), lambda r, i: (r, 0, 0)),
        ],
        out_specs=pl.BlockSpec((1, _RB, HID), lambda r, i: (r, i, 0)),
        out_shape=jax.ShapeDtypeStruct((2, PAD_N, HID), jnp.float32),
    )(agg1, hist_d, hist_s, b_rel, W_rel)


def _tc_post(agg2, hist_d, b_rel, p, frfcW, frfcb, fefcW, fefcb):
    rows = pl.BlockSpec((1, _RBP, HID), lambda i: (0, i, 0))
    rows1 = pl.BlockSpec((1, _RBP, HID), lambda i: (1, i, 0))
    return pl.pallas_call(
        _tc_post_body,
        grid=(N_NODE // _RBP,),
        in_specs=[rows, rows1, rows, rows1,
                  pl.BlockSpec((1, 1, HID), lambda i: (0, 0, 0)),
                  pl.BlockSpec((1, 1, HID), lambda i: (1, 0, 0)),
                  rows, rows1,
                  pl.BlockSpec((HID, 64), lambda i: (0, 0)),
                  pl.BlockSpec((1, 64), lambda i: (0, 0)),
                  pl.BlockSpec((HID, 32), lambda i: (0, 0)),
                  pl.BlockSpec((1, 32), lambda i: (0, 0))],
        out_specs=[pl.BlockSpec((_RBP, 64), lambda i: (i, 0)),
                   pl.BlockSpec((_RBP, 32), lambda i: (i, 0)),
                   pl.BlockSpec((_RBP, HID), lambda i: (i, 0)),
                   pl.BlockSpec((_RBP, HID), lambda i: (i, 0))],
        out_shape=[jax.ShapeDtypeStruct((N_NODE, 64), jnp.float32),
                   jax.ShapeDtypeStruct((N_NODE, 32), jnp.float32),
                   jax.ShapeDtypeStruct((N_NODE, HID), jnp.float32),
                   jax.ShapeDtypeStruct((N_NODE, HID), jnp.float32)],
    )(agg2, agg2, hist_d, hist_d, b_rel, b_rel, p, p,
      frfcW, frfcb, fefcW, fefcb)


def _prep_edges(idx, fill):
    pad = jnp.full((EPAD - E,), fill, jnp.int32)
    return jnp.concatenate([idx.astype(jnp.int32), pad]).reshape(NSUB, NCHUNK, CHUNK)


@jax.jit
def kernel(frame, fe, edge_e2f, edge_f2e, W_e2f, b_e2f, W_f2e, b_f2e,
           frW, frb, feW, feb, frfcW, frfcb, fefcW, fefcb):
    e_src_g = jnp.stack([_prep_edges(edge_e2f[0], 0),
                         _prep_edges(edge_f2e[0], 0) + PAD_N])
    e_src_h = jnp.stack([_prep_edges(edge_e2f[0], DUMMY),
                         _prep_edges(edge_f2e[0], DUMMY)])
    e_dst = jnp.stack([_prep_edges(edge_e2f[1], DUMMY),
                       _prep_edges(edge_f2e[1], DUMMY)])

    x_in = jnp.stack([jnp.pad(fe, ((0, PAD_N - N_NODE), (0, 32))),
                      jnp.pad(frame, ((0, PAD_N - N_NODE), (0, 0)))])
    W_in = jnp.stack([jnp.pad(feW, ((0, 32), (0, 0))), frW])
    b_in = jnp.stack([feb.reshape(1, HID), frb.reshape(1, HID)])
    b_rel = jnp.stack([b_e2f.reshape(1, HID), b_f2e.reshape(1, HID)])
    W_rel = jnp.stack([W_e2f, W_f2e])

    hist_s, hist_d = _sc_hist(e_src_h, e_dst)
    p, feat1 = _tc_pre(x_in, hist_s, W_in, b_in, W_rel)
    agg1 = _sc_conv(feat1.reshape(2 * PAD_N, HID), e_src_g, e_dst)
    feat2 = _tc_mid(agg1, hist_d, hist_s, b_rel, W_rel)
    agg2 = _sc_conv(feat2.reshape(2 * PAD_N, HID), e_src_g, e_dst)
    fr_h, fe_h, h2_frame, h2_fe = _tc_post(
        agg2, hist_d, b_rel, p,
        frfcW, frfcb.reshape(1, 64), fefcW, fefcb.reshape(1, 32))
    return (fr_h, fe_h, h2_frame, h2_fe)

# --- scband reference (transcript-rebuilt; emitter-appended) ---
"""Pipeline reference for scband-rgcn-55422257988217 (READ-ONLY COPY).

The authoritative reference and input builder live on the scoring server;
editing this copy changes nothing except your own understanding.
"""

import jax, jax.numpy as jnp
import numpy as np

N_FRAME = 10000
N_FE = 10000
E = 160000
IN = 128
HID = 128
NUM_FRAME = 64
NUM_FE = 32


def setup_inputs(seed: int = 0) -> dict:
    key = jax.random.key(seed)
    ks = jax.random.split(key, 18)
    frame = jax.random.normal(ks[0], (N_FRAME, NUM_FRAME), jnp.float32)
    fe = jax.random.normal(ks[1], (N_FE, NUM_FE), jnp.float32)
    # edge_e2f: row0 = src fe node ids (< N_FE), row1 = dst frame node ids (< N_FRAME)
    edge_e2f = jax.random.randint(ks[2], (2, E), 0, N_FE, dtype=jnp.int64)
    # edge_f2e: row0 = src frame node ids (< N_FRAME), row1 = dst fe node ids (< N_FE)
    edge_f2e = jax.random.randint(ks[3], (2, E), 0, N_FRAME, dtype=jnp.int64)
    s = 0.05
    W_e2f = jax.random.normal(ks[4], (IN, HID), jnp.float32) * s
    b_e2f = jnp.zeros((HID,), jnp.float32)
    W_f2e = jax.random.normal(ks[5], (IN, HID), jnp.float32) * s
    b_f2e = jnp.zeros((HID,), jnp.float32)
    frW = jax.random.normal(ks[6], (NUM_FRAME, IN), jnp.float32) * s
    frb = jnp.zeros((IN,), jnp.float32)
    feW = jax.random.normal(ks[7], (NUM_FE, IN), jnp.float32) * s
    feb = jnp.zeros((IN,), jnp.float32)
    frfcW = jax.random.normal(ks[8], (HID, NUM_FRAME), jnp.float32) * s
    frfcb = jnp.zeros((NUM_FRAME,), jnp.float32)
    fefcW = jax.random.normal(ks[9], (HID, NUM_FE), jnp.float32) * s
    fefcb = jnp.zeros((NUM_FE,), jnp.float32)
    return {"frame": frame, "fe": fe, "edge_e2f": edge_e2f, "edge_f2e": edge_f2e,
            "W_e2f": W_e2f, "b_e2f": b_e2f, "W_f2e": W_f2e, "b_f2e": b_f2e,
            "frW": frW, "frb": frb, "feW": feW, "feb": feb,
            "frfcW": frfcW, "frfcb": frfcb, "fefcW": fefcW, "fefcb": fefcb}


def _graph_conv(x_src, W, b, src, dst, n_dst):
    # DGL GraphConv, norm='both': D_dst^{-1/2} A D_src^{-1/2} X W + b (degrees clamped to >=1)
    e = src.shape[0]
    deg_out = jax.ops.segment_sum(jnp.ones((e,), jnp.float32), src, num_segments=x_src.shape[0])
    norm_out = jax.lax.rsqrt(jnp.maximum(deg_out, 1.0))
    feat = (x_src * norm_out[:, None]) @ W
    agg = jax.ops.segment_sum(feat[src], dst, num_segments=n_dst)
    deg_in = jax.ops.segment_sum(jnp.ones((e,), jnp.float32), dst, num_segments=n_dst)
    norm_in = jax.lax.rsqrt(jnp.maximum(deg_in, 1.0))
    return agg * norm_in[:, None] + b


def reference(frame, fe, edge_e2f, edge_f2e, W_e2f, b_e2f, W_f2e, b_f2e,
              frW, frb, feW, feb, frfcW, frfcb, fefcW, fefcb):
    src_e2f, dst_e2f = edge_e2f[0], edge_e2f[1]
    src_f2e, dst_f2e = edge_f2e[0], edge_f2e[1]
    # input projections (mutate inputs dict in torch code)
    frame_p = frame @ frW + frb
    fe_p = fe @ feW + feb
    # conv1 pass 1 (HeteroGraphConv, aggregate='mean'; one relation per dst type -> mean is identity)
    h_frame = _graph_conv(fe_p, W_e2f, b_e2f, src_e2f, dst_e2f, N_FRAME)
    h_fe = _graph_conv(frame_p, W_f2e, b_f2e, src_f2e, dst_f2e, N_FE)
    h_frame = jax.nn.relu(h_frame)
    h_fe = jax.nn.relu(h_fe)
    # conv1 pass 2 (same shared weights)
    h2_frame = _graph_conv(h_fe, W_e2f, b_e2f, src_e2f, dst_e2f, N_FRAME)
    h2_fe = _graph_conv(h_frame, W_f2e, b_f2e, src_f2e, dst_f2e, N_FE)
    # residual
    h2_frame = h2_frame + frame_p
    h2_fe = h2_fe + fe_p
    fr_h = h2_frame @ frfcW + frfcb
    fe_h = h2_fe @ fefcW + fefcb
    return (fr_h, fe_h, h2_frame, h2_fe)

if __name__ == "__main__":
    import jax
    _d = setup_inputs()
    print(jax.jit(kernel)(*tuple(_d.values())))

</pallas_src>

<mosaic_0001>
#map = affine_map<(d0, d1) -> (0, 0, 0, 0)>
#map1 = affine_map<(d0, d1) -> (0, 0, 0)>
module attributes {stable_mosaic.version = 14 : i64} {
  func.func @_sc_hist(%arg0: i32, %arg1: i32, %arg2: memref<2x16x80x128xi32, #tpu.memory_space<hbm>>, %arg3: memref<2x16x80x128xi32, #tpu.memory_space<hbm>>, %arg4: memref<2x10240x128xf32, #tpu.memory_space<hbm>>, %arg5: memref<2x10240x128xf32, #tpu.memory_space<hbm>>, %arg6: memref<80x128xi32, #tpu.memory_space<vmem>>, %arg7: memref<128x128xf32, #tpu.memory_space<vmem>>, %arg8: memref<128x128xf32, #tpu.memory_space<vmem>>, %arg9: memref<10240x128xf32, #tpu.memory_space<vmem_shared>>) attributes {dimension_semantics = [#tpu.dimension_semantics<core_parallel>, #tpu.dimension_semantics<subcore_parallel>], iteration_bounds = array<i64: 2, 16>, scalar_prefetch = 0 : i64, scratch_operands = 4 : i64, tpu.core_type = #tpu.core_type<sc_vector_subcore>, window_params = [{transform_indices = #map}, {transform_indices = #map}, {transform_indices = #map1}, {transform_indices = #map1}]} {
    %mul3A = arith.constant 640 : i32
    %mul3A_0 = arith.muli %arg1, %mul3A : i32
    %scan3A = arith.constant 0 : i32
    %scan3A_1 = arith.constant 128 : i32
    %scan3A_2 = arith.addi %scan3A, %scan3A_1 : i32
    %scan3A_3 = arith.constant 1 : i32
    scf.for %scan3A_44 = %scan3A to %scan3A_2 step %scan3A_3  : i32 {
      %mul3A_45 = arith.constant 1 : i32
      %mul3A_46 = arith.muli %scan3A_44, %mul3A_45 : i32
      %add3A_47 = arith.constant 0 : i32
      %add3A_48 = arith.addi %add3A_47, %mul3A_46 : i32
      %broadcast_in_dim3A = arith.constant 1.000000e+00 : f32
      %broadcast_in_dim3A_49 = vector.broadcast %broadcast_in_dim3A : f32 to vector<16xf32>
      %swap3A = arith.index_cast %add3A_48 : i32 to index
      %swap3A_50 = arith.constant 0 : index
      %swap3A_51 = tpu.vector_load %arg7[%swap3A, %swap3A_50] {strides = array<i32>} : memref<128x128xf32, #tpu.memory_space<vmem>>, vector<1x16xf32>,
      %swap3A_52 = vector.shape_cast %swap3A_51 : vector<1x16xf32> to vector<16xf32>
      %swap3A_53 = vector.shape_cast %broadcast_in_dim3A_49 : vector<16xf32> to vector<1x16xf32>
      tpu.vector_store %arg7[%swap3A, %swap3A_50], %swap3A_53 {strides = array<i32>} : memref<128x128xf32, #tpu.memory_space<vmem>>, vector<1x16xf32>,
      %broadcast_in_dim3A_54 = arith.constant 1.000000e+00 : f32
      %broadcast_in_dim3A_55 = vector.broadcast %broadcast_in_dim3A_54 : f32 to vector<16xf32>
      %swap3A_56 = arith.index_cast %add3A_48 : i32 to index
      %swap3A_57 = arith.constant 16 : index
      %swap3A_58 = tpu.vector_load %arg7[%swap3A_56, %swap3A_57] {strides = array<i32>} : memref<128x128xf32, #tpu.memory_space<vmem>>, vector<1x16xf32>,
      %swap3A_59 = vector.shape_cast %swap3A_58 : vector<1x16xf32> to vector<16xf32>
      %swap3A_60 = vector.shape_cast %broadcast_in_dim3A_55 : vector<16xf32> to vector<1x16xf32>
      tpu.vector_store %arg7[%swap3A_56, %swap3A_57], %swap3A_60 {strides = array<i32>} : memref<128x128xf32, #tpu.memory_space<vmem>>, vector<1x16xf32>,
      %broadcast_in_dim3A_61 = arith.constant 1.000000e+00 : f32
      %broadcast_in_dim3A_62 = vector.broadcast %broadcast_in_dim3A_61 : f32 to vector<16xf32>
      %swap3A_63 = arith.index_cast %add3A_48 : i32 to index
      %swap3A_64 = arith.constant 32 : index
      %swap3A_65 = tpu.vector_load %arg7[%swap3A_63, %swap3A_64] {strides = array<i32>} : memref<128x128xf32, #tpu.memory_space<vmem>>, vector<1x16xf32>,
      %swap3A_66 = vector.shape_cast %swap3A_65 : vector<1x16xf32> to vector<16xf32>
      %swap3A_67 = vector.shape_cast %broadcast_in_dim3A_62 : vector<16xf32> to vector<1x16xf32>
      tpu.vector_store %arg7[%swap3A_63, %swap3A_64], %swap3A_67 {strides = array<i32>} : memref<128x128xf32, #tpu.memory_space<vmem>>, vector<1x16xf32>,
      %broadcast_in_dim3A_68 = arith.constant 1.000000e+00 : f32
      %broadcast_in_dim3A_69 = vector.broadcast %broadcast_in_dim3A_68 : f32 to vector<16xf32>
      %swap3A_70 = arith.index_cast %add3A_48 : i32 to index
      %swap3A_71 = arith.constant 48 : index
      %swap3A_72 = tpu.vector_load %arg7[%swap3A_70, %swap3A_71] {strides = array<i32>} : memref<128x128xf32, #tpu.memory_space<vmem>>, vector<1x16xf32>,
      %swap3A_73 = vector.shape_cast %swap3A_72 : vector<1x16xf32> to vector<16xf32>
      %swap3A_74 = vector.shape_cast %broadcast_in_dim3A_69 : vector<16xf32> to vector<1x16xf32>
      tpu.vector_store %arg7[%swap3A_70, %swap3A_71], %swap3A_74 {strides = array<i32>} : memref<128x128xf32, #tpu.memory_space<vmem>>, vector<1x16xf32>,
      %broadcast_in_dim3A_75 = arith.constant 1.000000e+00 : f32
      %broadcast_in_dim3A_76 = vector.broadcast %broadcast_in_dim3A_75 : f32 to vector<16xf32>
      %swap3A_77 = arith.index_cast %add3A_48 : i32 to index
      %swap3A_78 = arith.constant 64 : index
      %swap3A_79 = tpu.vector_load %arg7[%swap3A_77, %swap3A_78] {strides = array<i32>} : memref<128x128xf32, #tpu.memory_space<vmem>>, vector<1x16xf32>,
      %swap3A_80 = vector.shape_cast %swap3A_79 : vector<1x16xf32> to vector<16xf32>
      %swap3A_81 = vector.shape_cast %broadcast_in_dim3A_76 : vector<16xf32> to vector<1x16xf32>
      tpu.vector_store %arg7[%swap3A_77, %swap3A_78], %swap3A_81 {strides = array<i32>} : memref<128x128xf32, #tpu.memory_space<vmem>>, vector<1x16xf32>,
      %broadcast_in_dim3A_82 = arith.constant 1.000000e+00 : f32
      %broadcast_in_dim3A_83 = vector.broadcast %broadcast_in_dim3A_82 : f32 to vector<16xf32>
      %swap3A_84 = arith.index_cast %add3A_48 : i32 to index
      %swap3A_85 = arith.constant 80 : index
      %swap3A_86 = tpu.vector_load %arg7[%swap3A_84, %swap3A_85] {strides = array<i32>} : memref<128x128xf32, #tpu.memory_space<vmem>>, vector<1x16xf32>,
      %swap3A_87 = vector.shape_cast %swap3A_86 : vector<1x16xf32> to vector<16xf32>
      %swap3A_88 = vector.shape_cast %broadcast_in_dim3A_83 : vector<16xf32> to vector<1x16xf32>
      tpu.vector_store %arg7[%swap3A_84, %swap3A_85], %swap3A_88 {strides = array<i32>} : memref<128x128xf32, #tpu.memory_space<vmem>>, vector<1x16xf32>,
      %broadcast_in_dim3A_89 = arith.constant 1.000000e+00 : f32
      %broadcast_in_dim3A_90 = vector.broadcast %broadcast_in_dim3A_89 : f32 to vector<16xf32>
      %swap3A_91 = arith.index_cast %add3A_48 : i32 to index
      %swap3A_92 = arith.constant 96 : index
      %swap3A_93 = tpu.vector_load %arg7[%swap3A_91, %swap3A_92] {strides = array<i32>} : memref<128x128xf32, #tpu.memory_space<vmem>>, vector<1x16xf32>,
      %swap3A_94 = vector.shape_cast %swap3A_93 : vector<1x16xf32> to vector<16xf32>
      %swap3A_95 = vector.shape_cast %broadcast_in_dim3A_90 : vector<16xf32> to vector<1x16xf32>
      tpu.vector_store %arg7[%swap3A_91, %swap3A_92], %swap3A_95 {strides = array<i32>} : memref<128x128xf32, #tpu.memory_space<vmem>>, vector<1x16xf32>,
      %broadcast_in_dim3A_96 = arith.constant 1.000000e+00 : f32
      %broadcast_in_dim3A_97 = vector.broadcast %broadcast_in_dim3A_96 : f32 to vector<16xf32>
      %swap3A_98 = arith.index_cast %add3A_48 : i32 to index
      %swap3A_99 = arith.constant 112 : index
      %swap3A_100 = tpu.vector_load %arg7[%swap3A_98, %swap3A_99] {strides = array<i32>} : memref<128x128xf32, #tpu.memory_space<vmem>>, vector<1x16xf32>,
      %swap3A_101 = vector.shape_cast %swap3A_100 : vector<1x16xf32> to vector<16xf32>
      %swap3A_102 = vector.shape_cast %broadcast_in_dim3A_97 : vector<16xf32> to vector<1x16xf32>
      tpu.vector_store %arg7[%swap3A_98, %swap3A_99], %swap3A_102 {strides = array<i32>} : memref<128x128xf32, #tpu.memory_space<vmem>>, vector<1x16xf32>,
    }
    %scan3A_4 = arith.constant 128 : i32
    %scan3A_5 = arith.constant 0 : i32
    %scan3A_6 = arith.constant 128 : i32
    %scan3A_7 = arith.addi %scan3A_5, %scan3A_6 : i32
    %scan3A_8 = arith.constant 1 : i32
    scf.for %scan3A_44 = %scan3A_5 to %scan3A_7 step %scan3A_8  : i32 {
      %mul3A_45 = arith.constant 1 : i32
      %mul3A_46 = arith.muli %scan3A_44, %mul3A_45 : i32
      %add3A_47 = arith.constant 0 : i32
      %add3A_48 = arith.addi %add3A_47, %mul3A_46 : i32
      %broadcast_in_dim3A = arith.constant 0.000000e+00 : f32
      %broadcast_in_dim3A_49 = vector.broadcast %broadcast_in_dim3A : f32 to vector<16xf32>
      %swap3A = arith.index_cast %add3A_48 : i32 to index
      %swap3A_50 = arith.constant 0 : index
      %swap3A_51 = tpu.vector_load %arg8[%swap3A, %swap3A_50] {strides = array<i32>} : memref<128x128xf32, #tpu.memory_space<vmem>>, vector<1x16xf32>,
      %swap3A_52 = vector.shape_cast %swap3A_51 : vector<1x16xf32> to vector<16xf32>
      %swap3A_53 = vector.shape_cast %broadcast_in_dim3A_49 : vector<16xf32> to vector<1x16xf32>
      tpu.vector_store %arg8[%swap3A, %swap3A_50], %swap3A_53 {strides = array<i32>} : memref<128x128xf32, #tpu.memory_space<vmem>>, vector<1x16xf32>,
      %broadcast_in_dim3A_54 = arith.constant 0.000000e+00 : f32
      %broadcast_in_dim3A_55 = vector.broadcast %broadcast_in_dim3A_54 : f32 to vector<16xf32>
      %swap3A_56 = arith.index_cast %add3A_48 : i32 to index
      %swap3A_57 = arith.constant 16 : index
      %swap3A_58 = tpu.vector_load %arg8[%swap3A_56, %swap3A_57] {strides = array<i32>} : memref<128x128xf32, #tpu.memory_space<vmem>>, vector<1x16xf32>,
      %swap3A_59 = vector.shape_cast %swap3A_58 : vector<1x16xf32> to vector<16xf32>
      %swap3A_60 = vector.shape_cast %broadcast_in_dim3A_55 : vector<16xf32> to vector<1x16xf32>
      tpu.vector_store %arg8[%swap3A_56, %swap3A_57], %swap3A_60 {strides = array<i32>} : memref<128x128xf32, #tpu.memory_space<vmem>>, vector<1x16xf32>,
      %broadcast_in_dim3A_61 = arith.constant 0.000000e+00 : f32
      %broadcast_in_dim3A_62 = vector.broadcast %broadcast_in_dim3A_61 : f32 to vector<16xf32>
      %swap3A_63 = arith.index_cast %add3A_48 : i32 to index
      %swap3A_64 = arith.constant 32 : index
      %swap3A_65 = tpu.vector_load %arg8[%swap3A_63, %swap3A_64] {strides = array<i32>} : memref<128x128xf32, #tpu.memory_space<vmem>>, vector<1x16xf32>,
      %swap3A_66 = vector.shape_cast %swap3A_65 : vector<1x16xf32> to vector<16xf32>
      %swap3A_67 = vector.shape_cast %broadcast_in_dim3A_62 : vector<16xf32> to vector<1x16xf32>
      tpu.vector_store %arg8[%swap3A_63, %swap3A_64], %swap3A_67 {strides = array<i32>} : memref<128x128xf32, #tpu.memory_space<vmem>>, vector<1x16xf32>,
      %broadcast_in_dim3A_68 = arith.constant 0.000000e+00 : f32
      %broadcast_in_dim3A_69 = vector.broadcast %broadcast_in_dim3A_68 : f32 to vector<16xf32>
      %swap3A_70 = arith.index_cast %add3A_48 : i32 to index
      %swap3A_71 = arith.constant 48 : index
      %swap3A_72 = tpu.vector_load %arg8[%swap3A_70, %swap3A_71] {strides = array<i32>} : memref<128x128xf32, #tpu.memory_space<vmem>>, vector<1x16xf32>,
      %swap3A_73 = vector.shape_cast %swap3A_72 : vector<1x16xf32> to vector<16xf32>
      %swap3A_74 = vector.shape_cast %broadcast_in_dim3A_69 : vector<16xf32> to vector<1x16xf32>
      tpu.vector_store %arg8[%swap3A_70, %swap3A_71], %swap3A_74 {strides = array<i32>} : memref<128x128xf32, #tpu.memory_space<vmem>>, vector<1x16xf32>,
      %broadcast_in_dim3A_75 = arith.constant 0.000000e+00 : f32
      %broadcast_in_dim3A_76 = vector.broadcast %broadcast_in_dim3A_75 : f32 to vector<16xf32>
      %swap3A_77 = arith.index_cast %add3A_48 : i32 to index
      %swap3A_78 = arith.constant 64 : index
      %swap3A_79 = tpu.vector_load %arg8[%swap3A_77, %swap3A_78] {strides = array<i32>} : memref<128x128xf32, #tpu.memory_space<vmem>>, vector<1x16xf32>,
      %swap3A_80 = vector.shape_cast %swap3A_79 : vector<1x16xf32> to vector<16xf32>
      %swap3A_81 = vector.shape_cast %broadcast_in_dim3A_76 : vector<16xf32> to vector<1x16xf32>
      tpu.vector_store %arg8[%swap3A_77, %swap3A_78], %swap3A_81 {strides = array<i32>} : memref<128x128xf32, #tpu.memory_space<vmem>>, vector<1x16xf32>,
      %broadcast_in_dim3A_82 = arith.constant 0.000000e+00 : f32
      %broadcast_in_dim3A_83 = vector.broadcast %broadcast_in_dim3A_82 : f32 to vector<16xf32>
      %swap3A_84 = arith.index_cast %add3A_48 : i32 to index
      %swap3A_85 = arith.constant 80 : index
      %swap3A_86 = tpu.vector_load %arg8[%swap3A_84, %swap3A_85] {strides = array<i32>} : memref<128x128xf32, #tpu.memory_space<vmem>>, vector<1x16xf32>,
      %swap3A_87 = vector.shape_cast %swap3A_86 : vector<1x16xf32> to vector<16xf32>
      %swap3A_88 = vector.shape_cast %broadcast_in_dim3A_83 : vector<16xf32> to vector<1x16xf32>
      tpu.vector_store %arg8[%swap3A_84, %swap3A_85], %swap3A_88 {strides = array<i32>} : memref<128x128xf32, #tpu.memory_space<vmem>>, vector<1x16xf32>,
      %broadcast_in_dim3A_89 = arith.constant 0.000000e+00 : f32
      %broadcast_in_dim3A_90 = vector.broadcast %broadcast_in_dim3A_89 : f32 to vector<16xf32>
      %swap3A_91 = arith.index_cast %add3A_48 : i32 to index
      %swap3A_92 = arith.constant 96 : index
      %swap3A_93 = tpu.vector_load %arg8[%swap3A_91, %swap3A_92] {strides = array<i32>} : memref<128x128xf32, #tpu.memory_space<vmem>>, vector<1x16xf32>,
      %swap3A_94 = vector.shape_cast %swap3A_93 : vector<1x16xf32> to vector<16xf32>
      %swap3A_95 = vector.shape_cast %broadcast_in_dim3A_90 : vector<16xf32> to vector<1x16xf32>
      tpu.vector_store %arg8[%swap3A_91, %swap3A_92], %swap3A_95 {strides = array<i32>} : memref<128x128xf32, #tpu.memory_space<vmem>>, vector<1x16xf32>,
      %broadcast_in_dim3A_96 = arith.constant 0.000000e+00 : f32
      %broadcast_in_dim3A_97 = vector.broadcast %broadcast_in_dim3A_96 : f32 to vector<16xf32>
      %swap3A_98 = arith.index_cast %add3A_48 : i32 to index
      %swap3A_99 = arith.constant 112 : index
      %swap3A_100 = tpu.vector_load %arg8[%swap3A_98, %swap3A_99] {strides = array<i32>} : memref<128x128xf32, #tpu.memory_space<vmem>>, vector<1x16xf32>,
      %swap3A_101 = vector.shape_cast %swap3A_100 : vector<1x16xf32> to vector<16xf32>
      %swap3A_102 = vector.shape_cast %broadcast_in_dim3A_97 : vector<16xf32> to vector<1x16xf32>
      tpu.vector_store %arg8[%swap3A_98, %swap3A_99], %swap3A_102 {strides = array<i32>} : memref<128x128xf32, #tpu.memory_space<vmem>>, vector<1x16xf32>,
    }
    %scan3A_9 = arith.constant 128 : i32
    %add3A = arith.constant 0 : i32
    %add3A_10 = arith.addi %mul3A_0, %add3A : i32
    "tpu.region"() ({
      %run_scoped3A = tpu.sem_alloc : memref<!tpu.dma_semaphore, #tpu.memory_space<semaphore_mem>>
      %dma_start3A = arith.constant 0 : i32
      %dma_start3A_44 = tpu.memref_slice %arg9[%add3A_10, %dma_start3A] : memref<10240x128xf32, #tpu.memory_space<vmem_shared>> -> memref<128x128xf32, #tpu.memory_space<vmem_shared>>
      %dma_start3A_45 = arith.constant 0 : i32
      %dma_start3A_46 = tpu.memref_slice %arg9[%add3A_10, %dma_start3A_45] : memref<10240x128xf32, #tpu.memory_space<vmem_shared>> -> memref<128x128xf32, #tpu.memory_space<vmem_shared>>
      tpu.enqueue_dma source(%arg8 : memref<128x128xf32, #tpu.memory_space<vmem>>) target(%dma_start3A_46 : memref<128x128xf32, #tpu.memory_space<vmem_shared>>) target_semaphore(%run_scoped3A : memref<!tpu.dma_semaphore, #tpu.memory_space<semaphore_mem>>)
      %dma_wait3A = arith.constant 0 : i32
      %dma_wait3A_47 = tpu.memref_slice %arg9[%add3A_10, %dma_wait3A] : memref<10240x128xf32, #tpu.memory_space<vmem_shared>> -> memref<128x128xf32, #tpu.memory_space<vmem_shared>>
      %dma_wait3A_48 = arith.constant 0 : i32
      %dma_wait3A_49 = tpu.memref_slice %arg9[%add3A_10, %dma_wait3A_48] : memref<10240x128xf32, #tpu.memory_space<vmem_shared>> -> memref<128x128xf32, #tpu.memory_space<vmem_shared>>
      tpu.wait_dma2 semaphore(%run_scoped3A : memref<!tpu.dma_semaphore, #tpu.memory_space<semaphore_mem>>) src(%arg8 : memref<128x128xf32, #tpu.memory_space<vmem>>) dst(%dma_wait3A_49 : memref<128x128xf32, #tpu.memory_space<vmem_shared>>)
      tpu.yield
    }) : () -> ()
    %add3A_11 = arith.constant 128 : i32
    %add3A_12 = arith.addi %mul3A_0, %add3A_11 : i32
    "tpu.region"() ({
      %run_scoped3A = tpu.sem_alloc : memref<!tpu.dma_semaphore, #tpu.memory_space<semaphore_mem>>
      %dma_start3A = arith.constant 0 : i32
      %dma_start3A_44 = tpu.memref_slice %arg9[%add3A_12, %dma_start3A] : memref<10240x128xf32, #tpu.memory_space<vmem_shared>> -> memref<128x128xf32, #tpu.memory_space<vmem_shared>>
      %dma_start3A_45 = arith.constant 0 : i32
      %dma_start3A_46 = tpu.memref_slice %arg9[%add3A_12, %dma_start3A_45] : memref<10240x128xf32, #tpu.memory_space<vmem_shared>> -> memref<128x128xf32, #tpu.memory_space<vmem_shared>>
      tpu.enqueue_dma source(%arg8 : memref<128x128xf32, #tpu.memory_space<vmem>>) target(%dma_start3A_46 : memref<128x128xf32, #tpu.memory_space<vmem_shared>>) target_semaphore(%run_scoped3A : memref<!tpu.dma_semaphore, #tpu.memory_space<semaphore_mem>>)
      %dma_wait3A = arith.constant 0 : i32
      %dma_wait3A_47 = tpu.memref_slice %arg9[%add3A_12, %dma_wait3A] : memref<10240x128xf32, #tpu.memory_space<vmem_shared>> -> memref<128x128xf32, #tpu.memory_space<vmem_shared>>
      %dma_wait3A_48 = arith.constant 0 : i32
      %dma_wait3A_49 = tpu.memref_slice %arg9[%add3A_12, %dma_wait3A_48] : memref<10240x128xf32, #tpu.memory_space<vmem_shared>> -> memref<128x128xf32, #tpu.memory_space<vmem_shared>>
      tpu.wait_dma2 semaphore(%run_scoped3A : memref<!tpu.dma_semaphore, #tpu.memory_space<semaphore_mem>>) src(%arg8 : memref<128x128xf32, #tpu.memory_space<vmem>>) dst(%dma_wait3A_49 : memref<128x128xf32, #tpu.memory_space<vmem_shared>>)
      tpu.yield
    }) : () -> ()
    %add3A_13 = arith.constant 256 : i32
    %add3A_14 = arith.addi %mul3A_0, %add3A_13 : i32
    "tpu.region"() ({
      %run_scoped3A = tpu.sem_alloc : memref<!tpu.dma_semaphore, #tpu.memory_space<semaphore_mem>>
      %dma_start3A = arith.constant 0 : i32
      %dma_start3A_44 = tpu.memref_slice %arg9[%add3A_14, %dma_start3A] : memref<10240x128xf32, #tpu.memory_space<vmem_shared>> -> memref<128x128xf32, #tpu.memory_space<vmem_shared>>
      %dma_start3A_45 = arith.constant 0 : i32
      %dma_start3A_46 = tpu.memref_slice %arg9[%add3A_14, %dma_start3A_45] : memref<10240x128xf32, #tpu.memory_space<vmem_shared>> -> memref<128x128xf32, #tpu.memory_space<vmem_shared>>
      tpu.enqueue_dma source(%arg8 : memref<128x128xf32, #tpu.memory_space<vmem>>) target(%dma_start3A_46 : memref<128x128xf32, #tpu.memory_space<vmem_shared>>) target_semaphore(%run_scoped3A : memref<!tpu.dma_semaphore, #tpu.memory_space<semaphore_mem>>)
      %dma_wait3A = arith.constant 0 : i32
      %dma_wait3A_47 = tpu.memref_slice %arg9[%add3A_14, %dma_wait3A] : memref<10240x128xf32, #tpu.memory_space<vmem_shared>> -> memref<128x128xf32, #tpu.memory_space<vmem_shared>>
      %dma_wait3A_48 = arith.constant 0 : i32
      %dma_wait3A_49 = tpu.memref_slice %arg9[%add3A_14, %dma_wait3A_48] : memref<10240x128xf32, #tpu.memory_space<vmem_shared>> -> memref<128x128xf32, #tpu.memory_space<vmem_shared>>
      tpu.wait_dma2 semaphore(%run_scoped3A : memref<!tpu.dma_semaphore, #tpu.memory_space<semaphore_mem>>) src(%arg8 : memref<128x128xf32, #tpu.memory_space<vmem>>) dst(%dma_wait3A_49 : memref<128x128xf32, #tpu.memory_space<vmem_shared>>)
      tpu.yield
    }) : () -> ()
    %add3A_15 = arith.constant 384 : i32
    %add3A_16 = arith.addi %mul3A_0, %add3A_15 : i32
    "tpu.region"() ({
      %run_scoped3A = tpu.sem_alloc : memref<!tpu.dma_semaphore, #tpu.memory_space<semaphore_mem>>
      %dma_start3A = arith.constant 0 : i32
      %dma_start3A_44 = tpu.memref_slice %arg9[%add3A_16, %dma_start3A] : memref<10240x128xf32, #tpu.memory_space<vmem_shared>> -> memref<128x128xf32, #tpu.memory_space<vmem_shared>>
      %dma_start3A_45 = arith.constant 0 : i32
      %dma_start3A_46 = tpu.memref_slice %arg9[%add3A_16, %dma_start3A_45] : memref<10240x128xf32, #tpu.memory_space<vmem_shared>> -> memref<128x128xf32, #tpu.memory_space<vmem_shared>>
      tpu.enqueue_dma source(%arg8 : memref<128x128xf32, #tpu.memory_space<vmem>>) target(%dma_start3A_46 : memref<128x128xf32, #tpu.memory_space<vmem_shared>>) target_semaphore(%run_scoped3A : memref<!tpu.dma_semaphore, #tpu.memory_space<semaphore_mem>>)
      %dma_wait3A = arith.constant 0 : i32
      %dma_wait3A_47 = tpu.memref_slice %arg9[%add3A_16, %dma_wait3A] : memref<10240x128xf32, #tpu.memory_space<vmem_shared>> -> memref<128x128xf32, #tpu.memory_space<vmem_shared>>
      %dma_wait3A_48 = arith.constant 0 : i32
      %dma_wait3A_49 = tpu.memref_slice %arg9[%add3A_16, %dma_wait3A_48] : memref<10240x128xf32, #tpu.memory_space<vmem_shared>> -> memref<128x128xf32, #tpu.memory_space<vmem_shared>>
      tpu.wait_dma2 semaphore(%run_scoped3A : memref<!tpu.dma_semaphore, #tpu.memory_space<semaphore_mem>>) src(%arg8 : memref<128x128xf32, #tpu.memory_space<vmem>>) dst(%dma_wait3A_49 : memref<128x128xf32, #tpu.memory_space<vmem_shared>>)
      tpu.yield
    }) : () -> ()
    %add3A_17 = arith.constant 512 : i32
    %add3A_18 = arith.addi %mul3A_0, %add3A_17 : i32
    "tpu.region"() ({
      %run_scoped3A = tpu.sem_alloc : memref<!tpu.dma_semaphore, #tpu.memory_space<semaphore_mem>>
      %dma_start3A = arith.constant 0 : i32
      %dma_start3A_44 = tpu.memref_slice %arg9[%add3A_18, %dma_start3A] : memref<10240x128xf32, #tpu.memory_space<vmem_shared>> -> memref<128x128xf32, #tpu.memory_space<vmem_shared>>
      %dma_start3A_45 = arith.constant 0 : i32
      %dma_start3A_46 = tpu.memref_slice %arg9[%add3A_18, %dma_start3A_45] : memref<10240x128xf32, #tpu.memory_space<vmem_shared>> -> memref<128x128xf32, #tpu.memory_space<vmem_shared>>
      tpu.enqueue_dma source(%arg8 : memref<128x128xf32, #tpu.memory_space<vmem>>) target(%dma_start3A_46 : memref<128x128xf32, #tpu.memory_space<vmem_shared>>) target_semaphore(%run_scoped3A : memref<!tpu.dma_semaphore, #tpu.memory_space<semaphore_mem>>)
      %dma_wait3A = arith.constant 0 : i32
      %dma_wait3A_47 = tpu.memref_slice %arg9[%add3A_18, %dma_wait3A] : memref<10240x128xf32, #tpu.memory_space<vmem_shared>> -> memref<128x128xf32, #tpu.memory_space<vmem_shared>>
      %dma_wait3A_48 = arith.constant 0 : i32
      %dma_wait3A_49 = tpu.memref_slice %arg9[%add3A_18, %dma_wait3A_48] : memref<10240x128xf32, #tpu.memory_space<vmem_shared>> -> memref<128x128xf32, #tpu.memory_space<vmem_shared>>
      tpu.wait_dma2 semaphore(%run_scoped3A : memref<!tpu.dma_semaphore, #tpu.memory_space<semaphore_mem>>) src(%arg8 : memref<128x128xf32, #tpu.memory_space<vmem>>) dst(%dma_wait3A_49 : memref<128x128xf32, #tpu.memory_space<vmem_shared>>)
      tpu.yield
    }) : () -> ()
    "tpu.region"() ({
      %run_scoped3A = tpu.sem_alloc : memref<!tpu.dma_semaphore, #tpu.memory_space<semaphore_mem>>
      %dma_start3A = arith.constant 0 : i32
      %dma_start3A_44 = arith.constant 0 : i32
      %dma_start3A_45 = tpu.memref_slice %arg2[%arg0, %arg1, %dma_start3A, %dma_start3A_44] : memref<2x16x80x128xi32, #tpu.memory_space<hbm>> -> memref<1x1x80x128xi32, #tpu.memory_space<hbm>>
      %dma_start3A_46 = tpu.memref_squeeze %dma_start3A_45 : memref<1x1x80x128xi32, #tpu.memory_space<hbm>> -> memref<80x128xi32, #tpu.memory_space<hbm>>
      %dma_start3A_47 = arith.constant 0 : i32
      %dma_start3A_48 = arith.constant 0 : i32
      %dma_start3A_49 = tpu.memref_slice %arg2[%arg0, %arg1, %dma_start3A_47, %dma_start3A_48] : memref<2x16x80x128xi32, #tpu.memory_space<hbm>> -> memref<1x1x80x128xi32, #tpu.memory_space<hbm>>
      %dma_start3A_50 = tpu.memref_squeeze %dma_start3A_49 : memref<1x1x80x128xi32, #tpu.memory_space<hbm>> -> memref<80x128xi32, #tpu.memory_space<hbm>>
      tpu.enqueue_dma source(%dma_start3A_50 : memref<80x128xi32, #tpu.memory_space<hbm>>) target(%arg6 : memref<80x128xi32, #tpu.memory_space<vmem>>) target_semaphore(%run_scoped3A : memref<!tpu.dma_semaphore, #tpu.memory_space<semaphore_mem>>)
      %dma_wait3A = arith.constant 0 : i32
      %dma_wait3A_51 = arith.constant 0 : i32
      %dma_wait3A_52 = tpu.memref_slice %arg2[%arg0, %arg1, %dma_wait3A, %dma_wait3A_51] : memref<2x16x80x128xi32, #tpu.memory_space<hbm>> -> memref<1x1x80x128xi32, #tpu.memory_space<hbm>>
      %dma_wait3A_53 = tpu.memref_squeeze %dma_wait3A_52 : memref<1x1x80x128xi32, #tpu.memory_space<hbm>> -> memref<80x128xi32, #tpu.memory_space<hbm>>
      %dma_wait3A_54 = arith.constant 0 : i32
      %dma_wait3A_55 = arith.constant 0 : i32
      %dma_wait3A_56 = tpu.memref_slice %arg2[%arg0, %arg1, %dma_wait3A_54, %dma_wait3A_55] : memref<2x16x80x128xi32, #tpu.memory_space<hbm>> -> memref<1x1x80x128xi32, #tpu.memory_space<hbm>>
      %dma_wait3A_57 = tpu.memref_squeeze %dma_wait3A_56 : memref<1x1x80x128xi32, #tpu.memory_space<hbm>> -> memref<80x128xi32, #tpu.memory_space<hbm>>
      tpu.wait_dma2 semaphore(%run_scoped3A : memref<!tpu.dma_semaphore, #tpu.memory_space<semaphore_mem>>) src(%dma_wait3A_57 : memref<80x128xi32, #tpu.memory_space<hbm>>) dst(%arg6 : memref<80x128xi32, #tpu.memory_space<vmem>>)
      tpu.yield
    }) : () -> ()
    %barrier3A = arith.constant 0 : index
    tpu.barrier barrier_id(%barrier3A)
    %scan3A_19 = arith.constant 0 : i32
    %scan3A_20 = arith.constant 80 : i32
    %scan3A_21 = arith.addi %scan3A_19, %scan3A_20 : i32
    %scan3A_22 = arith.constant 1 : i32
    scf.for %scan3A_44 = %scan3A_19 to %scan3A_21 step %scan3A_22  : i32 {
      %mul3A_45 = arith.constant 1 : i32
      %mul3A_46 = arith.muli %scan3A_44, %mul3A_45 : i32
      %add3A_47 = arith.constant 0 : i32
      %add3A_48 = arith.addi %add3A_47, %mul3A_46 : i32
      "tpu.region"() ({
        %run_scoped3A = tpu.sem_alloc : memref<!tpu.dma_semaphore, #tpu.memory_space<semaphore_mem>>
        %dma_start3A = arith.constant 0 : i32
        %dma_start3A_49 = tpu.memref_slice %arg6[%add3A_48, %dma_start3A] : memref<80x128xi32, #tpu.memory_space<vmem>> -> memref<1x128xi32, #tpu.memory_space<vmem>>
        %dma_start3A_50 = tpu.memref_squeeze %dma_start3A_49 : memref<1x128xi32, #tpu.memory_space<vmem>> -> memref<128xi32, #tpu.memory_space<vmem>>
        %dma_start3A_51 = arith.constant 0 : i32
        %dma_start3A_52 = arith.constant 0 : i32
        %dma_start3A_53 = tpu.memref_slice %arg9[%dma_start3A_51, %dma_start3A_52] : memref<10240x128xf32, #tpu.memory_space<vmem_shared>> -> memref<10240x128xf32, #tpu.memory_space<vmem_shared>>
        tpu.enqueue_indirect_dma source(%arg7 : memref<128x128xf32, #tpu.memory_space<vmem>>) target(%dma_start3A_53 : memref<10240x128xf32, #tpu.memory_space<vmem_shared>>) offsets(%dma_start3A_50 : memref<128xi32, #tpu.memory_space<vmem>>) semaphore(%run_scoped3A : memref<!tpu.dma_semaphore, #tpu.memory_space<semaphore_mem>>) {add = true}
        %dma_wait3A = arith.constant 0 : i32
        %dma_wait3A_54 = tpu.memref_slice %arg6[%add3A_48, %dma_wait3A] : memref<80x128xi32, #tpu.memory_space<vmem>> -> memref<1x128xi32, #tpu.memory_space<vmem>>
        %dma_wait3A_55 = tpu.memref_squeeze %dma_wait3A_54 : memref<1x128xi32, #tpu.memory_space<vmem>> -> memref<128xi32, #tpu.memory_space<vmem>>
        %dma_wait3A_56 = arith.constant 0 : i32
        %dma_wait3A_57 = arith.constant 0 : i32
        %dma_wait3A_58 = tpu.memref_slice %arg9[%dma_wait3A_56, %dma_wait3A_57] : memref<10240x128xf32, #tpu.memory_space<vmem_shared>> -> memref<10240x128xf32, #tpu.memory_space<vmem_shared>>
        tpu.wait_indirect_dma semaphore(%run_scoped3A : memref<!tpu.dma_semaphore, #tpu.memory_space<semaphore_mem>>) src(%arg7 : memref<128x128xf32, #tpu.memory_space<vmem>>) dst(%dma_wait3A_58 : memref<10240x128xf32, #tpu.memory_space<vmem_shared>>)
        tpu.yield
      }) : () -> ()
    }
    %scan3A_23 = arith.constant 80 : i32
    %barrier3A_24 = arith.constant 0 : index
    tpu.barrier barrier_id(%barrier3A_24)
    "tpu.region"() ({
      %run_scoped3A = tpu.sem_alloc : memref<!tpu.dma_semaphore, #tpu.memory_space<semaphore_mem>>
      %dma_start3A = arith.constant 0 : i32
      %dma_start3A_44 = tpu.memref_slice %arg4[%arg0, %mul3A_0, %dma_start3A] : memref<2x10240x128xf32, #tpu.memory_space<hbm>> -> memref<1x640x128xf32, #tpu.memory_space<hbm>>
      %dma_start3A_45 = tpu.memref_squeeze %dma_start3A_44 : memref<1x640x128xf32, #tpu.memory_space<hbm>> -> memref<640x128xf32, #tpu.memory_space<hbm>>
      %dma_start3A_46 = arith.constant 0 : i32
      %dma_start3A_47 = tpu.memref_slice %arg9[%mul3A_0, %dma_start3A_46] : memref<10240x128xf32, #tpu.memory_space<vmem_shared>> -> memref<640x128xf32, #tpu.memory_space<vmem_shared>>
      tpu.enqueue_dma source(%dma_start3A_47 : memref<640x128xf32, #tpu.memory_space<vmem_shared>>) target(%dma_start3A_45 : memref<640x128xf32, #tpu.memory_space<hbm>>) target_semaphore(%run_scoped3A : memref<!tpu.dma_semaphore, #tpu.memory_space<semaphore_mem>>)
      %dma_wait3A = arith.constant 0 : i32
      %dma_wait3A_48 = tpu.memref_slice %arg4[%arg0, %mul3A_0, %dma_wait3A] : memref<2x10240x128xf32, #tpu.memory_space<hbm>> -> memref<1x640x128xf32, #tpu.memory_space<hbm>>
      %dma_wait3A_49 = tpu.memref_squeeze %dma_wait3A_48 : memref<1x640x128xf32, #tpu.memory_space<hbm>> -> memref<640x128xf32, #tpu.memory_space<hbm>>
      %dma_wait3A_50 = arith.constant 0 : i32
      %dma_wait3A_51 = tpu.memref_slice %arg9[%mul3A_0, %dma_wait3A_50] : memref<10240x128xf32, #tpu.memory_space<vmem_shared>> -> memref<640x128xf32, #tpu.memory_space<vmem_shared>>
      tpu.wait_dma2 semaphore(%run_scoped3A : memref<!tpu.dma_semaphore, #tpu.memory_space<semaphore_mem>>) src(%dma_wait3A_51 : memref<640x128xf32, #tpu.memory_space<vmem_shared>>) dst(%dma_wait3A_49 : memref<640x128xf32, #tpu.memory_space<hbm>>)
      tpu.yield
    }) : () -> ()
    %barrier3A_25 = arith.constant 0 : index
    tpu.barrier barrier_id(%barrier3A_25)
    %add3A_26 = arith.constant 0 : i32
    %add3A_27 = arith.addi %mul3A_0, %add3A_26 : i32
    "tpu.region"() ({
      %run_scoped3A = tpu.sem_alloc : memref<!tpu.dma_semaphore, #tpu.memory_space<semaphore_mem>>
      %dma_start3A = arith.constant 0 : i32
      %dma_start3A_44 = tpu.memref_slice %arg9[%add3A_27, %dma_start3A] : memref<10240x128xf32, #tpu.memory_space<vmem_shared>> -> memref<128x128xf32, #tpu.memory_space<vmem_shared>>
      %dma_start3A_45 = arith.constant 0 : i32
      %dma_start3A_46 = tpu.memref_slice %arg9[%add3A_27, %dma_start3A_45] : memref<10240x128xf32, #tpu.memory_space<vmem_shared>> -> memref<128x128xf32, #tpu.memory_space<vmem_shared>>
      tpu.enqueue_dma source(%arg8 : memref<128x128xf32, #tpu.memory_space<vmem>>) target(%dma_start3A_46 : memref<128x128xf32, #tpu.memory_space<vmem_shared>>) target_semaphore(%run_scoped3A : memref<!tpu.dma_semaphore, #tpu.memory_space<semaphore_mem>>)
      %dma_wait3A = arith.constant 0 : i32
      %dma_wait3A_47 = tpu.memref_slice %arg9[%add3A_27, %dma_wait3A] : memref<10240x128xf32, #tpu.memory_space<vmem_shared>> -> memref<128x128xf32, #tpu.memory_space<vmem_shared>>
      %dma_wait3A_48 = arith.constant 0 : i32
      %dma_wait3A_49 = tpu.memref_slice %arg9[%add3A_27, %dma_wait3A_48] : memref<10240x128xf32, #tpu.memory_space<vmem_shared>> -> memref<128x128xf32, #tpu.memory_space<vmem_shared>>
      tpu.wait_dma2 semaphore(%run_scoped3A : memref<!tpu.dma_semaphore, #tpu.memory_space<semaphore_mem>>) src(%arg8 : memref<128x128xf32, #tpu.memory_space<vmem>>) dst(%dma_wait3A_49 : memref<128x128xf32, #tpu.memory_space<vmem_shared>>)
      tpu.yield
    }) : () -> ()
    %add3A_28 = arith.constant 128 : i32
    %add3A_29 = arith.addi %mul3A_0, %add3A_28 : i32
    "tpu.region"() ({
      %run_scoped3A = tpu.sem_alloc : memref<!tpu.dma_semaphore, #tpu.memory_space<semaphore_mem>>
      %dma_start3A = arith.constant 0 : i32
      %dma_start3A_44 = tpu.memref_slice %arg9[%add3A_29, %dma_start3A] : memref<10240x128xf32, #tpu.memory_space<vmem_shared>> -> memref<128x128xf32, #tpu.memory_space<vmem_shared>>
      %dma_start3A_45 = arith.constant 0 : i32
      %dma_start3A_46 = tpu.memref_slice %arg9[%add3A_29, %dma_start3A_45] : memref<10240x128xf32, #tpu.memory_space<vmem_shared>> -> memref<128x128xf32, #tpu.memory_space<vmem_shared>>
      tpu.enqueue_dma source(%arg8 : memref<128x128xf32, #tpu.memory_space<vmem>>) target(%dma_start3A_46 : memref<128x128xf32, #tpu.memory_space<vmem_shared>>) target_semaphore(%run_scoped3A : memref<!tpu.dma_semaphore, #tpu.memory_space<semaphore_mem>>)
      %dma_wait3A = arith.constant 0 : i32
      %dma_wait3A_47 = tpu.memref_slice %arg9[%add3A_29, %dma_wait3A] : memref<10240x128xf32, #tpu.memory_space<vmem_shared>> -> memref<128x128xf32, #tpu.memory_space<vmem_shared>>
      %dma_wait3A_48 = arith.constant 0 : i32
      %dma_wait3A_49 = tpu.memref_slice %arg9[%add3A_29, %dma_wait3A_48] : memref<10240x128xf32, #tpu.memory_space<vmem_shared>> -> memref<128x128xf32, #tpu.memory_space<vmem_shared>>
      tpu.wait_dma2 semaphore(%run_scoped3A : memref<!tpu.dma_semaphore, #tpu.memory_space<semaphore_mem>>) src(%arg8 : memref<128x128xf32, #tpu.memory_space<vmem>>) dst(%dma_wait3A_49 : memref<128x128xf32, #tpu.memory_space<vmem_shared>>)
      tpu.yield
    }) : () -> ()
    %add3A_30 = arith.constant 256 : i32
    %add3A_31 = arith.addi %mul3A_0, %add3A_30 : i32
    "tpu.region"() ({
      %run_scoped3A = tpu.sem_alloc : memref<!tpu.dma_semaphore, #tpu.memory_space<semaphore_mem>>
      %dma_start3A = arith.constant 0 : i32
      %dma_start3A_44 = tpu.memref_slice %arg9[%add3A_31, %dma_start3A] : memref<10240x128xf32, #tpu.memory_space<vmem_shared>> -> memref<128x128xf32, #tpu.memory_space<vmem_shared>>
      %dma_start3A_45 = arith.constant 0 : i32
      %dma_start3A_46 = tpu.memref_slice %arg9[%add3A_31, %dma_start3A_45] : memref<10240x128xf32, #tpu.memory_space<vmem_shared>> -> memref<128x128xf32, #tpu.memory_space<vmem_shared>>
      tpu.enqueue_dma source(%arg8 : memref<128x128xf32, #tpu.memory_space<vmem>>) target(%dma_start3A_46 : memref<128x128xf32, #tpu.memory_space<vmem_shared>>) target_semaphore(%run_scoped3A : memref<!tpu.dma_semaphore, #tpu.memory_space<semaphore_mem>>)
      %dma_wait3A = arith.constant 0 : i32
      %dma_wait3A_47 = tpu.memref_slice %arg9[%add3A_31, %dma_wait3A] : memref<10240x128xf32, #tpu.memory_space<vmem_shared>> -> memref<128x128xf32, #tpu.memory_space<vmem_shared>>
      %dma_wait3A_48 = arith.constant 0 : i32
      %dma_wait3A_49 = tpu.memref_slice %arg9[%add3A_31, %dma_wait3A_48] : memref<10240x128xf32, #tpu.memory_space<vmem_shared>> -> memref<128x128xf32, #tpu.memory_space<vmem_shared>>
      tpu.wait_dma2 semaphore(%run_scoped3A : memref<!tpu.dma_semaphore, #tpu.memory_space<semaphore_mem>>) src(%arg8 : memref<128x128xf32, #tpu.memory_space<vmem>>) dst(%dma_wait3A_49 : memref<128x128xf32, #tpu.memory_space<vmem_shared>>)
      tpu.yield
    }) : () -> ()
    %add3A_32 = arith.constant 384 : i32
    %add3A_33 = arith.addi %mul3A_0, %add3A_32 : i32
    "tpu.region"() ({
      %run_scoped3A = tpu.sem_alloc : memref<!tpu.dma_semaphore, #tpu.memory_space<semaphore_mem>>
      %dma_start3A = arith.constant 0 : i32
      %dma_start3A_44 = tpu.memref_slice %arg9[%add3A_33, %dma_start3A] : memref<10240x128xf32, #tpu.memory_space<vmem_shared>> -> memref<128x128xf32, #tpu.memory_space<vmem_shared>>
      %dma_start3A_45 = arith.constant 0 : i32
      %dma_start3A_46 = tpu.memref_slice %arg9[%add3A_33, %dma_start3A_45] : memref<10240x128xf32, #tpu.memory_space<vmem_shared>> -> memref<128x128xf32, #tpu.memory_space<vmem_shared>>
      tpu.enqueue_dma source(%arg8 : memref<128x128xf32, #tpu.memory_space<vmem>>) target(%dma_start3A_46 : memref<128x128xf32, #tpu.memory_space<vmem_shared>>) target_semaphore(%run_scoped3A : memref<!tpu.dma_semaphore, #tpu.memory_space<semaphore_mem>>)
      %dma_wait3A = arith.constant 0 : i32
      %dma_wait3A_47 = tpu.memref_slice %arg9[%add3A_33, %dma_wait3A] : memref<10240x128xf32, #tpu.memory_space<vmem_shared>> -> memref<128x128xf32, #tpu.memory_space<vmem_shared>>
      %dma_wait3A_48 = arith.constant 0 : i32
      %dma_wait3A_49 = tpu.memref_slice %arg9[%add3A_33, %dma_wait3A_48] : memref<10240x128xf32, #tpu.memory_space<vmem_shared>> -> memref<128x128xf32, #tpu.memory_space<vmem_shared>>
      tpu.wait_dma2 semaphore(%run_scoped3A : memref<!tpu.dma_semaphore, #tpu.memory_space<semaphore_mem>>) src(%arg8 : memref<128x128xf32, #tpu.memory_space<vmem>>) dst(%dma_wait3A_49 : memref<128x128xf32, #tpu.memory_space<vmem_shared>>)
      tpu.yield
    }) : () -> ()
    %add3A_34 = arith.constant 512 : i32
    %add3A_35 = arith.addi %mul3A_0, %add3A_34 : i32
    "tpu.region"() ({
      %run_scoped3A = tpu.sem_alloc : memref<!tpu.dma_semaphore, #tpu.memory_space<semaphore_mem>>
      %dma_start3A = arith.constant 0 : i32
      %dma_start3A_44 = tpu.memref_slice %arg9[%add3A_35, %dma_start3A] : memref<10240x128xf32, #tpu.memory_space<vmem_shared>> -> memref<128x128xf32, #tpu.memory_space<vmem_shared>>
      %dma_start3A_45 = arith.constant 0 : i32
      %dma_start3A_46 = tpu.memref_slice %arg9[%add3A_35, %dma_start3A_45] : memref<10240x128xf32, #tpu.memory_space<vmem_shared>> -> memref<128x128xf32, #tpu.memory_space<vmem_shared>>
      tpu.enqueue_dma source(%arg8 : memref<128x128xf32, #tpu.memory_space<vmem>>) target(%dma_start3A_46 : memref<128x128xf32, #tpu.memory_space<vmem_shared>>) target_semaphore(%run_scoped3A : memref<!tpu.dma_semaphore, #tpu.memory_space<semaphore_mem>>)
      %dma_wait3A = arith.constant 0 : i32
      %dma_wait3A_47 = tpu.memref_slice %arg9[%add3A_35, %dma_wait3A] : memref<10240x128xf32, #tpu.memory_space<vmem_shared>> -> memref<128x128xf32, #tpu.memory_space<vmem_shared>>
      %dma_wait3A_48 = arith.constant 0 : i32
      %dma_wait3A_49 = tpu.memref_slice %arg9[%add3A_35, %dma_wait3A_48] : memref<10240x128xf32, #tpu.memory_space<vmem_shared>> -> memref<128x128xf32, #tpu.memory_space<vmem_shared>>
      tpu.wait_dma2 semaphore(%run_scoped3A : memref<!tpu.dma_semaphore, #tpu.memory_space<semaphore_mem>>) src(%arg8 : memref<128x128xf32, #tpu.memory_space<vmem>>) dst(%dma_wait3A_49 : memref<128x128xf32, #tpu.memory_space<vmem_shared>>)
      tpu.yield
    }) : () -> ()
    "tpu.region"() ({
      %run_scoped3A = tpu.sem_alloc : memref<!tpu.dma_semaphore, #tpu.memory_space<semaphore_mem>>
      %dma_start3A = arith.constant 0 : i32
      %dma_start3A_44 = arith.constant 0 : i32
      %dma_start3A_45 = tpu.memref_slice %arg3[%arg0, %arg1, %dma_start3A, %dma_start3A_44] : memref<2x16x80x128xi32, #tpu.memory_space<hbm>> -> memref<1x1x80x128xi32, #tpu.memory_space<hbm>>
      %dma_start3A_46 = tpu.memref_squeeze %dma_start3A_45 : memref<1x1x80x128xi32, #tpu.memory_space<hbm>> -> memref<80x128xi32, #tpu.memory_space<hbm>>
      %dma_start3A_47 = arith.constant 0 : i32
      %dma_start3A_48 = arith.constant 0 : i32
      %dma_start3A_49 = tpu.memref_slice %arg3[%arg0, %arg1, %dma_start3A_47, %dma_start3A_48] : memref<2x16x80x128xi32, #tpu.memory_space<hbm>> -> memref<1x1x80x128xi32, #tpu.memory_space<hbm>>
      %dma_start3A_50 = tpu.memref_squeeze %dma_start3A_49 : memref<1x1x80x128xi32, #tpu.memory_space<hbm>> -> memref<80x128xi32, #tpu.memory_space<hbm>>
      tpu.enqueue_dma source(%dma_start3A_50 : memref<80x128xi32, #tpu.memory_space<hbm>>) target(%arg6 : memref<80x128xi32, #tpu.memory_space<vmem>>) target_semaphore(%run_scoped3A : memref<!tpu.dma_semaphore, #tpu.memory_space<semaphore_mem>>)
      %dma_wait3A = arith.constant 0 : i32
      %dma_wait3A_51 = arith.constant 0 : i32
      %dma_wait3A_52 = tpu.memref_slice %arg3[%arg0, %arg1, %dma_wait3A, %dma_wait3A_51] : memref<2x16x80x128xi32, #tpu.memory_space<hbm>> -> memref<1x1x80x128xi32, #tpu.memory_space<hbm>>
      %dma_wait3A_53 = tpu.memref_squeeze %dma_wait3A_52 : memref<1x1x80x128xi32, #tpu.memory_space<hbm>> -> memref<80x128xi32, #tpu.memory_space<hbm>>
      %dma_wait3A_54 = arith.constant 0 : i32
      %dma_wait3A_55 = arith.constant 0 : i32
      %dma_wait3A_56 = tpu.memref_slice %arg3[%arg0, %arg1, %dma_wait3A_54, %dma_wait3A_55] : memref<2x16x80x128xi32, #tpu.memory_space<hbm>> -> memref<1x1x80x128xi32, #tpu.memory_space<hbm>>
      %dma_wait3A_57 = tpu.memref_squeeze %dma_wait3A_56 : memref<1x1x80x128xi32, #tpu.memory_space<hbm>> -> memref<80x128xi32, #tpu.memory_space<hbm>>
      tpu.wait_dma2 semaphore(%run_scoped3A : memref<!tpu.dma_semaphore, #tpu.memory_space<semaphore_mem>>) src(%dma_wait3A_57 : memref<80x128xi32, #tpu.memory_space<hbm>>) dst(%arg6 : memref<80x128xi32, #tpu.memory_space<vmem>>)
      tpu.yield
    }) : () -> ()
    %barrier3A_36 = arith.constant 0 : index
    tpu.barrier barrier_id(%barrier3A_36)
    %scan3A_37 = arith.constant 0 : i32
    %scan3A_38 = arith.constant 80 : i32
    %scan3A_39 = arith.addi %scan3A_37, %scan3A_38 : i32
    %scan3A_40 = arith.constant 1 : i32
    scf.for %scan3A_44 = %scan3A_37 to %scan3A_39 step %scan3A_40  : i32 {
      %mul3A_45 = arith.constant 1 : i32
      %mul3A_46 = arith.muli %scan3A_44, %mul3A_45 : i32
      %add3A_47 = arith.constant 0 : i32
      %add3A_48 = arith.addi %add3A_47, %mul3A_46 : i32
      "tpu.region"() ({
        %run_scoped3A = tpu.sem_alloc : memref<!tpu.dma_semaphore, #tpu.memory_space<semaphore_mem>>
        %dma_start3A = arith.constant 0 : i32
        %dma_start3A_49 = tpu.memref_slice %arg6[%add3A_48, %dma_start3A] : memref<80x128xi32, #tpu.memory_space<vmem>> -> memref<1x128xi32, #tpu.memory_space<vmem>>
        %dma_start3A_50 = tpu.memref_squeeze %dma_start3A_49 : memref<1x128xi32, #tpu.memory_space<vmem>> -> memref<128xi32, #tpu.memory_space<vmem>>
        %dma_start3A_51 = arith.constant 0 : i32
        %dma_start3A_52 = arith.constant 0 : i32
        %dma_start3A_53 = tpu.memref_slice %arg9[%dma_start3A_51, %dma_start3A_52] : memref<10240x128xf32, #tpu.memory_space<vmem_shared>> -> memref<10240x128xf32, #tpu.memory_space<vmem_shared>>
        tpu.enqueue_indirect_dma source(%arg7 : memref<128x128xf32, #tpu.memory_space<vmem>>) target(%dma_start3A_53 : memref<10240x128xf32, #tpu.memory_space<vmem_shared>>) offsets(%dma_start3A_50 : memref<128xi32, #tpu.memory_space<vmem>>) semaphore(%run_scoped3A : memref<!tpu.dma_semaphore, #tpu.memory_space<semaphore_mem>>) {add = true}
        %dma_wait3A = arith.constant 0 : i32
        %dma_wait3A_54 = tpu.memref_slice %arg6[%add3A_48, %dma_wait3A] : memref<80x128xi32, #tpu.memory_space<vmem>> -> memref<1x128xi32, #tpu.memory_space<vmem>>
        %dma_wait3A_55 = tpu.memref_squeeze %dma_wait3A_54 : memref<1x128xi32, #tpu.memory_space<vmem>> -> memref<128xi32, #tpu.memory_space<vmem>>
        %dma_wait3A_56 = arith.constant 0 : i32
        %dma_wait3A_57 = arith.constant 0 : i32
        %dma_wait3A_58 = tpu.memref_slice %arg9[%dma_wait3A_56, %dma_wait3A_57] : memref<10240x128xf32, #tpu.memory_space<vmem_shared>> -> memref<10240x128xf32, #tpu.memory_space<vmem_shared>>
        tpu.wait_indirect_dma semaphore(%run_scoped3A : memref<!tpu.dma_semaphore, #tpu.memory_space<semaphore_mem>>) src(%arg7 : memref<128x128xf32, #tpu.memory_space<vmem>>) dst(%dma_wait3A_58 : memref<10240x128xf32, #tpu.memory_space<vmem_shared>>)
        tpu.yield
      }) : () -> ()
    }
    %scan3A_41 = arith.constant 80 : i32
    %barrier3A_42 = arith.constant 0 : index
    tpu.barrier barrier_id(%barrier3A_42)
    "tpu.region"() ({
      %run_scoped3A = tpu.sem_alloc : memref<!tpu.dma_semaphore, #tpu.memory_space<semaphore_mem>>
      %dma_start3A = arith.constant 0 : i32
      %dma_start3A_44 = tpu.memref_slice %arg5[%arg0, %mul3A_0, %dma_start3A] : memref<2x10240x128xf32, #tpu.memory_space<hbm>> -> memref<1x640x128xf32, #tpu.memory_space<hbm>>
      %dma_start3A_45 = tpu.memref_squeeze %dma_start3A_44 : memref<1x640x128xf32, #tpu.memory_space<hbm>> -> memref<640x128xf32, #tpu.memory_space<hbm>>
      %dma_start3A_46 = arith.constant 0 : i32
      %dma_start3A_47 = tpu.memref_slice %arg9[%mul3A_0, %dma_start3A_46] : memref<10240x128xf32, #tpu.memory_space<vmem_shared>> -> memref<640x128xf32, #tpu.memory_space<vmem_shared>>
      tpu.enqueue_dma source(%dma_start3A_47 : memref<640x128xf32, #tpu.memory_space<vmem_shared>>) target(%dma_start3A_45 : memref<640x128xf32, #tpu.memory_space<hbm>>) target_semaphore(%run_scoped3A : memref<!tpu.dma_semaphore, #tpu.memory_space<semaphore_mem>>)
      %dma_wait3A = arith.constant 0 : i32
      %dma_wait3A_48 = tpu.memref_slice %arg5[%arg0, %mul3A_0, %dma_wait3A] : memref<2x10240x128xf32, #tpu.memory_space<hbm>> -> memref<1x640x128xf32, #tpu.memory_space<hbm>>
      %dma_wait3A_49 = tpu.memref_squeeze %dma_wait3A_48 : memref<1x640x128xf32, #tpu.memory_space<hbm>> -> memref<640x128xf32, #tpu.memory_space<hbm>>
      %dma_wait3A_50 = arith.constant 0 : i32
      %dma_wait3A_51 = tpu.memref_slice %arg9[%mul3A_0, %dma_wait3A_50] : memref<10240x128xf32, #tpu.memory_space<vmem_shared>> -> memref<640x128xf32, #tpu.memory_space<vmem_shared>>
      tpu.wait_dma2 semaphore(%run_scoped3A : memref<!tpu.dma_semaphore, #tpu.memory_space<semaphore_mem>>) src(%dma_wait3A_51 : memref<640x128xf32, #tpu.memory_space<vmem_shared>>) dst(%dma_wait3A_49 : memref<640x128xf32, #tpu.memory_space<hbm>>)
      tpu.yield
    }) : () -> ()
    %barrier3A_43 = arith.constant 0 : index
    tpu.barrier barrier_id(%barrier3A_43)
    return
  }
}

#map = affine_map<(d0, d1) -> (0, 0)>
#map1 = affine_map<(d0, d1) -> (0, 0, 0, 0)>
#map2 = affine_map<(d0, d1) -> (0, 0, 0)>
module attributes {stable_mosaic.version = 14 : i64} {
  func.func @_sc_conv(%arg0: i32, %arg1: i32, %arg2: memref<20480x128xf32, #tpu.memory_space<hbm>>, %arg3: memref<2x16x80x128xi32, #tpu.memory_space<hbm>>, %arg4: memref<2x16x80x128xi32, #tpu.memory_space<hbm>>, %arg5: memref<2x10240x128xf32, #tpu.memory_space<hbm>>, %arg6: memref<40x128xi32, #tpu.memory_space<vmem>>, %arg7: memref<40x128xi32, #tpu.memory_space<vmem>>, %arg8: memref<128x128xf32, #tpu.memory_space<vmem>>, %arg9: memref<128x128xf32, #tpu.memory_space<vmem>>, %arg10: memref<10240x128xf32, #tpu.memory_space<vmem_shared>>, %arg11: memref<!tpu.dma_semaphore, #tpu.memory_space<semaphore_mem>>, %arg12: memref<!tpu.dma_semaphore, #tpu.memory_space<semaphore_mem>>) attributes {dimension_semantics = [#tpu.dimension_semantics<core_parallel>, #tpu.dimension_semantics<subcore_parallel>], iteration_bounds = array<i64: 2, 16>, scalar_prefetch = 0 : i64, scratch_operands = 7 : i64, tpu.core_type = #tpu.core_type<sc_vector_subcore>, window_params = [{transform_indices = #map}, {transform_indices = #map1}, {transform_indices = #map1}, {transform_indices = #map2}]} {
    %mul3A = arith.constant 640 : i32
    %mul3A_0 = arith.muli %arg1, %mul3A : i32
    %scan3A = arith.constant 0 : i32
    %scan3A_1 = arith.constant 128 : i32
    %scan3A_2 = arith.addi %scan3A, %scan3A_1 : i32
    %scan3A_3 = arith.constant 1 : i32
    scf.for %scan3A_82 = %scan3A to %scan3A_2 step %scan3A_3  : i32 {
      %mul3A_83 = arith.constant 1 : i32
      %mul3A_84 = arith.muli %scan3A_82, %mul3A_83 : i32
      %add3A_85 = arith.constant 0 : i32
      %add3A_86 = arith.addi %add3A_85, %mul3A_84 : i32
      %broadcast_in_dim3A = arith.constant 0.000000e+00 : f32
      %broadcast_in_dim3A_87 = vector.broadcast %broadcast_in_dim3A : f32 to vector<16xf32>
      %swap3A = arith.index_cast %add3A_86 : i32 to index
      %swap3A_88 = arith.constant 0 : index
      %swap3A_89 = tpu.vector_load %arg8[%swap3A, %swap3A_88] {strides = array<i32>} : memref<128x128xf32, #tpu.memory_space<vmem>>, vector<1x16xf32>,
      %swap3A_90 = vector.shape_cast %swap3A_89 : vector<1x16xf32> to vector<16xf32>
      %swap3A_91 = vector.shape_cast %broadcast_in_dim3A_87 : vector<16xf32> to vector<1x16xf32>
      tpu.vector_store %arg8[%swap3A, %swap3A_88], %swap3A_91 {strides = array<i32>} : memref<128x128xf32, #tpu.memory_space<vmem>>, vector<1x16xf32>,
      %broadcast_in_dim3A_92 = arith.constant 0.000000e+00 : f32
      %broadcast_in_dim3A_93 = vector.broadcast %broadcast_in_dim3A_92 : f32 to vector<16xf32>
      %swap3A_94 = arith.index_cast %add3A_86 : i32 to index
      %swap3A_95 = arith.constant 16 : index
      %swap3A_96 = tpu.vector_load %arg8[%swap3A_94, %swap3A_95] {strides = array<i32>} : memref<128x128xf32, #tpu.memory_space<vmem>>, vector<1x16xf32>,
      %swap3A_97 = vector.shape_cast %swap3A_96 : vector<1x16xf32> to vector<16xf32>
      %swap3A_98 = vector.shape_cast %broadcast_in_dim3A_93 : vector<16xf32> to vector<1x16xf32>
      tpu.vector_store %arg8[%swap3A_94, %swap3A_95], %swap3A_98 {strides = array<i32>} : memref<128x128xf32, #tpu.memory_space<vmem>>, vector<1x16xf32>,
      %broadcast_in_dim3A_99 = arith.constant 0.000000e+00 : f32
      %broadcast_in_dim3A_100 = vector.broadcast %broadcast_in_dim3A_99 : f32 to vector<16xf32>
      %swap3A_101 = arith.index_cast %add3A_86 : i32 to index
      %swap3A_102 = arith.constant 32 : index
      %swap3A_103 = tpu.vector_load %arg8[%swap3A_101, %swap3A_102] {strides = array<i32>} : memref<128x128xf32, #tpu.memory_space<vmem>>, vector<1x16xf32>,
      %swap3A_104 = vector.shape_cast %swap3A_103 : vector<1x16xf32> to vector<16xf32>
      %swap3A_105 = vector.shape_cast %broadcast_in_dim3A_100 : vector<16xf32> to vector<1x16xf32>
      tpu.vector_store %arg8[%swap3A_101, %swap3A_102], %swap3A_105 {strides = array<i32>} : memref<128x128xf32, #tpu.memory_space<vmem>>, vector<1x16xf32>,
      %broadcast_in_dim3A_106 = arith.constant 0.000000e+00 : f32
      %broadcast_in_dim3A_107 = vector.broadcast %broadcast_in_dim3A_106 : f32 to vector<16xf32>
      %swap3A_108 = arith.index_cast %add3A_86 : i32 to index
      %swap3A_109 = arith.constant 48 : index
      %swap3A_110 = tpu.vector_load %arg8[%swap3A_108, %swap3A_109] {strides = array<i32>} : memref<128x128xf32, #tpu.memory_space<vmem>>, vector<1x16xf32>,
      %swap3A_111 = vector.shape_cast %swap3A_110 : vector<1x16xf32> to vector<16xf32>
      %swap3A_112 = vector.shape_cast %broadcast_in_dim3A_107 : vector<16xf32> to vector<1x16xf32>
      tpu.vector_store %arg8[%swap3A_108, %swap3A_109], %swap3A_112 {strides = array<i32>} : memref<128x128xf32, #tpu.memory_space<vmem>>, vector<1x16xf32>,
      %broadcast_in_dim3A_113 = arith.constant 0.000000e+00 : f32
      %broadcast_in_dim3A_114 = vector.broadcast %broadcast_in_dim3A_113 : f32 to vector<16xf32>
      %swap3A_115 = arith.index_cast %add3A_86 : i32 to index
      %swap3A_116 = arith.constant 64 : index
      %swap3A_117 = tpu.vector_load %arg8[%swap3A_115, %swap3A_116] {strides = array<i32>} : memref<128x128xf32, #tpu.memory_space<vmem>>, vector<1x16xf32>,
      %swap3A_118 = vector.shape_cast %swap3A_117 : vector<1x16xf32> to vector<16xf32>
      %swap3A_119 = vector.shape_cast %broadcast_in_dim3A_114 : vector<16xf32> to vector<1x16xf32>
      tpu.vector_store %arg8[%swap3A_115, %swap3A_116], %swap3A_119 {strides = array<i32>} : memref<128x128xf32, #tpu.memory_space<vmem>>, vector<1x16xf32>,
      %broadcast_in_dim3A_120 = arith.constant 0.000000e+00 : f32
      %broadcast_in_dim3A_121 = vector.broadcast %broadcast_in_dim3A_120 : f32 to vector<16xf32>
      %swap3A_122 = arith.index_cast %add3A_86 : i32 to index
      %swap3A_123 = arith.constant 80 : index
      %swap3A_124 = tpu.vector_load %arg8[%swap3A_122, %swap3A_123] {strides = array<i32>} : memref<128x128xf32, #tpu.memory_space<vmem>>, vector<1x16xf32>,
      %swap3A_125 = vector.shape_cast %swap3A_124 : vector<1x16xf32> to vector<16xf32>
      %swap3A_126 = vector.shape_cast %broadcast_in_dim3A_121 : vector<16xf32> to vector<1x16xf32>
      tpu.vector_store %arg8[%swap3A_122, %swap3A_123], %swap3A_126 {strides = array<i32>} : memref<128x128xf32, #tpu.memory_space<vmem>>, vector<1x16xf32>,
      %broadcast_in_dim3A_127 = arith.constant 0.000000e+00 : f32
      %broadcast_in_dim3A_128 = vector.broadcast %broadcast_in_dim3A_127 : f32 to vector<16xf32>
      %swap3A_129 = arith.index_cast %add3A_86 : i32 to index
      %swap3A_130 = arith.constant 96 : index
      %swap3A_131 = tpu.vector_load %arg8[%swap3A_129, %swap3A_130] {strides = array<i32>} : memref<128x128xf32, #tpu.memory_space<vmem>>, vector<1x16xf32>,
      %swap3A_132 = vector.shape_cast %swap3A_131 : vector<1x16xf32> to vector<16xf32>
      %swap3A_133 = vector.shape_cast %broadcast_in_dim3A_128 : vector<16xf32> to vector<1x16xf32>
      tpu.vector_store %arg8[%swap3A_129, %swap3A_130], %swap3A_133 {strides = array<i32>} : memref<128x128xf32, #tpu.memory_space<vmem>>, vector<1x16xf32>,
      %broadcast_in_dim3A_134 = arith.constant 0.000000e+00 : f32
      %broadcast_in_dim3A_135 = vector.broadcast %broadcast_in_dim3A_134 : f32 to vector<16xf32>
      %swap3A_136 = arith.index_cast %add3A_86 : i32 to index
      %swap3A_137 = arith.constant 112 : index
      %swap3A_138 = tpu.vector_load %arg8[%swap3A_136, %swap3A_137] {strides = array<i32>} : memref<128x128xf32, #tpu.memory_space<vmem>>, vector<1x16xf32>,
      %swap3A_139 = vector.shape_cast %swap3A_138 : vector<1x16xf32> to vector<16xf32>
      %swap3A_140 = vector.shape_cast %broadcast_in_dim3A_135 : vector<16xf32> to vector<1x16xf32>
      tpu.vector_store %arg8[%swap3A_136, %swap3A_137], %swap3A_140 {strides = array<i32>} : memref<128x128xf32, #tpu.memory_space<vmem>>, vector<1x16xf32>,
    }
    %scan3A_4 = arith.constant 128 : i32
    %add3A = arith.constant 0 : i32
    %add3A_5 = arith.addi %mul3A_0, %add3A : i32
    "tpu.region"() ({
      %run_scoped3A_82 = tpu.sem_alloc : memref<!tpu.dma_semaphore, #tpu.memory_space<semaphore_mem>>
      %dma_start3A_83 = arith.constant 0 : i32
      %dma_start3A_84 = tpu.memref_slice %arg10[%add3A_5, %dma_start3A_83] : memref<10240x128xf32, #tpu.memory_space<vmem_shared>> -> memref<128x128xf32, #tpu.memory_space<vmem_shared>>
      %dma_start3A_85 = arith.constant 0 : i32
      %dma_start3A_86 = tpu.memref_slice %arg10[%add3A_5, %dma_start3A_85] : memref<10240x128xf32, #tpu.memory_space<vmem_shared>> -> memref<128x128xf32, #tpu.memory_space<vmem_shared>>
      tpu.enqueue_dma source(%arg8 : memref<128x128xf32, #tpu.memory_space<vmem>>) target(%dma_start3A_86 : memref<128x128xf32, #tpu.memory_space<vmem_shared>>) target_semaphore(%run_scoped3A_82 : memref<!tpu.dma_semaphore, #tpu.memory_space<semaphore_mem>>)
      %dma_wait3A_87 = arith.constant 0 : i32
      %dma_wait3A_88 = tpu.memref_slice %arg10[%add3A_5, %dma_wait3A_87] : memref<10240x128xf32, #tpu.memory_space<vmem_shared>> -> memref<128x128xf32, #tpu.memory_space<vmem_shared>>
      %dma_wait3A_89 = arith.constant 0 : i32
      %dma_wait3A_90 = tpu.memref_slice %arg10[%add3A_5, %dma_wait3A_89] : memref<10240x128xf32, #tpu.memory_space<vmem_shared>> -> memref<128x128xf32, #tpu.memory_space<vmem_shared>>
      tpu.wait_dma2 semaphore(%run_scoped3A_82 : memref<!tpu.dma_semaphore, #tpu.memory_space<semaphore_mem>>) src(%arg8 : memref<128x128xf32, #tpu.memory_space<vmem>>) dst(%dma_wait3A_90 : memref<128x128xf32, #tpu.memory_space<vmem_shared>>)
      tpu.yield
    }) : () -> ()
    %add3A_6 = arith.constant 128 : i32
    %add3A_7 = arith.addi %mul3A_0, %add3A_6 : i32
    "tpu.region"() ({
      %run_scoped3A_82 = tpu.sem_alloc : memref<!tpu.dma_semaphore, #tpu.memory_space<semaphore_mem>>
      %dma_start3A_83 = arith.constant 0 : i32
      %dma_start3A_84 = tpu.memref_slice %arg10[%add3A_7, %dma_start3A_83] : memref<10240x128xf32, #tpu.memory_space<vmem_shared>> -> memref<128x128xf32, #tpu.memory_space<vmem_shared>>
      %dma_start3A_85 = arith.constant 0 : i32
      %dma_start3A_86 = tpu.memref_slice %arg10[%add3A_7, %dma_start3A_85] : memref<10240x128xf32, #tpu.memory_space<vmem_shared>> -> memref<128x128xf32, #tpu.memory_space<vmem_shared>>
      tpu.enqueue_dma source(%arg8 : memref<128x128xf32, #tpu.memory_space<vmem>>) target(%dma_start3A_86 : memref<128x128xf32, #tpu.memory_space<vmem_shared>>) target_semaphore(%run_scoped3A_82 : memref<!tpu.dma_semaphore, #tpu.memory_space<semaphore_mem>>)
      %dma_wait3A_87 = arith.constant 0 : i32
      %dma_wait3A_88 = tpu.memref_slice %arg10[%add3A_7, %dma_wait3A_87] : memref<10240x128xf32, #tpu.memory_space<vmem_shared>> -> memref<128x128xf32, #tpu.memory_space<vmem_shared>>
      %dma_wait3A_89 = arith.constant 0 : i32
      %dma_wait3A_90 = tpu.memref_slice %arg10[%add3A_7, %dma_wait3A_89] : memref<10240x128xf32, #tpu.memory_space<vmem_shared>> -> memref<128x128xf32, #tpu.memory_space<vmem_shared>>
      tpu.wait_dma2 semaphore(%run_scoped3A_82 : memref<!tpu.dma_semaphore, #tpu.memory_space<semaphore_mem>>) src(%arg8 : memref<128x128xf32, #tpu.memory_space<vmem>>) dst(%dma_wait3A_90 : memref<128x128xf32, #tpu.memory_space<vmem_shared>>)
      tpu.yield
    }) : () -> ()
    %add3A_8 = arith.constant 256 : i32
    %add3A_9 = arith.addi %mul3A_0, %add3A_8 : i32
    "tpu.region"() ({
      %run_scoped3A_82 = tpu.sem_alloc : memref<!tpu.dma_semaphore, #tpu.memory_space<semaphore_mem>>
      %dma_start3A_83 = arith.constant 0 : i32
      %dma_start3A_84 = tpu.memref_slice %arg10[%add3A_9, %dma_start3A_83] : memref<10240x128xf32, #tpu.memory_space<vmem_shared>> -> memref<128x128xf32, #tpu.memory_space<vmem_shared>>
      %dma_start3A_85 = arith.constant 0 : i32
      %dma_start3A_86 = tpu.memref_slice %arg10[%add3A_9, %dma_start3A_85] : memref<10240x128xf32, #tpu.memory_space<vmem_shared>> -> memref<128x128xf32, #tpu.memory_space<vmem_shared>>
      tpu.enqueue_dma source(%arg8 : memref<128x128xf32, #tpu.memory_space<vmem>>) target(%dma_start3A_86 : memref<128x128xf32, #tpu.memory_space<vmem_shared>>) target_semaphore(%run_scoped3A_82 : memref<!tpu.dma_semaphore, #tpu.memory_space<semaphore_mem>>)
      %dma_wait3A_87 = arith.constant 0 : i32
      %dma_wait3A_88 = tpu.memref_slice %arg10[%add3A_9, %dma_wait3A_87] : memref<10240x128xf32, #tpu.memory_space<vmem_shared>> -> memref<128x128xf32, #tpu.memory_space<vmem_shared>>
      %dma_wait3A_89 = arith.constant 0 : i32
      %dma_wait3A_90 = tpu.memref_slice %arg10[%add3A_9, %dma_wait3A_89] : memref<10240x128xf32, #tpu.memory_space<vmem_shared>> -> memref<128x128xf32, #tpu.memory_space<vmem_shared>>
      tpu.wait_dma2 semaphore(%run_scoped3A_82 : memref<!tpu.dma_semaphore, #tpu.memory_space<semaphore_mem>>) src(%arg8 : memref<128x128xf32, #tpu.memory_space<vmem>>) dst(%dma_wait3A_90 : memref<128x128xf32, #tpu.memory_space<vmem_shared>>)
      tpu.yield
    }) : () -> ()
    %add3A_10 = arith.constant 384 : i32
    %add3A_11 = arith.addi %mul3A_0, %add3A_10 : i32
    "tpu.region"() ({
      %run_scoped3A_82 = tpu.sem_alloc : memref<!tpu.dma_semaphore, #tpu.memory_space<semaphore_mem>>
      %dma_start3A_83 = arith.constant 0 : i32
      %dma_start3A_84 = tpu.memref_slice %arg10[%add3A_11, %dma_start3A_83] : memref<10240x128xf32, #tpu.memory_space<vmem_shared>> -> memref<128x128xf32, #tpu.memory_space<vmem_shared>>
      %dma_start3A_85 = arith.constant 0 : i32
      %dma_start3A_86 = tpu.memref_slice %arg10[%add3A_11, %dma_start3A_85] : memref<10240x128xf32, #tpu.memory_space<vmem_shared>> -> memref<128x128xf32, #tpu.memory_space<vmem_shared>>
      tpu.enqueue_dma source(%arg8 : memref<128x128xf32, #tpu.memory_space<vmem>>) target(%dma_start3A_86 : memref<128x128xf32, #tpu.memory_space<vmem_shared>>) target_semaphore(%run_scoped3A_82 : memref<!tpu.dma_semaphore, #tpu.memory_space<semaphore_mem>>)
      %dma_wait3A_87 = arith.constant 0 : i32
      %dma_wait3A_88 = tpu.memref_slice %arg10[%add3A_11, %dma_wait3A_87] : memref<10240x128xf32, #tpu.memory_space<vmem_shared>> -> memref<128x128xf32, #tpu.memory_space<vmem_shared>>
      %dma_wait3A_89 = arith.constant 0 : i32
      %dma_wait3A_90 = tpu.memref_slice %arg10[%add3A_11, %dma_wait3A_89] : memref<10240x128xf32, #tpu.memory_space<vmem_shared>> -> memref<128x128xf32, #tpu.memory_space<vmem_shared>>
      tpu.wait_dma2 semaphore(%run_scoped3A_82 : memref<!tpu.dma_semaphore, #tpu.memory_space<semaphore_mem>>) src(%arg8 : memref<128x128xf32, #tpu.memory_space<vmem>>) dst(%dma_wait3A_90 : memref<128x128xf32, #tpu.memory_space<vmem_shared>>)
      tpu.yield
    }) : () -> ()
    %add3A_12 = arith.constant 512 : i32
    %add3A_13 = arith.addi %mul3A_0, %add3A_12 : i32
    "tpu.region"() ({
      %run_scoped3A_82 = tpu.sem_alloc : memref<!tpu.dma_semaphore, #tpu.memory_space<semaphore_mem>>
      %dma_start3A_83 = arith.constant 0 : i32
      %dma_start3A_84 = tpu.memref_slice %arg10[%add3A_13, %dma_start3A_83] : memref<10240x128xf32, #tpu.memory_space<vmem_shared>> -> memref<128x128xf32, #tpu.memory_space<vmem_shared>>
      %dma_start3A_85 = arith.constant 0 : i32
      %dma_start3A_86 = tpu.memref_slice %arg10[%add3A_13, %dma_start3A_85] : memref<10240x128xf32, #tpu.memory_space<vmem_shared>> -> memref<128x128xf32, #tpu.memory_space<vmem_shared>>
      tpu.enqueue_dma source(%arg8 : memref<128x128xf32, #tpu.memory_space<vmem>>) target(%dma_start3A_86 : memref<128x128xf32, #tpu.memory_space<vmem_shared>>) target_semaphore(%run_scoped3A_82 : memref<!tpu.dma_semaphore, #tpu.memory_space<semaphore_mem>>)
      %dma_wait3A_87 = arith.constant 0 : i32
      %dma_wait3A_88 = tpu.memref_slice %arg10[%add3A_13, %dma_wait3A_87] : memref<10240x128xf32, #tpu.memory_space<vmem_shared>> -> memref<128x128xf32, #tpu.memory_space<vmem_shared>>
      %dma_wait3A_89 = arith.constant 0 : i32
      %dma_wait3A_90 = tpu.memref_slice %arg10[%add3A_13, %dma_wait3A_89] : memref<10240x128xf32, #tpu.memory_space<vmem_shared>> -> memref<128x128xf32, #tpu.memory_space<vmem_shared>>
      tpu.wait_dma2 semaphore(%run_scoped3A_82 : memref<!tpu.dma_semaphore, #tpu.memory_space<semaphore_mem>>) src(%arg8 : memref<128x128xf32, #tpu.memory_space<vmem>>) dst(%dma_wait3A_90 : memref<128x128xf32, #tpu.memory_space<vmem_shared>>)
      tpu.yield
    }) : () -> ()
    %barrier3A = arith.constant 0 : index
    tpu.barrier barrier_id(%barrier3A)
    "tpu.region"() ({
      %run_scoped3A_82 = tpu.sem_alloc : memref<!tpu.dma_semaphore, #tpu.memory_space<semaphore_mem>>
      %dma_start3A_83 = arith.constant 0 : i32
      %dma_start3A_84 = arith.constant 0 : i32
      %dma_start3A_85 = tpu.memref_slice %arg3[%arg0, %arg1, %dma_start3A_83, %dma_start3A_84] : memref<2x16x80x128xi32, #tpu.memory_space<hbm>> -> memref<1x1x40x128xi32, #tpu.memory_space<hbm>>
      %dma_start3A_86 = tpu.memref_squeeze %dma_start3A_85 : memref<1x1x40x128xi32, #tpu.memory_space<hbm>> -> memref<40x128xi32, #tpu.memory_space<hbm>>
      %dma_start3A_87 = arith.constant 0 : i32
      %dma_start3A_88 = arith.constant 0 : i32
      %dma_start3A_89 = tpu.memref_slice %arg3[%arg0, %arg1, %dma_start3A_87, %dma_start3A_88] : memref<2x16x80x128xi32, #tpu.memory_space<hbm>> -> memref<1x1x40x128xi32, #tpu.memory_space<hbm>>
      %dma_start3A_90 = tpu.memref_squeeze %dma_start3A_89 : memref<1x1x40x128xi32, #tpu.memory_space<hbm>> -> memref<40x128xi32, #tpu.memory_space<hbm>>
      tpu.enqueue_dma source(%dma_start3A_90 : memref<40x128xi32, #tpu.memory_space<hbm>>) target(%arg6 : memref<40x128xi32, #tpu.memory_space<vmem>>) target_semaphore(%run_scoped3A_82 : memref<!tpu.dma_semaphore, #tpu.memory_space<semaphore_mem>>)
      %dma_wait3A_91 = arith.constant 0 : i32
      %dma_wait3A_92 = arith.constant 0 : i32
      %dma_wait3A_93 = tpu.memref_slice %arg3[%arg0, %arg1, %dma_wait3A_91, %dma_wait3A_92] : memref<2x16x80x128xi32, #tpu.memory_space<hbm>> -> memref<1x1x40x128xi32, #tpu.memory_space<hbm>>
      %dma_wait3A_94 = tpu.memref_squeeze %dma_wait3A_93 : memref<1x1x40x128xi32, #tpu.memory_space<hbm>> -> memref<40x128xi32, #tpu.memory_space<hbm>>
      %dma_wait3A_95 = arith.constant 0 : i32
      %dma_wait3A_96 = arith.constant 0 : i32
      %dma_wait3A_97 = tpu.memref_slice %arg3[%arg0, %arg1, %dma_wait3A_95, %dma_wait3A_96] : memref<2x16x80x128xi32, #tpu.memory_space<hbm>> -> memref<1x1x40x128xi32, #tpu.memory_space<hbm>>
      %dma_wait3A_98 = tpu.memref_squeeze %dma_wait3A_97 : memref<1x1x40x128xi32, #tpu.memory_space<hbm>> -> memref<40x128xi32, #tpu.memory_space<hbm>>
      tpu.wait_dma2 semaphore(%run_scoped3A_82 : memref<!tpu.dma_semaphore, #tpu.memory_space<semaphore_mem>>) src(%dma_wait3A_98 : memref<40x128xi32, #tpu.memory_space<hbm>>) dst(%arg6 : memref<40x128xi32, #tpu.memory_space<vmem>>)
      tpu.yield
    }) : () -> ()
    "tpu.region"() ({
      %run_scoped3A_82 = tpu.sem_alloc : memref<!tpu.dma_semaphore, #tpu.memory_space<semaphore_mem>>
      %dma_start3A_83 = arith.constant 0 : i32
      %dma_start3A_84 = arith.constant 0 : i32
      %dma_start3A_85 = tpu.memref_slice %arg4[%arg0, %arg1, %dma_start3A_83, %dma_start3A_84] : memref<2x16x80x128xi32, #tpu.memory_space<hbm>> -> memref<1x1x40x128xi32, #tpu.memory_space<hbm>>
      %dma_start3A_86 = tpu.memref_squeeze %dma_start3A_85 : memref<1x1x40x128xi32, #tpu.memory_space<hbm>> -> memref<40x128xi32, #tpu.memory_space<hbm>>
      %dma_start3A_87 = arith.constant 0 : i32
      %dma_start3A_88 = arith.constant 0 : i32
      %dma_start3A_89 = tpu.memref_slice %arg4[%arg0, %arg1, %dma_start3A_87, %dma_start3A_88] : memref<2x16x80x128xi32, #tpu.memory_space<hbm>> -> memref<1x1x40x128xi32, #tpu.memory_space<hbm>>
      %dma_start3A_90 = tpu.memref_squeeze %dma_start3A_89 : memref<1x1x40x128xi32, #tpu.memory_space<hbm>> -> memref<40x128xi32, #tpu.memory_space<hbm>>
      tpu.enqueue_dma source(%dma_start3A_90 : memref<40x128xi32, #tpu.memory_space<hbm>>) target(%arg7 : memref<40x128xi32, #tpu.memory_space<vmem>>) target_semaphore(%run_scoped3A_82 : memref<!tpu.dma_semaphore, #tpu.memory_space<semaphore_mem>>)
      %dma_wait3A_91 = arith.constant 0 : i32
      %dma_wait3A_92 = arith.constant 0 : i32
      %dma_wait3A_93 = tpu.memref_slice %arg4[%arg0, %arg1, %dma_wait3A_91, %dma_wait3A_92] : memref<2x16x80x128xi32, #tpu.memory_space<hbm>> -> memref<1x1x40x128xi32, #tpu.memory_space<hbm>>
      %dma_wait3A_94 = tpu.memref_squeeze %dma_wait3A_93 : memref<1x1x40x128xi32, #tpu.memory_space<hbm>> -> memref<40x128xi32, #tpu.memory_space<hbm>>
      %dma_wait3A_95 = arith.constant 0 : i32
      %dma_wait3A_96 = arith.constant 0 : i32
      %dma_wait3A_97 = tpu.memref_slice %arg4[%arg0, %arg1, %dma_wait3A_95, %dma_wait3A_96] : memref<2x16x80x128xi32, #tpu.memory_space<hbm>> -> memref<1x1x40x128xi32, #tpu.memory_space<hbm>>
      %dma_wait3A_98 = tpu.memref_squeeze %dma_wait3A_97 : memref<1x1x40x128xi32, #tpu.memory_space<hbm>> -> memref<40x128xi32, #tpu.memory_space<hbm>>
      tpu.wait_dma2 semaphore(%run_scoped3A_82 : memref<!tpu.dma_semaphore, #tpu.memory_space<semaphore_mem>>) src(%dma_wait3A_98 : memref<40x128xi32, #tpu.memory_space<hbm>>) dst(%arg7 : memref<40x128xi32, #tpu.memory_space<vmem>>)
      tpu.yield
    }) : () -> ()
    %dma_start3A = arith.constant 0 : i32
    %dma_start3A_14 = arith.constant 0 : i32
    %dma_start3A_15 = tpu.memref_slice %arg6[%dma_start3A, %dma_start3A_14] : memref<40x128xi32, #tpu.memory_space<vmem>> -> memref<1x128xi32, #tpu.memory_space<vmem>>
    %dma_start3A_16 = tpu.memref_squeeze %dma_start3A_15 : memref<1x128xi32, #tpu.memory_space<vmem>> -> memref<128xi32, #tpu.memory_space<vmem>>
    %dma_start3A_17 = arith.constant 0 : i32
    %dma_start3A_18 = arith.constant 0 : i32
    %dma_start3A_19 = tpu.memref_slice %arg2[%dma_start3A_17, %dma_start3A_18] : memref<20480x128xf32, #tpu.memory_space<hbm>> -> memref<20480x128xf32, #tpu.memory_space<hbm>>
    tpu.enqueue_indirect_dma source(%dma_start3A_19 : memref<20480x128xf32, #tpu.memory_space<hbm>>) target(%arg8 : memref<128x128xf32, #tpu.memory_space<vmem>>) offsets(%dma_start3A_16 : memref<128xi32, #tpu.memory_space<vmem>>) semaphore(%arg11 : memref<!tpu.dma_semaphore, #tpu.memory_space<semaphore_mem>>)
    %scan3A_20 = arith.constant 0 : i32
    %scan3A_21 = arith.constant 19 : i32
    %scan3A_22 = arith.addi %scan3A_20, %scan3A_21 : i32
    %scan3A_23 = arith.constant 1 : i32
    scf.for %scan3A_82 = %scan3A_20 to %scan3A_22 step %scan3A_23  : i32 {
      %mul3A_83 = arith.constant 1 : i32
      %mul3A_84 = arith.muli %scan3A_82, %mul3A_83 : i32
      %add3A_85 = arith.constant 0 : i32
      %add3A_86 = arith.addi %add3A_85, %mul3A_84 : i32
      %mul3A_87 = arith.constant 2 : i32
      %mul3A_88 = arith.muli %mul3A_87, %add3A_86 : i32
      %add3A_89 = arith.constant 1 : i32
      %add3A_90 = arith.addi %mul3A_88, %add3A_89 : i32
      %dma_start3A_91 = arith.constant 0 : i32
      %dma_start3A_92 = tpu.memref_slice %arg6[%add3A_90, %dma_start3A_91] : memref<40x128xi32, #tpu.memory_space<vmem>> -> memref<1x128xi32, #tpu.memory_space<vmem>>
      %dma_start3A_93 = tpu.memref_squeeze %dma_start3A_92 : memref<1x128xi32, #tpu.memory_space<vmem>> -> memref<128xi32, #tpu.memory_space<vmem>>
      %dma_start3A_94 = arith.constant 0 : i32
      %dma_start3A_95 = arith.constant 0 : i32
      %dma_start3A_96 = tpu.memref_slice %arg2[%dma_start3A_94, %dma_start3A_95] : memref<20480x128xf32, #tpu.memory_space<hbm>> -> memref<20480x128xf32, #tpu.memory_space<hbm>>
      tpu.enqueue_indirect_dma source(%dma_start3A_96 : memref<20480x128xf32, #tpu.memory_space<hbm>>) target(%arg9 : memref<128x128xf32, #tpu.memory_space<vmem>>) offsets(%dma_start3A_93 : memref<128xi32, #tpu.memory_space<vmem>>) semaphore(%arg12 : memref<!tpu.dma_semaphore, #tpu.memory_space<semaphore_mem>>)
      %dma_wait3A_97 = arith.constant 0 : i32
      %dma_wait3A_98 = tpu.memref_slice %arg6[%mul3A_88, %dma_wait3A_97] : memref<40x128xi32, #tpu.memory_space<vmem>> -> memref<1x128xi32, #tpu.memory_space<vmem>>
      %dma_wait3A_99 = tpu.memref_squeeze %dma_wait3A_98 : memref<1x128xi32, #tpu.memory_space<vmem>> -> memref<128xi32, #tpu.memory_space<vmem>>
      %dma_wait3A_100 = arith.constant 0 : i32
      %dma_wait3A_101 = arith.constant 0 : i32
      %dma_wait3A_102 = tpu.memref_slice %arg2[%dma_wait3A_100, %dma_wait3A_101] : memref<20480x128xf32, #tpu.memory_space<hbm>> -> memref<20480x128xf32, #tpu.memory_space<hbm>>
      tpu.wait_indirect_dma semaphore(%arg11 : memref<!tpu.dma_semaphore, #tpu.memory_space<semaphore_mem>>) src(%dma_wait3A_102 : memref<20480x128xf32, #tpu.memory_space<hbm>>) dst(%arg8 : memref<128x128xf32, #tpu.memory_space<vmem>>)
      "tpu.region"() ({
        %run_scoped3A_121 = tpu.sem_alloc : memref<!tpu.dma_semaphore, #tpu.memory_space<semaphore_mem>>
        %dma_start3A_122 = arith.constant 0 : i32
        %dma_start3A_123 = tpu.memref_slice %arg7[%mul3A_88, %dma_start3A_122] : memref<40x128xi32, #tpu.memory_space<vmem>> -> memref<1x128xi32, #tpu.memory_space<vmem>>
        %dma_start3A_124 = tpu.memref_squeeze %dma_start3A_123 : memref<1x128xi32, #tpu.memory_space<vmem>> -> memref<128xi32, #tpu.memory_space<vmem>>
        %dma_start3A_125 = arith.constant 0 : i32
        %dma_start3A_126 = arith.constant 0 : i32
        %dma_start3A_127 = tpu.memref_slice %arg10[%dma_start3A_125, %dma_start3A_126] : memref<10240x128xf32, #tpu.memory_space<vmem_shared>> -> memref<10240x128xf32, #tpu.memory_space<vmem_shared>>
        tpu.enqueue_indirect_dma source(%arg8 : memref<128x128xf32, #tpu.memory_space<vmem>>) target(%dma_start3A_127 : memref<10240x128xf32, #tpu.memory_space<vmem_shared>>) offsets(%dma_start3A_124 : memref<128xi32, #tpu.memory_space<vmem>>) semaphore(%run_scoped3A_121 : memref<!tpu.dma_semaphore, #tpu.memory_space<semaphore_mem>>) {add = true}
        %dma_wait3A_128 = arith.constant 0 : i32
        %dma_wait3A_129 = tpu.memref_slice %arg7[%mul3A_88, %dma_wait3A_128] : memref<40x128xi32, #tpu.memory_space<vmem>> -> memref<1x128xi32, #tpu.memory_space<vmem>>
        %dma_wait3A_130 = tpu.memref_squeeze %dma_wait3A_129 : memref<1x128xi32, #tpu.memory_space<vmem>> -> memref<128xi32, #tpu.memory_space<vmem>>
        %dma_wait3A_131 = arith.constant 0 : i32
        %dma_wait3A_132 = arith.constant 0 : i32
        %dma_wait3A_133 = tpu.memref_slice %arg10[%dma_wait3A_131, %dma_wait3A_132] : memref<10240x128xf32, #tpu.memory_space<vmem_shared>> -> memref<10240x128xf32, #tpu.memory_space<vmem_shared>>
        tpu.wait_indirect_dma semaphore(%run_scoped3A_121 : memref<!tpu.dma_semaphore, #tpu.memory_space<semaphore_mem>>) src(%arg8 : memref<128x128xf32, #tpu.memory_space<vmem>>) dst(%dma_wait3A_133 : memref<10240x128xf32, #tpu.memory_space<vmem_shared>>)
        tpu.yield
      }) : () -> ()
      %add3A_103 = arith.constant 2 : i32
      %add3A_104 = arith.addi %mul3A_88, %add3A_103 : i32
      %dma_start3A_105 = arith.constant 0 : i32
      %dma_start3A_106 = tpu.memref_slice %arg6[%add3A_104, %dma_start3A_105] : memref<40x128xi32, #tpu.memory_space<vmem>> -> memref<1x128xi32, #tpu.memory_space<vmem>>
      %dma_start3A_107 = tpu.memref_squeeze %dma_start3A_106 : memref<1x128xi32, #tpu.memory_space<vmem>> -> memref<128xi32, #tpu.memory_space<vmem>>
      %dma_start3A_108 = arith.constant 0 : i32
      %dma_start3A_109 = arith.constant 0 : i32
      %dma_start3A_110 = tpu.memref_slice %arg2[%dma_start3A_108, %dma_start3A_109] : memref<20480x128xf32, #tpu.memory_space<hbm>> -> memref<20480x128xf32, #tpu.memory_space<hbm>>
      tpu.enqueue_indirect_dma source(%dma_start3A_110 : memref<20480x128xf32, #tpu.memory_space<hbm>>) target(%arg8 : memref<128x128xf32, #tpu.memory_space<vmem>>) offsets(%dma_start3A_107 : memref<128xi32, #tpu.memory_space<vmem>>) semaphore(%arg11 : memref<!tpu.dma_semaphore, #tpu.memory_space<semaphore_mem>>)
      %add3A_111 = arith.constant 1 : i32
      %add3A_112 = arith.addi %mul3A_88, %add3A_111 : i32
      %dma_wait3A_113 = arith.constant 0 : i32
      %dma_wait3A_114 = tpu.memref_slice %arg6[%add3A_112, %dma_wait3A_113] : memref<40x128xi32, #tpu.memory_space<vmem>> -> memref<1x128xi32, #tpu.memory_space<vmem>>
      %dma_wait3A_115 = tpu.memref_squeeze %dma_wait3A_114 : memref<1x128xi32, #tpu.memory_space<vmem>> -> memref<128xi32, #tpu.memory_space<vmem>>
      %dma_wait3A_116 = arith.constant 0 : i32
      %dma_wait3A_117 = arith.constant 0 : i32
      %dma_wait3A_118 = tpu.memref_slice %arg2[%dma_wait3A_116, %dma_wait3A_117] : memref<20480x128xf32, #tpu.memory_space<hbm>> -> memref<20480x128xf32, #tpu.memory_space<hbm>>
      tpu.wait_indirect_dma semaphore(%arg12 : memref<!tpu.dma_semaphore, #tpu.memory_space<semaphore_mem>>) src(%dma_wait3A_118 : memref<20480x128xf32, #tpu.memory_space<hbm>>) dst(%arg9 : memref<128x128xf32, #tpu.memory_space<vmem>>)
      %add3A_119 = arith.constant 1 : i32
      %add3A_120 = arith.addi %mul3A_88, %add3A_119 : i32
      "tpu.region"() ({
        %run_scoped3A_121 = tpu.sem_alloc : memref<!tpu.dma_semaphore, #tpu.memory_space<semaphore_mem>>
        %dma_start3A_122 = arith.constant 0 : i32
        %dma_start3A_123 = tpu.memref_slice %arg7[%add3A_120, %dma_start3A_122] : memref<40x128xi32, #tpu.memory_space<vmem>> -> memref<1x128xi32, #tpu.memory_space<vmem>>
        %dma_start3A_124 = tpu.memref_squeeze %dma_start3A_123 : memref<1x128xi32, #tpu.memory_space<vmem>> -> memref<128xi32, #tpu.memory_space<vmem>>
        %dma_start3A_125 = arith.constant 0 : i32
        %dma_start3A_126 = arith.constant 0 : i32
        %dma_start3A_127 = tpu.memref_slice %arg10[%dma_start3A_125, %dma_start3A_126] : memref<10240x128xf32, #tpu.memory_space<vmem_shared>> -> memref<10240x128xf32, #tpu.memory_space<vmem_shared>>
        tpu.enqueue_indirect_dma source(%arg9 : memref<128x128xf32, #tpu.memory_space<vmem>>) target(%dma_start3A_127 : memref<10240x128xf32, #tpu.memory_space<vmem_shared>>) offsets(%dma_start3A_124 : memref<128xi32, #tpu.memory_space<vmem>>) semaphore(%run_scoped3A_121 : memref<!tpu.dma_semaphore, #tpu.memory_space<semaphore_mem>>) {add = true}
        %dma_wait3A_128 = arith.constant 0 : i32
        %dma_wait3A_129 = tpu.memref_slice %arg7[%add3A_120, %dma_wait3A_128] : memref<40x128xi32, #tpu.memory_space<vmem>> -> memref<1x128xi32, #tpu.memory_space<vmem>>
        %dma_wait3A_130 = tpu.memref_squeeze %dma_wait3A_129 : memref<1x128xi32, #tpu.memory_space<vmem>> -> memref<128xi32, #tpu.memory_space<vmem>>
        %dma_wait3A_131 = arith.constant 0 : i32
        %dma_wait3A_132 = arith.constant 0 : i32
        %dma_wait3A_133 = tpu.memref_slice %arg10[%dma_wait3A_131, %dma_wait3A_132] : memref<10240x128xf32, #tpu.memory_space<vmem_shared>> -> memref<10240x128xf32, #tpu.memory_space<vmem_shared>>
        tpu.wait_indirect_dma semaphore(%run_scoped3A_121 : memref<!tpu.dma_semaphore, #tpu.memory_space<semaphore_mem>>) src(%arg9 : memref<128x128xf32, #tpu.memory_space<vmem>>) dst(%dma_wait3A_133 : memref<10240x128xf32, #tpu.memory_space<vmem_shared>>)
        tpu.yield
      }) : () -> ()
    }
    %scan3A_24 = arith.constant 19 : i32
    %dma_start3A_25 = arith.constant 39 : i32
    %dma_start3A_26 = arith.constant 0 : i32
    %dma_start3A_27 = tpu.memref_slice %arg6[%dma_start3A_25, %dma_start3A_26] : memref<40x128xi32, #tpu.memory_space<vmem>> -> memref<1x128xi32, #tpu.memory_space<vmem>>
    %dma_start3A_28 = tpu.memref_squeeze %dma_start3A_27 : memref<1x128xi32, #tpu.memory_space<vmem>> -> memref<128xi32, #tpu.memory_space<vmem>>
    %dma_start3A_29 = arith.constant 0 : i32
    %dma_start3A_30 = arith.constant 0 : i32
    %dma_start3A_31 = tpu.memref_slice %arg2[%dma_start3A_29, %dma_start3A_30] : memref<20480x128xf32, #tpu.memory_space<hbm>> -> memref<20480x128xf32, #tpu.memory_space<hbm>>
    tpu.enqueue_indirect_dma source(%dma_start3A_31 : memref<20480x128xf32, #tpu.memory_space<hbm>>) target(%arg9 : memref<128x128xf32, #tpu.memory_space<vmem>>) offsets(%dma_start3A_28 : memref<128xi32, #tpu.memory_space<vmem>>) semaphore(%arg12 : memref<!tpu.dma_semaphore, #tpu.memory_space<semaphore_mem>>)
    %dma_wait3A = arith.constant 38 : i32
    %dma_wait3A_32 = arith.constant 0 : i32
    %dma_wait3A_33 = tpu.memref_slice %arg6[%dma_wait3A, %dma_wait3A_32] : memref<40x128xi32, #tpu.memory_space<vmem>> -> memref<1x128xi32, #tpu.memory_space<vmem>>
    %dma_wait3A_34 = tpu.memref_squeeze %dma_wait3A_33 : memref<1x128xi32, #tpu.memory_space<vmem>> -> memref<128xi32, #tpu.memory_space<vmem>>
    %dma_wait3A_35 = arith.constant 0 : i32
    %dma_wait3A_36 = arith.constant 0 : i32
    %dma_wait3A_37 = tpu.memref_slice %arg2[%dma_wait3A_35, %dma_wait3A_36] : memref<20480x128xf32, #tpu.memory_space<hbm>> -> memref<20480x128xf32, #tpu.memory_space<hbm>>
    tpu.wait_indirect_dma semaphore(%arg11 : memref<!tpu.dma_semaphore, #tpu.memory_space<semaphore_mem>>) src(%dma_wait3A_37 : memref<20480x128xf32, #tpu.memory_space<hbm>>) dst(%arg8 : memref<128x128xf32, #tpu.memory_space<vmem>>)
    %run_scoped3A = arith.constant 38 : i32
    "tpu.region"() ({
      %run_scoped3A_82 = tpu.sem_alloc : memref<!tpu.dma_semaphore, #tpu.memory_space<semaphore_mem>>
      %dma_start3A_83 = arith.constant 0 : i32
      %dma_start3A_84 = tpu.memref_slice %arg7[%run_scoped3A, %dma_start3A_83] : memref<40x128xi32, #tpu.memory_space<vmem>> -> memref<1x128xi32, #tpu.memory_space<vmem>>
      %dma_start3A_85 = tpu.memref_squeeze %dma_start3A_84 : memref<1x128xi32, #tpu.memory_space<vmem>> -> memref<128xi32, #tpu.memory_space<vmem>>
      %dma_start3A_86 = arith.constant 0 : i32
      %dma_start3A_87 = arith.constant 0 : i32
      %dma_start3A_88 = tpu.memref_slice %arg10[%dma_start3A_86, %dma_start3A_87] : memref<10240x128xf32, #tpu.memory_space<vmem_shared>> -> memref<10240x128xf32, #tpu.memory_space<vmem_shared>>
      tpu.enqueue_indirect_dma source(%arg8 : memref<128x128xf32, #tpu.memory_space<vmem>>) target(%dma_start3A_88 : memref<10240x128xf32, #tpu.memory_space<vmem_shared>>) offsets(%dma_start3A_85 : memref<128xi32, #tpu.memory_space<vmem>>) semaphore(%run_scoped3A_82 : memref<!tpu.dma_semaphore, #tpu.memory_space<semaphore_mem>>) {add = true}
      %dma_wait3A_89 = arith.constant 0 : i32
      %dma_wait3A_90 = tpu.memref_slice %arg7[%run_scoped3A, %dma_wait3A_89] : memref<40x128xi32, #tpu.memory_space<vmem>> -> memref<1x128xi32, #tpu.memory_space<vmem>>
      %dma_wait3A_91 = tpu.memref_squeeze %dma_wait3A_90 : memref<1x128xi32, #tpu.memory_space<vmem>> -> memref<128xi32, #tpu.memory_space<vmem>>
      %dma_wait3A_92 = arith.constant 0 : i32
      %dma_wait3A_93 = arith.constant 0 : i32
      %dma_wait3A_94 = tpu.memref_slice %arg10[%dma_wait3A_92, %dma_wait3A_93] : memref<10240x128xf32, #tpu.memory_space<vmem_shared>> -> memref<10240x128xf32, #tpu.memory_space<vmem_shared>>
      tpu.wait_indirect_dma semaphore(%run_scoped3A_82 : memref<!tpu.dma_semaphore, #tpu.memory_space<semaphore_mem>>) src(%arg8 : memref<128x128xf32, #tpu.memory_space<vmem>>) dst(%dma_wait3A_94 : memref<10240x128xf32, #tpu.memory_space<vmem_shared>>)
      tpu.yield
    }) : () -> ()
    %dma_wait3A_38 = arith.constant 39 : i32
    %dma_wait3A_39 = arith.constant 0 : i32
    %dma_wait3A_40 = tpu.memref_slice %arg6[%dma_wait3A_38, %dma_wait3A_39] : memref<40x128xi32, #tpu.memory_space<vmem>> -> memref<1x128xi32, #tpu.memory_space<vmem>>
    %dma_wait3A_41 = tpu.memref_squeeze %dma_wait3A_40 : memref<1x128xi32, #tpu.memory_space<vmem>> -> memref<128xi32, #tpu.memory_space<vmem>>
    %dma_wait3A_42 = arith.constant 0 : i32
    %dma_wait3A_43 = arith.constant 0 : i32
    %dma_wait3A_44 = tpu.memref_slice %arg2[%dma_wait3A_42, %dma_wait3A_43] : memref<20480x128xf32, #tpu.memory_space<hbm>> -> memref<20480x128xf32, #tpu.memory_space<hbm>>
    tpu.wait_indirect_dma semaphore(%arg12 : memref<!tpu.dma_semaphore, #tpu.memory_space<semaphore_mem>>) src(%dma_wait3A_44 : memref<20480x128xf32, #tpu.memory_space<hbm>>) dst(%arg9 : memref<128x128xf32, #tpu.memory_space<vmem>>)
    %run_scoped3A_45 = arith.constant 39 : i32
    "tpu.region"() ({
      %run_scoped3A_82 = tpu.sem_alloc : memref<!tpu.dma_semaphore, #tpu.memory_space<semaphore_mem>>
      %dma_start3A_83 = arith.constant 0 : i32
      %dma_start3A_84 = tpu.memref_slice %arg7[%run_scoped3A_45, %dma_start3A_83] : memref<40x128xi32, #tpu.memory_space<vmem>> -> memref<1x128xi32, #tpu.memory_space<vmem>>
      %dma_start3A_85 = tpu.memref_squeeze %dma_start3A_84 : memref<1x128xi32, #tpu.memory_space<vmem>> -> memref<128xi32, #tpu.memory_space<vmem>>
      %dma_start3A_86 = arith.constant 0 : i32
      %dma_start3A_87 = arith.constant 0 : i32
      %dma_start3A_88 = tpu.memref_slice %arg10[%dma_start3A_86, %dma_start3A_87] : memref<10240x128xf32, #tpu.memory_space<vmem_shared>> -> memref<10240x128xf32, #tpu.memory_space<vmem_shared>>
      tpu.enqueue_indirect_dma source(%arg9 : memref<128x128xf32, #tpu.memory_space<vmem>>) target(%dma_start3A_88 : memref<10240x128xf32, #tpu.memory_space<vmem_shared>>) offsets(%dma_start3A_85 : memref<128xi32, #tpu.memory_space<vmem>>) semaphore(%run_scoped3A_82 : memref<!tpu.dma_semaphore, #tpu.memory_space<semaphore_mem>>) {add = true}
      %dma_wait3A_89 = arith.constant 0 : i32
      %dma_wait3A_90 = tpu.memref_slice %arg7[%run_scoped3A_45, %dma_wait3A_89] : memref<40x128xi32, #tpu.memory_space<vmem>> -> memref<1x128xi32, #tpu.memory_space<vmem>>
      %dma_wait3A_91 = tpu.memref_squeeze %dma_wait3A_90 : memref<1x128xi32, #tpu.memory_space<vmem>> -> memref<128xi32, #tpu.memory_space<vmem>>
      %dma_wait3A_92 = arith.constant 0 : i32
      %dma_wait3A_93 = arith.constant 0 : i32
      %dma_wait3A_94 = tpu.memref_slice %arg10[%dma_wait3A_92, %dma_wait3A_93] : memref<10240x128xf32, #tpu.memory_space<vmem_shared>> -> memref<10240x128xf32, #tpu.memory_space<vmem_shared>>
      tpu.wait_indirect_dma semaphore(%run_scoped3A_82 : memref<!tpu.dma_semaphore, #tpu.memory_space<semaphore_mem>>) src(%arg9 : memref<128x128xf32, #tpu.memory_space<vmem>>) dst(%dma_wait3A_94 : memref<10240x128xf32, #tpu.memory_space<vmem_shared>>)
      tpu.yield
    }) : () -> ()
    "tpu.region"() ({
      %run_scoped3A_82 = tpu.sem_alloc : memref<!tpu.dma_semaphore, #tpu.memory_space<semaphore_mem>>
      %dma_start3A_83 = arith.constant 40 : i32
      %dma_start3A_84 = arith.constant 0 : i32
      %dma_start3A_85 = tpu.memref_slice %arg3[%arg0, %arg1, %dma_start3A_83, %dma_start3A_84] : memref<2x16x80x128xi32, #tpu.memory_space<hbm>> -> memref<1x1x40x128xi32, #tpu.memory_space<hbm>>
      %dma_start3A_86 = tpu.memref_squeeze %dma_start3A_85 : memref<1x1x40x128xi32, #tpu.memory_space<hbm>> -> memref<40x128xi32, #tpu.memory_space<hbm>>
      %dma_start3A_87 = arith.constant 40 : i32
      %dma_start3A_88 = arith.constant 0 : i32
      %dma_start3A_89 = tpu.memref_slice %arg3[%arg0, %arg1, %dma_start3A_87, %dma_start3A_88] : memref<2x16x80x128xi32, #tpu.memory_space<hbm>> -> memref<1x1x40x128xi32, #tpu.memory_space<hbm>>
      %dma_start3A_90 = tpu.memref_squeeze %dma_start3A_89 : memref<1x1x40x128xi32, #tpu.memory_space<hbm>> -> memref<40x128xi32, #tpu.memory_space<hbm>>
      tpu.enqueue_dma source(%dma_start3A_90 : memref<40x128xi32, #tpu.memory_space<hbm>>) target(%arg6 : memref<40x128xi32, #tpu.memory_space<vmem>>) target_semaphore(%run_scoped3A_82 : memref<!tpu.dma_semaphore, #tpu.memory_space<semaphore_mem>>)
      %dma_wait3A_91 = arith.constant 40 : i32
      %dma_wait3A_92 = arith.constant 0 : i32
      %dma_wait3A_93 = tpu.memref_slice %arg3[%arg0, %arg1, %dma_wait3A_91, %dma_wait3A_92] : memref<2x16x80x128xi32, #tpu.memory_space<hbm>> -> memref<1x1x40x128xi32, #tpu.memory_space<hbm>>
      %dma_wait3A_94 = tpu.memref_squeeze %dma_wait3A_93 : memref<1x1x40x128xi32, #tpu.memory_space<hbm>> -> memref<40x128xi32, #tpu.memory_space<hbm>>
      %dma_wait3A_95 = arith.constant 40 : i32
      %dma_wait3A_96 = arith.constant 0 : i32
      %dma_wait3A_97 = tpu.memref_slice %arg3[%arg0, %arg1, %dma_wait3A_95, %dma_wait3A_96] : memref<2x16x80x128xi32, #tpu.memory_space<hbm>> -> memref<1x1x40x128xi32, #tpu.memory_space<hbm>>
      %dma_wait3A_98 = tpu.memref_squeeze %dma_wait3A_97 : memref<1x1x40x128xi32, #tpu.memory_space<hbm>> -> memref<40x128xi32, #tpu.memory_space<hbm>>
      tpu.wait_dma2 semaphore(%run_scoped3A_82 : memref<!tpu.dma_semaphore, #tpu.memory_space<semaphore_mem>>) src(%dma_wait3A_98 : memref<40x128xi32, #tpu.memory_space<hbm>>) dst(%arg6 : memref<40x128xi32, #tpu.memory_space<vmem>>)
      tpu.yield
    }) : () -> ()
    "tpu.region"() ({
      %run_scoped3A_82 = tpu.sem_alloc : memref<!tpu.dma_semaphore, #tpu.memory_space<semaphore_mem>>
      %dma_start3A_83 = arith.constant 40 : i32
      %dma_start3A_84 = arith.constant 0 : i32
      %dma_start3A_85 = tpu.memref_slice %arg4[%arg0, %arg1, %dma_start3A_83, %dma_start3A_84] : memref<2x16x80x128xi32, #tpu.memory_space<hbm>> -> memref<1x1x40x128xi32, #tpu.memory_space<hbm>>
      %dma_start3A_86 = tpu.memref_squeeze %dma_start3A_85 : memref<1x1x40x128xi32, #tpu.memory_space<hbm>> -> memref<40x128xi32, #tpu.memory_space<hbm>>
      %dma_start3A_87 = arith.constant 40 : i32
      %dma_start3A_88 = arith.constant 0 : i32
      %dma_start3A_89 = tpu.memref_slice %arg4[%arg0, %arg1, %dma_start3A_87, %dma_start3A_88] : memref<2x16x80x128xi32, #tpu.memory_space<hbm>> -> memref<1x1x40x128xi32, #tpu.memory_space<hbm>>
      %dma_start3A_90 = tpu.memref_squeeze %dma_start3A_89 : memref<1x1x40x128xi32, #tpu.memory_space<hbm>> -> memref<40x128xi32, #tpu.memory_space<hbm>>
      tpu.enqueue_dma source(%dma_start3A_90 : memref<40x128xi32, #tpu.memory_space<hbm>>) target(%arg7 : memref<40x128xi32, #tpu.memory_space<vmem>>) target_semaphore(%run_scoped3A_82 : memref<!tpu.dma_semaphore, #tpu.memory_space<semaphore_mem>>)
      %dma_wait3A_91 = arith.constant 40 : i32
      %dma_wait3A_92 = arith.constant 0 : i32
      %dma_wait3A_93 = tpu.memref_slice %arg4[%arg0, %arg1, %dma_wait3A_91, %dma_wait3A_92] : memref<2x16x80x128xi32, #tpu.memory_space<hbm>> -> memref<1x1x40x128xi32, #tpu.memory_space<hbm>>
      %dma_wait3A_94 = tpu.memref_squeeze %dma_wait3A_93 : memref<1x1x40x128xi32, #tpu.memory_space<hbm>> -> memref<40x128xi32, #tpu.memory_space<hbm>>
      %dma_wait3A_95 = arith.constant 40 : i32
      %dma_wait3A_96 = arith.constant 0 : i32
      %dma_wait3A_97 = tpu.memref_slice %arg4[%arg0, %arg1, %dma_wait3A_95, %dma_wait3A_96] : memref<2x16x80x128xi32, #tpu.memory_space<hbm>> -> memref<1x1x40x128xi32, #tpu.memory_space<hbm>>
      %dma_wait3A_98 = tpu.memref_squeeze %dma_wait3A_97 : memref<1x1x40x128xi32, #tpu.memory_space<hbm>> -> memref<40x128xi32, #tpu.memory_space<hbm>>
      tpu.wait_dma2 semaphore(%run_scoped3A_82 : memref<!tpu.dma_semaphore, #tpu.memory_space<semaphore_mem>>) src(%dma_wait3A_98 : memref<40x128xi32, #tpu.memory_space<hbm>>) dst(%arg7 : memref<40x128xi32, #tpu.memory_space<vmem>>)
      tpu.yield
    }) : () -> ()
    %dma_start3A_46 = arith.constant 0 : i32
    %dma_start3A_47 = arith.constant 0 : i32
    %dma_start3A_48 = tpu.memref_slice %arg6[%dma_start3A_46, %dma_start3A_47] : memref<40x128xi32, #tpu.memory_space<vmem>> -> memref<1x128xi32, #tpu.memory_space<vmem>>
    %dma_start3A_49 = tpu.memref_squeeze %dma_start3A_48 : memref<1x128xi32, #tpu.memory_space<vmem>> -> memref<128xi32, #tpu.memory_space<vmem>>
    %dma_start3A_50 = arith.constant 0 : i32
    %dma_start3A_51 = arith.constant 0 : i32
    %dma_start3A_52 = tpu.memref_slice %arg2[%dma_start3A_50, %dma_start3A_51] : memref<20480x128xf32, #tpu.memory_space<hbm>> -> memref<20480x128xf32, #tpu.memory_space<hbm>>
    tpu.enqueue_indirect_dma source(%dma_start3A_52 : memref<20480x128xf32, #tpu.memory_space<hbm>>) target(%arg8 : memref<128x128xf32, #tpu.memory_space<vmem>>) offsets(%dma_start3A_49 : memref<128xi32, #tpu.memory_space<vmem>>) semaphore(%arg11 : memref<!tpu.dma_semaphore, #tpu.memory_space<semaphore_mem>>)
    %scan3A_53 = arith.constant 0 : i32
    %scan3A_54 = arith.constant 19 : i32
    %scan3A_55 = arith.addi %scan3A_53, %scan3A_54 : i32
    %scan3A_56 = arith.constant 1 : i32
    scf.for %scan3A_82 = %scan3A_53 to %scan3A_55 step %scan3A_56  : i32 {
      %mul3A_83 = arith.constant 1 : i32
      %mul3A_84 = arith.muli %scan3A_82, %mul3A_83 : i32
      %add3A_85 = arith.constant 0 : i32
      %add3A_86 = arith.addi %add3A_85, %mul3A_84 : i32
      %mul3A_87 = arith.constant 2 : i32
      %mul3A_88 = arith.muli %mul3A_87, %add3A_86 : i32
      %add3A_89 = arith.constant 1 : i32
      %add3A_90 = arith.addi %mul3A_88, %add3A_89 : i32
      %dma_start3A_91 = arith.constant 0 : i32
      %dma_start3A_92 = tpu.memref_slice %arg6[%add3A_90, %dma_start3A_91] : memref<40x128xi32, #tpu.memory_space<vmem>> -> memref<1x128xi32, #tpu.memory_space<vmem>>
      %dma_start3A_93 = tpu.memref_squeeze %dma_start3A_92 : memref<1x128xi32, #tpu.memory_space<vmem>> -> memref<128xi32, #tpu.memory_space<vmem>>
      %dma_start3A_94 = arith.constant 0 : i32
      %dma_start3A_95 = arith.constant 0 : i32
      %dma_start3A_96 = tpu.memref_slice %arg2[%dma_start3A_94, %dma_start3A_95] : memref<20480x128xf32, #tpu.memory_space<hbm>> -> memref<20480x128xf32, #tpu.memory_space<hbm>>
      tpu.enqueue_indirect_dma source(%dma_start3A_96 : memref<20480x128xf32, #tpu.memory_space<hbm>>) target(%arg9 : memref<128x128xf32, #tpu.memory_space<vmem>>) offsets(%dma_start3A_93 : memref<128xi32, #tpu.memory_space<vmem>>) semaphore(%arg12 : memref<!tpu.dma_semaphore, #tpu.memory_space<semaphore_mem>>)
      %dma_wait3A_97 = arith.constant 0 : i32
      %dma_wait3A_98 = tpu.memref_slice %arg6[%mul3A_88, %dma_wait3A_97] : memref<40x128xi32, #tpu.memory_space<vmem>> -> memref<1x128xi32, #tpu.memory_space<vmem>>
      %dma_wait3A_99 = tpu.memref_squeeze %dma_wait3A_98 : memref<1x128xi32, #tpu.memory_space<vmem>> -> memref<128xi32, #tpu.memory_space<vmem>>
      %dma_wait3A_100 = arith.constant 0 : i32
      %dma_wait3A_101 = arith.constant 0 : i32
      %dma_wait3A_102 = tpu.memref_slice %arg2[%dma_wait3A_100, %dma_wait3A_101] : memref<20480x128xf32, #tpu.memory_space<hbm>> -> memref<20480x128xf32, #tpu.memory_space<hbm>>
      tpu.wait_indirect_dma semaphore(%arg11 : memref<!tpu.dma_semaphore, #tpu.memory_space<semaphore_mem>>) src(%dma_wait3A_102 : memref<20480x128xf32, #tpu.memory_space<hbm>>) dst(%arg8 : memref<128x128xf32, #tpu.memory_space<vmem>>)
      "tpu.region"() ({
        %run_scoped3A_121 = tpu.sem_alloc : memref<!tpu.dma_semaphore, #tpu.memory_space<semaphore_mem>>
        %dma_start3A_122 = arith.constant 0 : i32
        %dma_start3A_123 = tpu.memref_slice %arg7[%mul3A_88, %dma_start3A_122] : memref<40x128xi32, #tpu.memory_space<vmem>> -> memref<1x128xi32, #tpu.memory_space<vmem>>
        %dma_start3A_124 = tpu.memref_squeeze %dma_start3A_123 : memref<1x128xi32, #tpu.memory_space<vmem>> -> memref<128xi32, #tpu.memory_space<vmem>>
        %dma_start3A_125 = arith.constant 0 : i32
        %dma_start3A_126 = arith.constant 0 : i32
        %dma_start3A_127 = tpu.memref_slice %arg10[%dma_start3A_125, %dma_start3A_126] : memref<10240x128xf32, #tpu.memory_space<vmem_shared>> -> memref<10240x128xf32, #tpu.memory_space<vmem_shared>>
        tpu.enqueue_indirect_dma source(%arg8 : memref<128x128xf32, #tpu.memory_space<vmem>>) target(%dma_start3A_127 : memref<10240x128xf32, #tpu.memory_space<vmem_shared>>) offsets(%dma_start3A_124 : memref<128xi32, #tpu.memory_space<vmem>>) semaphore(%run_scoped3A_121 : memref<!tpu.dma_semaphore, #tpu.memory_space<semaphore_mem>>) {add = true}
        %dma_wait3A_128 = arith.constant 0 : i32
        %dma_wait3A_129 = tpu.memref_slice %arg7[%mul3A_88, %dma_wait3A_128] : memref<40x128xi32, #tpu.memory_space<vmem>> -> memref<1x128xi32, #tpu.memory_space<vmem>>
        %dma_wait3A_130 = tpu.memref_squeeze %dma_wait3A_129 : memref<1x128xi32, #tpu.memory_space<vmem>> -> memref<128xi32, #tpu.memory_space<vmem>>
        %dma_wait3A_131 = arith.constant 0 : i32
        %dma_wait3A_132 = arith.constant 0 : i32
        %dma_wait3A_133 = tpu.memref_slice %arg10[%dma_wait3A_131, %dma_wait3A_132] : memref<10240x128xf32, #tpu.memory_space<vmem_shared>> -> memref<10240x128xf32, #tpu.memory_space<vmem_shared>>
        tpu.wait_indirect_dma semaphore(%run_scoped3A_121 : memref<!tpu.dma_semaphore, #tpu.memory_space<semaphore_mem>>) src(%arg8 : memref<128x128xf32, #tpu.memory_space<vmem>>) dst(%dma_wait3A_133 : memref<10240x128xf32, #tpu.memory_space<vmem_shared>>)
        tpu.yield
      }) : () -> ()
      %add3A_103 = arith.constant 2 : i32
      %add3A_104 = arith.addi %mul3A_88, %add3A_103 : i32
      %dma_start3A_105 = arith.constant 0 : i32
      %dma_start3A_106 = tpu.memref_slice %arg6[%add3A_104, %dma_start3A_105] : memref<40x128xi32, #tpu.memory_space<vmem>> -> memref<1x128xi32, #tpu.memory_space<vmem>>
      %dma_start3A_107 = tpu.memref_squeeze %dma_start3A_106 : memref<1x128xi32, #tpu.memory_space<vmem>> -> memref<128xi32, #tpu.memory_space<vmem>>
      %dma_start3A_108 = arith.constant 0 : i32
      %dma_start3A_109 = arith.constant 0 : i32
      %dma_start3A_110 = tpu.memref_slice %arg2[%dma_start3A_108, %dma_start3A_109] : memref<20480x128xf32, #tpu.memory_space<hbm>> -> memref<20480x128xf32, #tpu.memory_space<hbm>>
      tpu.enqueue_indirect_dma source(%dma_start3A_110 : memref<20480x128xf32, #tpu.memory_space<hbm>>) target(%arg8 : memref<128x128xf32, #tpu.memory_space<vmem>>) offsets(%dma_start3A_107 : memref<128xi32, #tpu.memory_space<vmem>>) semaphore(%arg11 : memref<!tpu.dma_semaphore, #tpu.memory_space<semaphore_mem>>)
      %add3A_111 = arith.constant 1 : i32
      %add3A_112 = arith.addi %mul3A_88, %add3A_111 : i32
      %dma_wait3A_113 = arith.constant 0 : i32
      %dma_wait3A_114 = tpu.memref_slice %arg6[%add3A_112, %dma_wait3A_113] : memref<40x128xi32, #tpu.memory_space<vmem>> -> memref<1x128xi32, #tpu.memory_space<vmem>>
      %dma_wait3A_115 = tpu.memref_squeeze %dma_wait3A_114 : memref<1x128xi32, #tpu.memory_space<vmem>> -> memref<128xi32, #tpu.memory_space<vmem>>
      %dma_wait3A_116 = arith.constant 0 : i32
      %dma_wait3A_117 = arith.constant 0 : i32
      %dma_wait3A_118 = tpu.memref_slice %arg2[%dma_wait3A_116, %dma_wait3A_117] : memref<20480x128xf32, #tpu.memory_space<hbm>> -> memref<20480x128xf32, #tpu.memory_space<hbm>>
      tpu.wait_indirect_dma semaphore(%arg12 : memref<!tpu.dma_semaphore, #tpu.memory_space<semaphore_mem>>) src(%dma_wait3A_118 : memref<20480x128xf32, #tpu.memory_space<hbm>>) dst(%arg9 : memref<128x128xf32, #tpu.memory_space<vmem>>)
      %add3A_119 = arith.constant 1 : i32
      %add3A_120 = arith.addi %mul3A_88, %add3A_119 : i32
      "tpu.region"() ({
        %run_scoped3A_121 = tpu.sem_alloc : memref<!tpu.dma_semaphore, #tpu.memory_space<semaphore_mem>>
        %dma_start3A_122 = arith.constant 0 : i32
        %dma_start3A_123 = tpu.memref_slice %arg7[%add3A_120, %dma_start3A_122] : memref<40x128xi32, #tpu.memory_space<vmem>> -> memref<1x128xi32, #tpu.memory_space<vmem>>
        %dma_start3A_124 = tpu.memref_squeeze %dma_start3A_123 : memref<1x128xi32, #tpu.memory_space<vmem>> -> memref<128xi32, #tpu.memory_space<vmem>>
        %dma_start3A_125 = arith.constant 0 : i32
        %dma_start3A_126 = arith.constant 0 : i32
        %dma_start3A_127 = tpu.memref_slice %arg10[%dma_start3A_125, %dma_start3A_126] : memref<10240x128xf32, #tpu.memory_space<vmem_shared>> -> memref<10240x128xf32, #tpu.memory_space<vmem_shared>>
        tpu.enqueue_indirect_dma source(%arg9 : memref<128x128xf32, #tpu.memory_space<vmem>>) target(%dma_start3A_127 : memref<10240x128xf32, #tpu.memory_space<vmem_shared>>) offsets(%dma_start3A_124 : memref<128xi32, #tpu.memory_space<vmem>>) semaphore(%run_scoped3A_121 : memref<!tpu.dma_semaphore, #tpu.memory_space<semaphore_mem>>) {add = true}
        %dma_wait3A_128 = arith.constant 0 : i32
        %dma_wait3A_129 = tpu.memref_slice %arg7[%add3A_120, %dma_wait3A_128] : memref<40x128xi32, #tpu.memory_space<vmem>> -> memref<1x128xi32, #tpu.memory_space<vmem>>
        %dma_wait3A_130 = tpu.memref_squeeze %dma_wait3A_129 : memref<1x128xi32, #tpu.memory_space<vmem>> -> memref<128xi32, #tpu.memory_space<vmem>>
        %dma_wait3A_131 = arith.constant 0 : i32
        %dma_wait3A_132 = arith.constant 0 : i32
        %dma_wait3A_133 = tpu.memref_slice %arg10[%dma_wait3A_131, %dma_wait3A_132] : memref<10240x128xf32, #tpu.memory_space<vmem_shared>> -> memref<10240x128xf32, #tpu.memory_space<vmem_shared>>
        tpu.wait_indirect_dma semaphore(%run_scoped3A_121 : memref<!tpu.dma_semaphore, #tpu.memory_space<semaphore_mem>>) src(%arg9 : memref<128x128xf32, #tpu.memory_space<vmem>>) dst(%dma_wait3A_133 : memref<10240x128xf32, #tpu.memory_space<vmem_shared>>)
        tpu.yield
      }) : () -> ()
    }
    %scan3A_57 = arith.constant 19 : i32
    %dma_start3A_58 = arith.constant 39 : i32
    %dma_start3A_59 = arith.constant 0 : i32
    %dma_start3A_60 = tpu.memref_slice %arg6[%dma_start3A_58, %dma_start3A_59] : memref<40x128xi32, #tpu.memory_space<vmem>> -> memref<1x128xi32, #tpu.memory_space<vmem>>
    %dma_start3A_61 = tpu.memref_squeeze %dma_start3A_60 : memref<1x128xi32, #tpu.memory_space<vmem>> -> memref<128xi32, #tpu.memory_space<vmem>>
    %dma_start3A_62 = arith.constant 0 : i32
    %dma_start3A_63 = arith.constant 0 : i32
    %dma_start3A_64 = tpu.memref_slice %arg2[%dma_start3A_62, %dma_start3A_63] : memref<20480x128xf32, #tpu.memory_space<hbm>> -> memref<20480x128xf32, #tpu.memory_space<hbm>>
    tpu.enqueue_indirect_dma source(%dma_start3A_64 : memref<20480x128xf32, #tpu.memory_space<hbm>>) target(%arg9 : memref<128x128xf32, #tpu.memory_space<vmem>>) offsets(%dma_start3A_61 : memref<128xi32, #tpu.memory_space<vmem>>) semaphore(%arg12 : memref<!tpu.dma_semaphore, #tpu.memory_space<semaphore_mem>>)
    %dma_wait3A_65 = arith.constant 38 : i32
    %dma_wait3A_66 = arith.constant 0 : i32
    %dma_wait3A_67 = tpu.memref_slice %arg6[%dma_wait3A_65, %dma_wait3A_66] : memref<40x128xi32, #tpu.memory_space<vmem>> -> memref<1x128xi32, #tpu.memory_space<vmem>>
    %dma_wait3A_68 = tpu.memref_squeeze %dma_wait3A_67 : memref<1x128xi32, #tpu.memory_space<vmem>> -> memref<128xi32, #tpu.memory_space<vmem>>
    %dma_wait3A_69 = arith.constant 0 : i32
    %dma_wait3A_70 = arith.constant 0 : i32
    %dma_wait3A_71 = tpu.memref_slice %arg2[%dma_wait3A_69, %dma_wait3A_70] : memref<20480x128xf32, #tpu.memory_space<hbm>> -> memref<20480x128xf32, #tpu.memory_space<hbm>>
    tpu.wait_indirect_dma semaphore(%arg11 : memref<!tpu.dma_semaphore, #tpu.memory_space<semaphore_mem>>) src(%dma_wait3A_71 : memref<20480x128xf32, #tpu.memory_space<hbm>>) dst(%arg8 : memref<128x128xf32, #tpu.memory_space<vmem>>)
    %run_scoped3A_72 = arith.constant 38 : i32
    "tpu.region"() ({
      %run_scoped3A_82 = tpu.sem_alloc : memref<!tpu.dma_semaphore, #tpu.memory_space<semaphore_mem>>
      %dma_start3A_83 = arith.constant 0 : i32
      %dma_start3A_84 = tpu.memref_slice %arg7[%run_scoped3A_72, %dma_start3A_83] : memref<40x128xi32, #tpu.memory_space<vmem>> -> memref<1x128xi32, #tpu.memory_space<vmem>>
      %dma_start3A_85 = tpu.memref_squeeze %dma_start3A_84 : memref<1x128xi32, #tpu.memory_space<vmem>> -> memref<128xi32, #tpu.memory_space<vmem>>
      %dma_start3A_86 = arith.constant 0 : i32
      %dma_start3A_87 = arith.constant 0 : i32
      %dma_start3A_88 = tpu.memref_slice %arg10[%dma_start3A_86, %dma_start3A_87] : memref<10240x128xf32, #tpu.memory_space<vmem_shared>> -> memref<10240x128xf32, #tpu.memory_space<vmem_shared>>
      tpu.enqueue_indirect_dma source(%arg8 : memref<128x128xf32, #tpu.memory_space<vmem>>) target(%dma_start3A_88 : memref<10240x128xf32, #tpu.memory_space<vmem_shared>>) offsets(%dma_start3A_85 : memref<128xi32, #tpu.memory_space<vmem>>) semaphore(%run_scoped3A_82 : memref<!tpu.dma_semaphore, #tpu.memory_space<semaphore_mem>>) {add = true}
      %dma_wait3A_89 = arith.constant 0 : i32
      %dma_wait3A_90 = tpu.memref_slice %arg7[%run_scoped3A_72, %dma_wait3A_89] : memref<40x128xi32, #tpu.memory_space<vmem>> -> memref<1x128xi32, #tpu.memory_space<vmem>>
      %dma_wait3A_91 = tpu.memref_squeeze %dma_wait3A_90 : memref<1x128xi32, #tpu.memory_space<vmem>> -> memref<128xi32, #tpu.memory_space<vmem>>
      %dma_wait3A_92 = arith.constant 0 : i32
      %dma_wait3A_93 = arith.constant 0 : i32
      %dma_wait3A_94 = tpu.memref_slice %arg10[%dma_wait3A_92, %dma_wait3A_93] : memref<10240x128xf32, #tpu.memory_space<vmem_shared>> -> memref<10240x128xf32, #tpu.memory_space<vmem_shared>>
      tpu.wait_indirect_dma semaphore(%run_scoped3A_82 : memref<!tpu.dma_semaphore, #tpu.memory_space<semaphore_mem>>) src(%arg8 : memref<128x128xf32, #tpu.memory_space<vmem>>) dst(%dma_wait3A_94 : memref<10240x128xf32, #tpu.memory_space<vmem_shared>>)
      tpu.yield
    }) : () -> ()
    %dma_wait3A_73 = arith.constant 39 : i32
    %dma_wait3A_74 = arith.constant 0 : i32
    %dma_wait3A_75 = tpu.memref_slice %arg6[%dma_wait3A_73, %dma_wait3A_74] : memref<40x128xi32, #tpu.memory_space<vmem>> -> memref<1x128xi32, #tpu.memory_space<vmem>>
    %dma_wait3A_76 = tpu.memref_squeeze %dma_wait3A_75 : memref<1x128xi32, #tpu.memory_space<vmem>> -> memref<128xi32, #tpu.memory_space<vmem>>
    %dma_wait3A_77 = arith.constant 0 : i32
    %dma_wait3A_78 = arith.constant 0 : i32
    %dma_wait3A_79 = tpu.memref_slice %arg2[%dma_wait3A_77, %dma_wait3A_78] : memref<20480x128xf32, #tpu.memory_space<hbm>> -> memref<20480x128xf32, #tpu.memory_space<hbm>>
    tpu.wait_indirect_dma semaphore(%arg12 : memref<!tpu.dma_semaphore, #tpu.memory_space<semaphore_mem>>) src(%dma_wait3A_79 : memref<20480x128xf32, #tpu.memory_space<hbm>>) dst(%arg9 : memref<128x128xf32, #tpu.memory_space<vmem>>)
    %run_scoped3A_80 = arith.constant 39 : i32
    "tpu.region"() ({
      %run_scoped3A_82 = tpu.sem_alloc : memref<!tpu.dma_semaphore, #tpu.memory_space<semaphore_mem>>
      %dma_start3A_83 = arith.constant 0 : i32
      %dma_start3A_84 = tpu.memref_slice %arg7[%run_scoped3A_80, %dma_start3A_83] : memref<40x128xi32, #tpu.memory_space<vmem>> -> memref<1x128xi32, #tpu.memory_space<vmem>>
      %dma_start3A_85 = tpu.memref_squeeze %dma_start3A_84 : memref<1x128xi32, #tpu.memory_space<vmem>> -> memref<128xi32, #tpu.memory_space<vmem>>
      %dma_start3A_86 = arith.constant 0 : i32
      %dma_start3A_87 = arith.constant 0 : i32
      %dma_start3A_88 = tpu.memref_slice %arg10[%dma_start3A_86, %dma_start3A_87] : memref<10240x128xf32, #tpu.memory_space<vmem_shared>> -> memref<10240x128xf32, #tpu.memory_space<vmem_shared>>
      tpu.enqueue_indirect_dma source(%arg9 : memref<128x128xf32, #tpu.memory_space<vmem>>) target(%dma_start3A_88 : memref<10240x128xf32, #tpu.memory_space<vmem_shared>>) offsets(%dma_start3A_85 : memref<128xi32, #tpu.memory_space<vmem>>) semaphore(%run_scoped3A_82 : memref<!tpu.dma_semaphore, #tpu.memory_space<semaphore_mem>>) {add = true}
      %dma_wait3A_89 = arith.constant 0 : i32
      %dma_wait3A_90 = tpu.memref_slice %arg7[%run_scoped3A_80, %dma_wait3A_89] : memref<40x128xi32, #tpu.memory_space<vmem>> -> memref<1x128xi32, #tpu.memory_space<vmem>>
      %dma_wait3A_91 = tpu.memref_squeeze %dma_wait3A_90 : memref<1x128xi32, #tpu.memory_space<vmem>> -> memref<128xi32, #tpu.memory_space<vmem>>
      %dma_wait3A_92 = arith.constant 0 : i32
      %dma_wait3A_93 = arith.constant 0 : i32
      %dma_wait3A_94 = tpu.memref_slice %arg10[%dma_wait3A_92, %dma_wait3A_93] : memref<10240x128xf32, #tpu.memory_space<vmem_shared>> -> memref<10240x128xf32, #tpu.memory_space<vmem_shared>>
      tpu.wait_indirect_dma semaphore(%run_scoped3A_82 : memref<!tpu.dma_semaphore, #tpu.memory_space<semaphore_mem>>) src(%arg9 : memref<128x128xf32, #tpu.memory_space<vmem>>) dst(%dma_wait3A_94 : memref<10240x128xf32, #tpu.memory_space<vmem_shared>>)
      tpu.yield
    }) : () -> ()
    %barrier3A_81 = arith.constant 0 : index
    tpu.barrier barrier_id(%barrier3A_81)
    "tpu.region"() ({
      %run_scoped3A_82 = tpu.sem_alloc : memref<!tpu.dma_semaphore, #tpu.memory_space<semaphore_mem>>
      %dma_start3A_83 = arith.constant 0 : i32
      %dma_start3A_84 = tpu.memref_slice %arg5[%arg0, %mul3A_0, %dma_start3A_83] : memref<2x10240x128xf32, #tpu.memory_space<hbm>> -> memref<1x640x128xf32, #tpu.memory_space<hbm>>
      %dma_start3A_85 = tpu.memref_squeeze %dma_start3A_84 : memref<1x640x128xf32, #tpu.memory_space<hbm>> -> memref<640x128xf32, #tpu.memory_space<hbm>>
      %dma_start3A_86 = arith.constant 0 : i32
      %dma_start3A_87 = tpu.memref_slice %arg10[%mul3A_0, %dma_start3A_86] : memref<10240x128xf32, #tpu.memory_space<vmem_shared>> -> memref<640x128xf32, #tpu.memory_space<vmem_shared>>
      tpu.enqueue_dma source(%dma_start3A_87 : memref<640x128xf32, #tpu.memory_space<vmem_shared>>) target(%dma_start3A_85 : memref<640x128xf32, #tpu.memory_space<hbm>>) target_semaphore(%run_scoped3A_82 : memref<!tpu.dma_semaphore, #tpu.memory_space<semaphore_mem>>)
      %dma_wait3A_88 = arith.constant 0 : i32
      %dma_wait3A_89 = tpu.memref_slice %arg5[%arg0, %mul3A_0, %dma_wait3A_88] : memref<2x10240x128xf32, #tpu.memory_space<hbm>> -> memref<1x640x128xf32, #tpu.memory_space<hbm>>
      %dma_wait3A_90 = tpu.memref_squeeze %dma_wait3A_89 : memref<1x640x128xf32, #tpu.memory_space<hbm>> -> memref<640x128xf32, #tpu.memory_space<hbm>>
      %dma_wait3A_91 = arith.constant 0 : i32
      %dma_wait3A_92 = tpu.memref_slice %arg10[%mul3A_0, %dma_wait3A_91] : memref<10240x128xf32, #tpu.memory_space<vmem_shared>> -> memref<640x128xf32, #tpu.memory_space<vmem_shared>>
      tpu.wait_dma2 semaphore(%run_scoped3A_82 : memref<!tpu.dma_semaphore, #tpu.memory_space<semaphore_mem>>) src(%dma_wait3A_92 : memref<640x128xf32, #tpu.memory_space<vmem_shared>>) dst(%dma_wait3A_90 : memref<640x128xf32, #tpu.memory_space<hbm>>)
      tpu.yield
    }) : () -> ()
    return
  }
}

#map = affine_map<(d0, d1) -> (0, 0)>
#map1 = affine_map<(d0, d1) -> (0, 0, 0, 0)>
#map2 = affine_map<(d0, d1) -> (0, 0, 0)>
module attributes {stable_mosaic.version = 14 : i64} {
  func.func @_sc_conv(%arg0: i32, %arg1: i32, %arg2: memref<20480x128xf32, #tpu.memory_space<hbm>>, %arg3: memref<2x16x80x128xi32, #tpu.memory_space<hbm>>, %arg4: memref<2x16x80x128xi32, #tpu.memory_space<hbm>>, %arg5: memref<2x10240x128xf32, #tpu.memory_space<hbm>>, %arg6: memref<40x128xi32, #tpu.memory_space<vmem>>, %arg7: memref<40x128xi32, #tpu.memory_space<vmem>>, %arg8: memref<128x128xf32, #tpu.memory_space<vmem>>, %arg9: memref<128x128xf32, #tpu.memory_space<vmem>>, %arg10: memref<10240x128xf32, #tpu.memory_space<vmem_shared>>, %arg11: memref<!tpu.dma_semaphore, #tpu.memory_space<semaphore_mem>>, %arg12: memref<!tpu.dma_semaphore, #tpu.memory_space<semaphore_mem>>) attributes {dimension_semantics = [#tpu.dimension_semantics<core_parallel>, #tpu.dimension_semantics<subcore_parallel>], iteration_bounds = array<i64: 2, 16>, scalar_prefetch = 0 : i64, scratch_operands = 7 : i64, tpu.core_type = #tpu.core_type<sc_vector_subcore>, window_params = [{transform_indices = #map}, {transform_indices = #map1}, {transform_indices = #map1}, {transform_indices = #map2}]} {
    %mul3A = arith.constant 640 : i32
    %mul3A_0 = arith.muli %arg1, %mul3A : i32
    %scan3A = arith.constant 0 : i32
    %scan3A_1 = arith.constant 128 : i32
    %scan3A_2 = arith.addi %scan3A, %scan3A_1 : i32
    %scan3A_3 = arith.constant 1 : i32
    scf.for %scan3A_82 = %scan3A to %scan3A_2 step %scan3A_3  : i32 {
      %mul3A_83 = arith.constant 1 : i32
      %mul3A_84 = arith.muli %scan3A_82, %mul3A_83 : i32
      %add3A_85 = arith.constant 0 : i32
      %add3A_86 = arith.addi %add3A_85, %mul3A_84 : i32
      %broadcast_in_dim3A = arith.constant 0.000000e+00 : f32
      %broadcast_in_dim3A_87 = vector.broadcast %broadcast_in_dim3A : f32 to vector<16xf32>
      %swap3A = arith.index_cast %add3A_86 : i32 to index
      %swap3A_88 = arith.constant 0 : index
      %swap3A_89 = tpu.vector_load %arg8[%swap3A, %swap3A_88] {strides = array<i32>} : memref<128x128xf32, #tpu.memory_space<vmem>>, vector<1x16xf32>,
      %swap3A_90 = vector.shape_cast %swap3A_89 : vector<1x16xf32> to vector<16xf32>
      %swap3A_91 = vector.shape_cast %broadcast_in_dim3A_87 : vector<16xf32> to vector<1x16xf32>
      tpu.vector_store %arg8[%swap3A, %swap3A_88], %swap3A_91 {strides = array<i32>} : memref<128x128xf32, #tpu.memory_space<vmem>>, vector<1x16xf32>,
      %broadcast_in_dim3A_92 = arith.constant 0.000000e+00 : f32
      %broadcast_in_dim3A_93 = vector.broadcast %broadcast_in_dim3A_92 : f32 to vector<16xf32>
      %swap3A_94 = arith.index_cast %add3A_86 : i32 to index
      %swap3A_95 = arith.constant 16 : index
      %swap3A_96 = tpu.vector_load %arg8[%swap3A_94, %swap3A_95] {strides = array<i32>} : memref<128x128xf32, #tpu.memory_space<vmem>>, vector<1x16xf32>,
      %swap3A_97 = vector.shape_cast %swap3A_96 : vector<1x16xf32> to vector<16xf32>
      %swap3A_98 = vector.shape_cast %broadcast_in_dim3A_93 : vector<16xf32> to vector<1x16xf32>
      tpu.vector_store %arg8[%swap3A_94, %swap3A_95], %swap3A_98 {strides = array<i32>} : memref<128x128xf32, #tpu.memory_space<vmem>>, vector<1x16xf32>,
      %broadcast_in_dim3A_99 = arith.constant 0.000000e+00 : f32
      %broadcast_in_dim3A_100 = vector.broadcast %broadcast_in_dim3A_99 : f32 to vector<16xf32>
      %swap3A_101 = arith.index_cast %add3A_86 : i32 to index
      %swap3A_102 = arith.constant 32 : index
      %swap3A_103 = tpu.vector_load %arg8[%swap3A_101, %swap3A_102] {strides = array<i32>} : memref<128x128xf32, #tpu.memory_space<vmem>>, vector<1x16xf32>,
      %swap3A_104 = vector.shape_cast %swap3A_103 : vector<1x16xf32> to vector<16xf32>
      %swap3A_105 = vector.shape_cast %broadcast_in_dim3A_100 : vector<16xf32> to vector<1x16xf32>
      tpu.vector_store %arg8[%swap3A_101, %swap3A_102], %swap3A_105 {strides = array<i32>} : memref<128x128xf32, #tpu.memory_space<vmem>>, vector<1x16xf32>,
      %broadcast_in_dim3A_106 = arith.constant 0.000000e+00 : f32
      %broadcast_in_dim3A_107 = vector.broadcast %broadcast_in_dim3A_106 : f32 to vector<16xf32>
      %swap3A_108 = arith.index_cast %add3A_86 : i32 to index
      %swap3A_109 = arith.constant 48 : index
      %swap3A_110 = tpu.vector_load %arg8[%swap3A_108, %swap3A_109] {strides = array<i32>} : memref<128x128xf32, #tpu.memory_space<vmem>>, vector<1x16xf32>,
      %swap3A_111 = vector.shape_cast %swap3A_110 : vector<1x16xf32> to vector<16xf32>
      %swap3A_112 = vector.shape_cast %broadcast_in_dim3A_107 : vector<16xf32> to vector<1x16xf32>
      tpu.vector_store %arg8[%swap3A_108, %swap3A_109], %swap3A_112 {strides = array<i32>} : memref<128x128xf32, #tpu.memory_space<vmem>>, vector<1x16xf32>,
      %broadcast_in_dim3A_113 = arith.constant 0.000000e+00 : f32
      %broadcast_in_dim3A_114 = vector.broadcast %broadcast_in_dim3A_113 : f32 to vector<16xf32>
      %swap3A_115 = arith.index_cast %add3A_86 : i32 to index
      %swap3A_116 = arith.constant 64 : index
      %swap3A_117 = tpu.vector_load %arg8[%swap3A_115, %swap3A_116] {strides = array<i32>} : memref<128x128xf32, #tpu.memory_space<vmem>>, vector<1x16xf32>,
      %swap3A_118 = vector.shape_cast %swap3A_117 : vector<1x16xf32> to vector<16xf32>
      %swap3A_119 = vector.shape_cast %broadcast_in_dim3A_114 : vector<16xf32> to vector<1x16xf32>
      tpu.vector_store %arg8[%swap3A_115, %swap3A_116], %swap3A_119 {strides = array<i32>} : memref<128x128xf32, #tpu.memory_space<vmem>>, vector<1x16xf32>,
      %broadcast_in_dim3A_120 = arith.constant 0.000000e+00 : f32
      %broadcast_in_dim3A_121 = vector.broadcast %broadcast_in_dim3A_120 : f32 to vector<16xf32>
      %swap3A_122 = arith.index_cast %add3A_86 : i32 to index
      %swap3A_123 = arith.constant 80 : index
      %swap3A_124 = tpu.vector_load %arg8[%swap3A_122, %swap3A_123] {strides = array<i32>} : memref<128x128xf32, #tpu.memory_space<vmem>>, vector<1x16xf32>,
      %swap3A_125 = vector.shape_cast %swap3A_124 : vector<1x16xf32> to vector<16xf32>
      %swap3A_126 = vector.shape_cast %broadcast_in_dim3A_121 : vector<16xf32> to vector<1x16xf32>
      tpu.vector_store %arg8[%swap3A_122, %swap3A_123], %swap3A_126 {strides = array<i32>} : memref<128x128xf32, #tpu.memory_space<vmem>>, vector<1x16xf32>,
      %broadcast_in_dim3A_127 = arith.constant 0.000000e+00 : f32
      %broadcast_in_dim3A_128 = vector.broadcast %broadcast_in_dim3A_127 : f32 to vector<16xf32>
      %swap3A_129 = arith.index_cast %add3A_86 : i32 to index
      %swap3A_130 = arith.constant 96 : index
      %swap3A_131 = tpu.vector_load %arg8[%swap3A_129, %swap3A_130] {strides = array<i32>} : memref<128x128xf32, #tpu.memory_space<vmem>>, vector<1x16xf32>,
      %swap3A_132 = vector.shape_cast %swap3A_131 : vector<1x16xf32> to vector<16xf32>
      %swap3A_133 = vector.shape_cast %broadcast_in_dim3A_128 : vector<16xf32> to vector<1x16xf32>
      tpu.vector_store %arg8[%swap3A_129, %swap3A_130], %swap3A_133 {strides = array<i32>} : memref<128x128xf32, #tpu.memory_space<vmem>>, vector<1x16xf32>,
      %broadcast_in_dim3A_134 = arith.constant 0.000000e+00 : f32
      %broadcast_in_dim3A_135 = vector.broadcast %broadcast_in_dim3A_134 : f32 to vector<16xf32>
      %swap3A_136 = arith.index_cast %add3A_86 : i32 to index
      %swap3A_137 = arith.constant 112 : index
      %swap3A_138 = tpu.vector_load %arg8[%swap3A_136, %swap3A_137] {strides = array<i32>} : memref<128x128xf32, #tpu.memory_space<vmem>>, vector<1x16xf32>,
      %swap3A_139 = vector.shape_cast %swap3A_138 : vector<1x16xf32> to vector<16xf32>
      %swap3A_140 = vector.shape_cast %broadcast_in_dim3A_135 : vector<16xf32> to vector<1x16xf32>
      tpu.vector_store %arg8[%swap3A_136, %swap3A_137], %swap3A_140 {strides = array<i32>} : memref<128x128xf32, #tpu.memory_space<vmem>>, vector<1x16xf32>,
    }
    %scan3A_4 = arith.constant 128 : i32
    %add3A = arith.constant 0 : i32
    %add3A_5 = arith.addi %mul3A_0, %add3A : i32
    "tpu.region"() ({
      %run_scoped3A_82 = tpu.sem_alloc : memref<!tpu.dma_semaphore, #tpu.memory_space<semaphore_mem>>
      %dma_start3A_83 = arith.constant 0 : i32
      %dma_start3A_84 = tpu.memref_slice %arg10[%add3A_5, %dma_start3A_83] : memref<10240x128xf32, #tpu.memory_space<vmem_shared>> -> memref<128x128xf32, #tpu.memory_space<vmem_shared>>
      %dma_start3A_85 = arith.constant 0 : i32
      %dma_start3A_86 = tpu.memref_slice %arg10[%add3A_5, %dma_start3A_85] : memref<10240x128xf32, #tpu.memory_space<vmem_shared>> -> memref<128x128xf32, #tpu.memory_space<vmem_shared>>
      tpu.enqueue_dma source(%arg8 : memref<128x128xf32, #tpu.memory_space<vmem>>) target(%dma_start3A_86 : memref<128x128xf32, #tpu.memory_space<vmem_shared>>) target_semaphore(%run_scoped3A_82 : memref<!tpu.dma_semaphore, #tpu.memory_space<semaphore_mem>>)
      %dma_wait3A_87 = arith.constant 0 : i32
      %dma_wait3A_88 = tpu.memref_slice %arg10[%add3A_5, %dma_wait3A_87] : memref<10240x128xf32, #tpu.memory_space<vmem_shared>> -> memref<128x128xf32, #tpu.memory_space<vmem_shared>>
      %dma_wait3A_89 = arith.constant 0 : i32
      %dma_wait3A_90 = tpu.memref_slice %arg10[%add3A_5, %dma_wait3A_89] : memref<10240x128xf32, #tpu.memory_space<vmem_shared>> -> memref<128x128xf32, #tpu.memory_space<vmem_shared>>
      tpu.wait_dma2 semaphore(%run_scoped3A_82 : memref<!tpu.dma_semaphore, #tpu.memory_space<semaphore_mem>>) src(%arg8 : memref<128x128xf32, #tpu.memory_space<vmem>>) dst(%dma_wait3A_90 : memref<128x128xf32, #tpu.memory_space<vmem_shared>>)
      tpu.yield
    }) : () -> ()
    %add3A_6 = arith.constant 128 : i32
    %add3A_7 = arith.addi %mul3A_0, %add3A_6 : i32
    "tpu.region"() ({
      %run_scoped3A_82 = tpu.sem_alloc : memref<!tpu.dma_semaphore, #tpu.memory_space<semaphore_mem>>
      %dma_start3A_83 = arith.constant 0 : i32
      %dma_start3A_84 = tpu.memref_slice %arg10[%add3A_7, %dma_start3A_83] : memref<10240x128xf32, #tpu.memory_space<vmem_shared>> -> memref<128x128xf32, #tpu.memory_space<vmem_shared>>
      %dma_start3A_85 = arith.constant 0 : i32
      %dma_start3A_86 = tpu.memref_slice %arg10[%add3A_7, %dma_start3A_85] : memref<10240x128xf32, #tpu.memory_space<vmem_shared>> -> memref<128x128xf32, #tpu.memory_space<vmem_shared>>
      tpu.enqueue_dma source(%arg8 : memref<128x128xf32, #tpu.memory_space<vmem>>) target(%dma_start3A_86 : memref<128x128xf32, #tpu.memory_space<vmem_shared>>) target_semaphore(%run_scoped3A_82 : memref<!tpu.dma_semaphore, #tpu.memory_space<semaphore_mem>>)
      %dma_wait3A_87 = arith.constant 0 : i32
      %dma_wait3A_88 = tpu.memref_slice %arg10[%add3A_7, %dma_wait3A_87] : memref<10240x128xf32, #tpu.memory_space<vmem_shared>> -> memref<128x128xf32, #tpu.memory_space<vmem_shared>>
      %dma_wait3A_89 = arith.constant 0 : i32
      %dma_wait3A_90 = tpu.memref_slice %arg10[%add3A_7, %dma_wait3A_89] : memref<10240x128xf32, #tpu.memory_space<vmem_shared>> -> memref<128x128xf32, #tpu.memory_space<vmem_shared>>
      tpu.wait_dma2 semaphore(%run_scoped3A_82 : memref<!tpu.dma_semaphore, #tpu.memory_space<semaphore_mem>>) src(%arg8 : memref<128x128xf32, #tpu.memory_space<vmem>>) dst(%dma_wait3A_90 : memref<128x128xf32, #tpu.memory_space<vmem_shared>>)
      tpu.yield
    }) : () -> ()
    %add3A_8 = arith.constant 256 : i32
    %add3A_9 = arith.addi %mul3A_0, %add3A_8 : i32
    "tpu.region"() ({
      %run_scoped3A_82 = tpu.sem_alloc : memref<!tpu.dma_semaphore, #tpu.memory_space<semaphore_mem>>
      %dma_start3A_83 = arith.constant 0 : i32
      %dma_start3A_84 = tpu.memref_slice %arg10[%add3A_9, %dma_start3A_83] : memref<10240x128xf32, #tpu.memory_space<vmem_shared>> -> memref<128x128xf32, #tpu.memory_space<vmem_shared>>
      %dma_start3A_85 = arith.constant 0 : i32
      %dma_start3A_86 = tpu.memref_slice %arg10[%add3A_9, %dma_start3A_85] : memref<10240x128xf32, #tpu.memory_space<vmem_shared>> -> memref<128x128xf32, #tpu.memory_space<vmem_shared>>
      tpu.enqueue_dma source(%arg8 : memref<128x128xf32, #tpu.memory_space<vmem>>) target(%dma_start3A_86 : memref<128x128xf32, #tpu.memory_space<vmem_shared>>) target_semaphore(%run_scoped3A_82 : memref<!tpu.dma_semaphore, #tpu.memory_space<semaphore_mem>>)
      %dma_wait3A_87 = arith.constant 0 : i32
      %dma_wait3A_88 = tpu.memref_slice %arg10[%add3A_9, %dma_wait3A_87] : memref<10240x128xf32, #tpu.memory_space<vmem_shared>> -> memref<128x128xf32, #tpu.memory_space<vmem_shared>>
      %dma_wait3A_89 = arith.constant 0 : i32
      %dma_wait3A_90 = tpu.memref_slice %arg10[%add3A_9, %dma_wait3A_89] : memref<10240x128xf32, #tpu.memory_space<vmem_shared>> -> memref<128x128xf32, #tpu.memory_space<vmem_shared>>
      tpu.wait_dma2 semaphore(%run_scoped3A_82 : memref<!tpu.dma_semaphore, #tpu.memory_space<semaphore_mem>>) src(%arg8 : memref<128x128xf32, #tpu.memory_space<vmem>>) dst(%dma_wait3A_90 : memref<128x128xf32, #tpu.memory_space<vmem_shared>>)
      tpu.yield
    }) : () -> ()
    %add3A_10 = arith.constant 384 : i32
    %add3A_11 = arith.addi %mul3A_0, %add3A_10 : i32
    "tpu.region"() ({
      %run_scoped3A_82 = tpu.sem_alloc : memref<!tpu.dma_semaphore, #tpu.memory_space<semaphore_mem>>
      %dma_start3A_83 = arith.constant 0 : i32
      %dma_start3A_84 = tpu.memref_slice %arg10[%add3A_11, %dma_start3A_83] : memref<10240x128xf32, #tpu.memory_space<vmem_shared>> -> memref<128x128xf32, #tpu.memory_space<vmem_shared>>
      %dma_start3A_85 = arith.constant 0 : i32
      %dma_start3A_86 = tpu.memref_slice %arg10[%add3A_11, %dma_start3A_85] : memref<10240x128xf32, #tpu.memory_space<vmem_shared>> -> memref<128x128xf32, #tpu.memory_space<vmem_shared>>
      tpu.enqueue_dma source(%arg8 : memref<128x128xf32, #tpu.memory_space<vmem>>) target(%dma_start3A_86 : memref<128x128xf32, #tpu.memory_space<vmem_shared>>) target_semaphore(%run_scoped3A_82 : memref<!tpu.dma_semaphore, #tpu.memory_space<semaphore_mem>>)
      %dma_wait3A_87 = arith.constant 0 : i32
      %dma_wait3A_88 = tpu.memref_slice %arg10[%add3A_11, %dma_wait3A_87] : memref<10240x128xf32, #tpu.memory_space<vmem_shared>> -> memref<128x128xf32, #tpu.memory_space<vmem_shared>>
      %dma_wait3A_89 = arith.constant 0 : i32
      %dma_wait3A_90 = tpu.memref_slice %arg10[%add3A_11, %dma_wait3A_89] : memref<10240x128xf32, #tpu.memory_space<vmem_shared>> -> memref<128x128xf32, #tpu.memory_space<vmem_shared>>
      tpu.wait_dma2 semaphore(%run_scoped3A_82 : memref<!tpu.dma_semaphore, #tpu.memory_space<semaphore_mem>>) src(%arg8 : memref<128x128xf32, #tpu.memory_space<vmem>>) dst(%dma_wait3A_90 : memref<128x128xf32, #tpu.memory_space<vmem_shared>>)
      tpu.yield
    }) : () -> ()
    %add3A_12 = arith.constant 512 : i32
    %add3A_13 = arith.addi %mul3A_0, %add3A_12 : i32
    "tpu.region"() ({
      %run_scoped3A_82 = tpu.sem_alloc : memref<!tpu.dma_semaphore, #tpu.memory_space<semaphore_mem>>
      %dma_start3A_83 = arith.constant 0 : i32
      %dma_start3A_84 = tpu.memref_slice %arg10[%add3A_13, %dma_start3A_83] : memref<10240x128xf32, #tpu.memory_space<vmem_shared>> -> memref<128x128xf32, #tpu.memory_space<vmem_shared>>
      %dma_start3A_85 = arith.constant 0 : i32
      %dma_start3A_86 = tpu.memref_slice %arg10[%add3A_13, %dma_start3A_85] : memref<10240x128xf32, #tpu.memory_space<vmem_shared>> -> memref<128x128xf32, #tpu.memory_space<vmem_shared>>
      tpu.enqueue_dma source(%arg8 : memref<128x128xf32, #tpu.memory_space<vmem>>) target(%dma_start3A_86 : memref<128x128xf32, #tpu.memory_space<vmem_shared>>) target_semaphore(%run_scoped3A_82 : memref<!tpu.dma_semaphore, #tpu.memory_space<semaphore_mem>>)
      %dma_wait3A_87 = arith.constant 0 : i32
      %dma_wait3A_88 = tpu.memref_slice %arg10[%add3A_13, %dma_wait3A_87] : memref<10240x128xf32, #tpu.memory_space<vmem_shared>> -> memref<128x128xf32, #tpu.memory_space<vmem_shared>>
      %dma_wait3A_89 = arith.constant 0 : i32
      %dma_wait3A_90 = tpu.memref_slice %arg10[%add3A_13, %dma_wait3A_89] : memref<10240x128xf32, #tpu.memory_space<vmem_shared>> -> memref<128x128xf32, #tpu.memory_space<vmem_shared>>
      tpu.wait_dma2 semaphore(%run_scoped3A_82 : memref<!tpu.dma_semaphore, #tpu.memory_space<semaphore_mem>>) src(%arg8 : memref<128x128xf32, #tpu.memory_space<vmem>>) dst(%dma_wait3A_90 : memref<128x128xf32, #tpu.memory_space<vmem_shared>>)
      tpu.yield
    }) : () -> ()
    %barrier3A = arith.constant 0 : index
    tpu.barrier barrier_id(%barrier3A)
    "tpu.region"() ({
      %run_scoped3A_82 = tpu.sem_alloc : memref<!tpu.dma_semaphore, #tpu.memory_space<semaphore_mem>>
      %dma_start3A_83 = arith.constant 0 : i32
      %dma_start3A_84 = arith.constant 0 : i32
      %dma_start3A_85 = tpu.memref_slice %arg3[%arg0, %arg1, %dma_start3A_83, %dma_start3A_84] : memref<2x16x80x128xi32, #tpu.memory_space<hbm>> -> memref<1x1x40x128xi32, #tpu.memory_space<hbm>>
      %dma_start3A_86 = tpu.memref_squeeze %dma_start3A_85 : memref<1x1x40x128xi32, #tpu.memory_space<hbm>> -> memref<40x128xi32, #tpu.memory_space<hbm>>
      %dma_start3A_87 = arith.constant 0 : i32
      %dma_start3A_88 = arith.constant 0 : i32
      %dma_start3A_89 = tpu.memref_slice %arg3[%arg0, %arg1, %dma_start3A_87, %dma_start3A_88] : memref<2x16x80x128xi32, #tpu.memory_space<hbm>> -> memref<1x1x40x128xi32, #tpu.memory_space<hbm>>
      %dma_start3A_90 = tpu.memref_squeeze %dma_start3A_89 : memref<1x1x40x128xi32, #tpu.memory_space<hbm>> -> memref<40x128xi32, #tpu.memory_space<hbm>>
      tpu.enqueue_dma source(%dma_start3A_90 : memref<40x128xi32, #tpu.memory_space<hbm>>) target(%arg6 : memref<40x128xi32, #tpu.memory_space<vmem>>) target_semaphore(%run_scoped3A_82 : memref<!tpu.dma_semaphore, #tpu.memory_space<semaphore_mem>>)
      %dma_wait3A_91 = arith.constant 0 : i32
      %dma_wait3A_92 = arith.constant 0 : i32
      %dma_wait3A_93 = tpu.memref_slice %arg3[%arg0, %arg1, %dma_wait3A_91, %dma_wait3A_92] : memref<2x16x80x128xi32, #tpu.memory_space<hbm>> -> memref<1x1x40x128xi32, #tpu.memory_space<hbm>>
      %dma_wait3A_94 = tpu.memref_squeeze %dma_wait3A_93 : memref<1x1x40x128xi32, #tpu.memory_space<hbm>> -> memref<40x128xi32, #tpu.memory_space<hbm>>
      %dma_wait3A_95 = arith.constant 0 : i32
      %dma_wait3A_96 = arith.constant 0 : i32
      %dma_wait3A_97 = tpu.memref_slice %arg3[%arg0, %arg1, %dma_wait3A_95, %dma_wait3A_96] : memref<2x16x80x128xi32, #tpu.memory_space<hbm>> -> memref<1x1x40x128xi32, #tpu.memory_space<hbm>>
      %dma_wait3A_98 = tpu.memref_squeeze %dma_wait3A_97 : memref<1x1x40x128xi32, #tpu.memory_space<hbm>> -> memref<40x128xi32, #tpu.memory_space<hbm>>
      tpu.wait_dma2 semaphore(%run_scoped3A_82 : memref<!tpu.dma_semaphore, #tpu.memory_space<semaphore_mem>>) src(%dma_wait3A_98 : memref<40x128xi32, #tpu.memory_space<hbm>>) dst(%arg6 : memref<40x128xi32, #tpu.memory_space<vmem>>)
      tpu.yield
    }) : () -> ()
    "tpu.region"() ({
      %run_scoped3A_82 = tpu.sem_alloc : memref<!tpu.dma_semaphore, #tpu.memory_space<semaphore_mem>>
      %dma_start3A_83 = arith.constant 0 : i32
      %dma_start3A_84 = arith.constant 0 : i32
      %dma_start3A_85 = tpu.memref_slice %arg4[%arg0, %arg1, %dma_start3A_83, %dma_start3A_84] : memref<2x16x80x128xi32, #tpu.memory_space<hbm>> -> memref<1x1x40x128xi32, #tpu.memory_space<hbm>>
      %dma_start3A_86 = tpu.memref_squeeze %dma_start3A_85 : memref<1x1x40x128xi32, #tpu.memory_space<hbm>> -> memref<40x128xi32, #tpu.memory_space<hbm>>
      %dma_start3A_87 = arith.constant 0 : i32
      %dma_start3A_88 = arith.constant 0 : i32
      %dma_start3A_89 = tpu.memref_slice %arg4[%arg0, %arg1, %dma_start3A_87, %dma_start3A_88] : memref<2x16x80x128xi32, #tpu.memory_space<hbm>> -> memref<1x1x40x128xi32, #tpu.memory_space<hbm>>
      %dma_start3A_90 = tpu.memref_squeeze %dma_start3A_89 : memref<1x1x40x128xi32, #tpu.memory_space<hbm>> -> memref<40x128xi32, #tpu.memory_space<hbm>>
      tpu.enqueue_dma source(%dma_start3A_90 : memref<40x128xi32, #tpu.memory_space<hbm>>) target(%arg7 : memref<40x128xi32, #tpu.memory_space<vmem>>) target_semaphore(%run_scoped3A_82 : memref<!tpu.dma_semaphore, #tpu.memory_space<semaphore_mem>>)
      %dma_wait3A_91 = arith.constant 0 : i32
      %dma_wait3A_92 = arith.constant 0 : i32
      %dma_wait3A_93 = tpu.memref_slice %arg4[%arg0, %arg1, %dma_wait3A_91, %dma_wait3A_92] : memref<2x16x80x128xi32, #tpu.memory_space<hbm>> -> memref<1x1x40x128xi32, #tpu.memory_space<hbm>>
      %dma_wait3A_94 = tpu.memref_squeeze %dma_wait3A_93 : memref<1x1x40x128xi32, #tpu.memory_space<hbm>> -> memref<40x128xi32, #tpu.memory_space<hbm>>
      %dma_wait3A_95 = arith.constant 0 : i32
      %dma_wait3A_96 = arith.constant 0 : i32
      %dma_wait3A_97 = tpu.memref_slice %arg4[%arg0, %arg1, %dma_wait3A_95, %dma_wait3A_96] : memref<2x16x80x128xi32, #tpu.memory_space<hbm>> -> memref<1x1x40x128xi32, #tpu.memory_space<hbm>>
      %dma_wait3A_98 = tpu.memref_squeeze %dma_wait3A_97 : memref<1x1x40x128xi32, #tpu.memory_space<hbm>> -> memref<40x128xi32, #tpu.memory_space<hbm>>
      tpu.wait_dma2 semaphore(%run_scoped3A_82 : memref<!tpu.dma_semaphore, #tpu.memory_space<semaphore_mem>>) src(%dma_wait3A_98 : memref<40x128xi32, #tpu.memory_space<hbm>>) dst(%arg7 : memref<40x128xi32, #tpu.memory_space<vmem>>)
      tpu.yield
    }) : () -> ()
    %dma_start3A = arith.constant 0 : i32
    %dma_start3A_14 = arith.constant 0 : i32
    %dma_start3A_15 = tpu.memref_slice %arg6[%dma_start3A, %dma_start3A_14] : memref<40x128xi32, #tpu.memory_space<vmem>> -> memref<1x128xi32, #tpu.memory_space<vmem>>
    %dma_start3A_16 = tpu.memref_squeeze %dma_start3A_15 : memref<1x128xi32, #tpu.memory_space<vmem>> -> memref<128xi32, #tpu.memory_space<vmem>>
    %dma_start3A_17 = arith.constant 0 : i32
    %dma_start3A_18 = arith.constant 0 : i32
    %dma_start3A_19 = tpu.memref_slice %arg2[%dma_start3A_17, %dma_start3A_18] : memref<20480x128xf32, #tpu.memory_space<hbm>> -> memref<20480x128xf32, #tpu.memory_space<hbm>>
    tpu.enqueue_indirect_dma source(%dma_start3A_19 : memref<20480x128xf32, #tpu.memory_space<hbm>>) target(%arg8 : memref<128x128xf32, #tpu.memory_space<vmem>>) offsets(%dma_start3A_16 : memref<128xi32, #tpu.memory_space<vmem>>) semaphore(%arg11 : memref<!tpu.dma_semaphore, #tpu.memory_space<semaphore_mem>>)
    %scan3A_20 = arith.constant 0 : i32
    %scan3A_21 = arith.constant 19 : i32
    %scan3A_22 = arith.addi %scan3A_20, %scan3A_21 : i32
    %scan3A_23 = arith.constant 1 : i32
    scf.for %scan3A_82 = %scan3A_20 to %scan3A_22 step %scan3A_23  : i32 {
      %mul3A_83 = arith.constant 1 : i32
      %mul3A_84 = arith.muli %scan3A_82, %mul3A_83 : i32
      %add3A_85 = arith.constant 0 : i32
      %add3A_86 = arith.addi %add3A_85, %mul3A_84 : i32
      %mul3A_87 = arith.constant 2 : i32
      %mul3A_88 = arith.muli %mul3A_87, %add3A_86 : i32
      %add3A_89 = arith.constant 1 : i32
      %add3A_90 = arith.addi %mul3A_88, %add3A_89 : i32
      %dma_start3A_91 = arith.constant 0 : i32
      %dma_start3A_92 = tpu.memref_slice %arg6[%add3A_90, %dma_start3A_91] : memref<40x128xi32, #tpu.memory_space<vmem>> -> memref<1x128xi32, #tpu.memory_space<vmem>>
      %dma_start3A_93 = tpu.memref_squeeze %dma_start3A_92 : memref<1x128xi32, #tpu.memory_space<vmem>> -> memref<128xi32, #tpu.memory_space<vmem>>
      %dma_start3A_94 = arith.constant 0 : i32
      %dma_start3A_95 = arith.constant 0 : i32
      %dma_start3A_96 = tpu.memref_slice %arg2[%dma_start3A_94, %dma_start3A_95] : memref<20480x128xf32, #tpu.memory_space<hbm>> -> memref<20480x128xf32, #tpu.memory_space<hbm>>
      tpu.enqueue_indirect_dma source(%dma_start3A_96 : memref<20480x128xf32, #tpu.memory_space<hbm>>) target(%arg9 : memref<128x128xf32, #tpu.memory_space<vmem>>) offsets(%dma_start3A_93 : memref<128xi32, #tpu.memory_space<vmem>>) semaphore(%arg12 : memref<!tpu.dma_semaphore, #tpu.memory_space<semaphore_mem>>)
      %dma_wait3A_97 = arith.constant 0 : i32
      %dma_wait3A_98 = tpu.memref_slice %arg6[%mul3A_88, %dma_wait3A_97] : memref<40x128xi32, #tpu.memory_space<vmem>> -> memref<1x128xi32, #tpu.memory_space<vmem>>
      %dma_wait3A_99 = tpu.memref_squeeze %dma_wait3A_98 : memref<1x128xi32, #tpu.memory_space<vmem>> -> memref<128xi32, #tpu.memory_space<vmem>>
      %dma_wait3A_100 = arith.constant 0 : i32
      %dma_wait3A_101 = arith.constant 0 : i32
      %dma_wait3A_102 = tpu.memref_slice %arg2[%dma_wait3A_100, %dma_wait3A_101] : memref<20480x128xf32, #tpu.memory_space<hbm>> -> memref<20480x128xf32, #tpu.memory_space<hbm>>
      tpu.wait_indirect_dma semaphore(%arg11 : memref<!tpu.dma_semaphore, #tpu.memory_space<semaphore_mem>>) src(%dma_wait3A_102 : memref<20480x128xf32, #tpu.memory_space<hbm>>) dst(%arg8 : memref<128x128xf32, #tpu.memory_space<vmem>>)
      "tpu.region"() ({
        %run_scoped3A_121 = tpu.sem_alloc : memref<!tpu.dma_semaphore, #tpu.memory_space<semaphore_mem>>
        %dma_start3A_122 = arith.constant 0 : i32
        %dma_start3A_123 = tpu.memref_slice %arg7[%mul3A_88, %dma_start3A_122] : memref<40x128xi32, #tpu.memory_space<vmem>> -> memref<1x128xi32, #tpu.memory_space<vmem>>
        %dma_start3A_124 = tpu.memref_squeeze %dma_start3A_123 : memref<1x128xi32, #tpu.memory_space<vmem>> -> memref<128xi32, #tpu.memory_space<vmem>>
        %dma_start3A_125 = arith.constant 0 : i32
        %dma_start3A_126 = arith.constant 0 : i32
        %dma_start3A_127 = tpu.memref_slice %arg10[%dma_start3A_125, %dma_start3A_126] : memref<10240x128xf32, #tpu.memory_space<vmem_shared>> -> memref<10240x128xf32, #tpu.memory_space<vmem_shared>>
        tpu.enqueue_indirect_dma source(%arg8 : memref<128x128xf32, #tpu.memory_space<vmem>>) target(%dma_start3A_127 : memref<10240x128xf32, #tpu.memory_space<vmem_shared>>) offsets(%dma_start3A_124 : memref<128xi32, #tpu.memory_space<vmem>>) semaphore(%run_scoped3A_121 : memref<!tpu.dma_semaphore, #tpu.memory_space<semaphore_mem>>) {add = true}
        %dma_wait3A_128 = arith.constant 0 : i32
        %dma_wait3A_129 = tpu.memref_slice %arg7[%mul3A_88, %dma_wait3A_128] : memref<40x128xi32, #tpu.memory_space<vmem>> -> memref<1x128xi32, #tpu.memory_space<vmem>>
        %dma_wait3A_130 = tpu.memref_squeeze %dma_wait3A_129 : memref<1x128xi32, #tpu.memory_space<vmem>> -> memref<128xi32, #tpu.memory_space<vmem>>
        %dma_wait3A_131 = arith.constant 0 : i32
        %dma_wait3A_132 = arith.constant 0 : i32
        %dma_wait3A_133 = tpu.memref_slice %arg10[%dma_wait3A_131, %dma_wait3A_132] : memref<10240x128xf32, #tpu.memory_space<vmem_shared>> -> memref<10240x128xf32, #tpu.memory_space<vmem_shared>>
        tpu.wait_indirect_dma semaphore(%run_scoped3A_121 : memref<!tpu.dma_semaphore, #tpu.memory_space<semaphore_mem>>) src(%arg8 : memref<128x128xf32, #tpu.memory_space<vmem>>) dst(%dma_wait3A_133 : memref<10240x128xf32, #tpu.memory_space<vmem_shared>>)
        tpu.yield
      }) : () -> ()
      %add3A_103 = arith.constant 2 : i32
      %add3A_104 = arith.addi %mul3A_88, %add3A_103 : i32
      %dma_start3A_105 = arith.constant 0 : i32
      %dma_start3A_106 = tpu.memref_slice %arg6[%add3A_104, %dma_start3A_105] : memref<40x128xi32, #tpu.memory_space<vmem>> -> memref<1x128xi32, #tpu.memory_space<vmem>>
      %dma_start3A_107 = tpu.memref_squeeze %dma_start3A_106 : memref<1x128xi32, #tpu.memory_space<vmem>> -> memref<128xi32, #tpu.memory_space<vmem>>
      %dma_start3A_108 = arith.constant 0 : i32
      %dma_start3A_109 = arith.constant 0 : i32
      %dma_start3A_110 = tpu.memref_slice %arg2[%dma_start3A_108, %dma_start3A_109] : memref<20480x128xf32, #tpu.memory_space<hbm>> -> memref<20480x128xf32, #tpu.memory_space<hbm>>
      tpu.enqueue_indirect_dma source(%dma_start3A_110 : memref<20480x128xf32, #tpu.memory_space<hbm>>) target(%arg8 : memref<128x128xf32, #tpu.memory_space<vmem>>) offsets(%dma_start3A_107 : memref<128xi32, #tpu.memory_space<vmem>>) semaphore(%arg11 : memref<!tpu.dma_semaphore, #tpu.memory_space<semaphore_mem>>)
      %add3A_111 = arith.constant 1 : i32
      %add3A_112 = arith.addi %mul3A_88, %add3A_111 : i32
      %dma_wait3A_113 = arith.constant 0 : i32
      %dma_wait3A_114 = tpu.memref_slice %arg6[%add3A_112, %dma_wait3A_113] : memref<40x128xi32, #tpu.memory_space<vmem>> -> memref<1x128xi32, #tpu.memory_space<vmem>>
      %dma_wait3A_115 = tpu.memref_squeeze %dma_wait3A_114 : memref<1x128xi32, #tpu.memory_space<vmem>> -> memref<128xi32, #tpu.memory_space<vmem>>
      %dma_wait3A_116 = arith.constant 0 : i32
      %dma_wait3A_117 = arith.constant 0 : i32
      %dma_wait3A_118 = tpu.memref_slice %arg2[%dma_wait3A_116, %dma_wait3A_117] : memref<20480x128xf32, #tpu.memory_space<hbm>> -> memref<20480x128xf32, #tpu.memory_space<hbm>>
      tpu.wait_indirect_dma semaphore(%arg12 : memref<!tpu.dma_semaphore, #tpu.memory_space<semaphore_mem>>) src(%dma_wait3A_118 : memref<20480x128xf32, #tpu.memory_space<hbm>>) dst(%arg9 : memref<128x128xf32, #tpu.memory_space<vmem>>)
      %add3A_119 = arith.constant 1 : i32
      %add3A_120 = arith.addi %mul3A_88, %add3A_119 : i32
      "tpu.region"() ({
        %run_scoped3A_121 = tpu.sem_alloc : memref<!tpu.dma_semaphore, #tpu.memory_space<semaphore_mem>>
        %dma_start3A_122 = arith.constant 0 : i32
        %dma_start3A_123 = tpu.memref_slice %arg7[%add3A_120, %dma_start3A_122] : memref<40x128xi32, #tpu.memory_space<vmem>> -> memref<1x128xi32, #tpu.memory_space<vmem>>
        %dma_start3A_124 = tpu.memref_squeeze %dma_start3A_123 : memref<1x128xi32, #tpu.memory_space<vmem>> -> memref<128xi32, #tpu.memory_space<vmem>>
        %dma_start3A_125 = arith.constant 0 : i32
        %dma_start3A_126 = arith.constant 0 : i32
        %dma_start3A_127 = tpu.memref_slice %arg10[%dma_start3A_125, %dma_start3A_126] : memref<10240x128xf32, #tpu.memory_space<vmem_shared>> -> memref<10240x128xf32, #tpu.memory_space<vmem_shared>>
        tpu.enqueue_indirect_dma source(%arg9 : memref<128x128xf32, #tpu.memory_space<vmem>>) target(%dma_start3A_127 : memref<10240x128xf32, #tpu.memory_space<vmem_shared>>) offsets(%dma_start3A_124 : memref<128xi32, #tpu.memory_space<vmem>>) semaphore(%run_scoped3A_121 : memref<!tpu.dma_semaphore, #tpu.memory_space<semaphore_mem>>) {add = true}
        %dma_wait3A_128 = arith.constant 0 : i32
        %dma_wait3A_129 = tpu.memref_slice %arg7[%add3A_120, %dma_wait3A_128] : memref<40x128xi32, #tpu.memory_space<vmem>> -> memref<1x128xi32, #tpu.memory_space<vmem>>
        %dma_wait3A_130 = tpu.memref_squeeze %dma_wait3A_129 : memref<1x128xi32, #tpu.memory_space<vmem>> -> memref<128xi32, #tpu.memory_space<vmem>>
        %dma_wait3A_131 = arith.constant 0 : i32
        %dma_wait3A_132 = arith.constant 0 : i32
        %dma_wait3A_133 = tpu.memref_slice %arg10[%dma_wait3A_131, %dma_wait3A_132] : memref<10240x128xf32, #tpu.memory_space<vmem_shared>> -> memref<10240x128xf32, #tpu.memory_space<vmem_shared>>
        tpu.wait_indirect_dma semaphore(%run_scoped3A_121 : memref<!tpu.dma_semaphore, #tpu.memory_space<semaphore_mem>>) src(%arg9 : memref<128x128xf32, #tpu.memory_space<vmem>>) dst(%dma_wait3A_133 : memref<10240x128xf32, #tpu.memory_space<vmem_shared>>)
        tpu.yield
      }) : () -> ()
    }
    %scan3A_24 = arith.constant 19 : i32
    %dma_start3A_25 = arith.constant 39 : i32
    %dma_start3A_26 = arith.constant 0 : i32
    %dma_start3A_27 = tpu.memref_slice %arg6[%dma_start3A_25, %dma_start3A_26] : memref<40x128xi32, #tpu.memory_space<vmem>> -> memref<1x128xi32, #tpu.memory_space<vmem>>
    %dma_start3A_28 = tpu.memref_squeeze %dma_start3A_27 : memref<1x128xi32, #tpu.memory_space<vmem>> -> memref<128xi32, #tpu.memory_space<vmem>>
    %dma_start3A_29 = arith.constant 0 : i32
    %dma_start3A_30 = arith.constant 0 : i32
    %dma_start3A_31 = tpu.memref_slice %arg2[%dma_start3A_29, %dma_start3A_30] : memref<20480x128xf32, #tpu.memory_space<hbm>> -> memref<20480x128xf32, #tpu.memory_space<hbm>>
    tpu.enqueue_indirect_dma source(%dma_start3A_31 : memref<20480x128xf32, #tpu.memory_space<hbm>>) target(%arg9 : memref<128x128xf32, #tpu.memory_space<vmem>>) offsets(%dma_start3A_28 : memref<128xi32, #tpu.memory_space<vmem>>) semaphore(%arg12 : memref<!tpu.dma_semaphore, #tpu.memory_space<semaphore_mem>>)
    %dma_wait3A = arith.constant 38 : i32
    %dma_wait3A_32 = arith.constant 0 : i32
    %dma_wait3A_33 = tpu.memref_slice %arg6[%dma_wait3A, %dma_wait3A_32] : memref<40x128xi32, #tpu.memory_space<vmem>> -> memref<1x128xi32, #tpu.memory_space<vmem>>
    %dma_wait3A_34 = tpu.memref_squeeze %dma_wait3A_33 : memref<1x128xi32, #tpu.memory_space<vmem>> -> memref<128xi32, #tpu.memory_space<vmem>>
    %dma_wait3A_35 = arith.constant 0 : i32
    %dma_wait3A_36 = arith.constant 0 : i32
    %dma_wait3A_37 = tpu.memref_slice %arg2[%dma_wait3A_35, %dma_wait3A_36] : memref<20480x128xf32, #tpu.memory_space<hbm>> -> memref<20480x128xf32, #tpu.memory_space<hbm>>
    tpu.wait_indirect_dma semaphore(%arg11 : memref<!tpu.dma_semaphore, #tpu.memory_space<semaphore_mem>>) src(%dma_wait3A_37 : memref<20480x128xf32, #tpu.memory_space<hbm>>) dst(%arg8 : memref<128x128xf32, #tpu.memory_space<vmem>>)
    %run_scoped3A = arith.constant 38 : i32
    "tpu.region"() ({
      %run_scoped3A_82 = tpu.sem_alloc : memref<!tpu.dma_semaphore, #tpu.memory_space<semaphore_mem>>
      %dma_start3A_83 = arith.constant 0 : i32
      %dma_start3A_84 = tpu.memref_slice %arg7[%run_scoped3A, %dma_start3A_83] : memref<40x128xi32, #tpu.memory_space<vmem>> -> memref<1x128xi32, #tpu.memory_space<vmem>>
      %dma_start3A_85 = tpu.memref_squeeze %dma_start3A_84 : memref<1x128xi32, #tpu.memory_space<vmem>> -> memref<128xi32, #tpu.memory_space<vmem>>
      %dma_start3A_86 = arith.constant 0 : i32
      %dma_start3A_87 = arith.constant 0 : i32
      %dma_start3A_88 = tpu.memref_slice %arg10[%dma_start3A_86, %dma_start3A_87] : memref<10240x128xf32, #tpu.memory_space<vmem_shared>> -> memref<10240x128xf32, #tpu.memory_space<vmem_shared>>
      tpu.enqueue_indirect_dma source(%arg8 : memref<128x128xf32, #tpu.memory_space<vmem>>) target(%dma_start3A_88 : memref<10240x128xf32, #tpu.memory_space<vmem_shared>>) offsets(%dma_start3A_85 : memref<128xi32, #tpu.memory_space<vmem>>) semaphore(%run_scoped3A_82 : memref<!tpu.dma_semaphore, #tpu.memory_space<semaphore_mem>>) {add = true}
      %dma_wait3A_89 = arith.constant 0 : i32
      %dma_wait3A_90 = tpu.memref_slice %arg7[%run_scoped3A, %dma_wait3A_89] : memref<40x128xi32, #tpu.memory_space<vmem>> -> memref<1x128xi32, #tpu.memory_space<vmem>>
      %dma_wait3A_91 = tpu.memref_squeeze %dma_wait3A_90 : memref<1x128xi32, #tpu.memory_space<vmem>> -> memref<128xi32, #tpu.memory_space<vmem>>
      %dma_wait3A_92 = arith.constant 0 : i32
      %dma_wait3A_93 = arith.constant 0 : i32
      %dma_wait3A_94 = tpu.memref_slice %arg10[%dma_wait3A_92, %dma_wait3A_93] : memref<10240x128xf32, #tpu.memory_space<vmem_shared>> -> memref<10240x128xf32, #tpu.memory_space<vmem_shared>>
      tpu.wait_indirect_dma semaphore(%run_scoped3A_82 : memref<!tpu.dma_semaphore, #tpu.memory_space<semaphore_mem>>) src(%arg8 : memref<128x128xf32, #tpu.memory_space<vmem>>) dst(%dma_wait3A_94 : memref<10240x128xf32, #tpu.memory_space<vmem_shared>>)
      tpu.yield
    }) : () -> ()
    %dma_wait3A_38 = arith.constant 39 : i32
    %dma_wait3A_39 = arith.constant 0 : i32
    %dma_wait3A_40 = tpu.memref_slice %arg6[%dma_wait3A_38, %dma_wait3A_39] : memref<40x128xi32, #tpu.memory_space<vmem>> -> memref<1x128xi32, #tpu.memory_space<vmem>>
    %dma_wait3A_41 = tpu.memref_squeeze %dma_wait3A_40 : memref<1x128xi32, #tpu.memory_space<vmem>> -> memref<128xi32, #tpu.memory_space<vmem>>
    %dma_wait3A_42 = arith.constant 0 : i32
    %dma_wait3A_43 = arith.constant 0 : i32
    %dma_wait3A_44 = tpu.memref_slice %arg2[%dma_wait3A_42, %dma_wait3A_43] : memref<20480x128xf32, #tpu.memory_space<hbm>> -> memref<20480x128xf32, #tpu.memory_space<hbm>>
    tpu.wait_indirect_dma semaphore(%arg12 : memref<!tpu.dma_semaphore, #tpu.memory_space<semaphore_mem>>) src(%dma_wait3A_44 : memref<20480x128xf32, #tpu.memory_space<hbm>>) dst(%arg9 : memref<128x128xf32, #tpu.memory_space<vmem>>)
    %run_scoped3A_45 = arith.constant 39 : i32
    "tpu.region"() ({
      %run_scoped3A_82 = tpu.sem_alloc : memref<!tpu.dma_semaphore, #tpu.memory_space<semaphore_mem>>
      %dma_start3A_83 = arith.constant 0 : i32
      %dma_start3A_84 = tpu.memref_slice %arg7[%run_scoped3A_45, %dma_start3A_83] : memref<40x128xi32, #tpu.memory_space<vmem>> -> memref<1x128xi32, #tpu.memory_space<vmem>>
      %dma_start3A_85 = tpu.memref_squeeze %dma_start3A_84 : memref<1x128xi32, #tpu.memory_space<vmem>> -> memref<128xi32, #tpu.memory_space<vmem>>
      %dma_start3A_86 = arith.constant 0 : i32
      %dma_start3A_87 = arith.constant 0 : i32
      %dma_start3A_88 = tpu.memref_slice %arg10[%dma_start3A_86, %dma_start3A_87] : memref<10240x128xf32, #tpu.memory_space<vmem_shared>> -> memref<10240x128xf32, #tpu.memory_space<vmem_shared>>
      tpu.enqueue_indirect_dma source(%arg9 : memref<128x128xf32, #tpu.memory_space<vmem>>) target(%dma_start3A_88 : memref<10240x128xf32, #tpu.memory_space<vmem_shared>>) offsets(%dma_start3A_85 : memref<128xi32, #tpu.memory_space<vmem>>) semaphore(%run_scoped3A_82 : memref<!tpu.dma_semaphore, #tpu.memory_space<semaphore_mem>>) {add = true}
      %dma_wait3A_89 = arith.constant 0 : i32
      %dma_wait3A_90 = tpu.memref_slice %arg7[%run_scoped3A_45, %dma_wait3A_89] : memref<40x128xi32, #tpu.memory_space<vmem>> -> memref<1x128xi32, #tpu.memory_space<vmem>>
      %dma_wait3A_91 = tpu.memref_squeeze %dma_wait3A_90 : memref<1x128xi32, #tpu.memory_space<vmem>> -> memref<128xi32, #tpu.memory_space<vmem>>
      %dma_wait3A_92 = arith.constant 0 : i32
      %dma_wait3A_93 = arith.constant 0 : i32
      %dma_wait3A_94 = tpu.memref_slice %arg10[%dma_wait3A_92, %dma_wait3A_93] : memref<10240x128xf32, #tpu.memory_space<vmem_shared>> -> memref<10240x128xf32, #tpu.memory_space<vmem_shared>>
      tpu.wait_indirect_dma semaphore(%run_scoped3A_82 : memref<!tpu.dma_semaphore, #tpu.memory_space<semaphore_mem>>) src(%arg9 : memref<128x128xf32, #tpu.memory_space<vmem>>) dst(%dma_wait3A_94 : memref<10240x128xf32, #tpu.memory_space<vmem_shared>>)
      tpu.yield
    }) : () -> ()
    "tpu.region"() ({
      %run_scoped3A_82 = tpu.sem_alloc : memref<!tpu.dma_semaphore, #tpu.memory_space<semaphore_mem>>
      %dma_start3A_83 = arith.constant 40 : i32
      %dma_start3A_84 = arith.constant 0 : i32
      %dma_start3A_85 = tpu.memref_slice %arg3[%arg0, %arg1, %dma_start3A_83, %dma_start3A_84] : memref<2x16x80x128xi32, #tpu.memory_space<hbm>> -> memref<1x1x40x128xi32, #tpu.memory_space<hbm>>
      %dma_start3A_86 = tpu.memref_squeeze %dma_start3A_85 : memref<1x1x40x128xi32, #tpu.memory_space<hbm>> -> memref<40x128xi32, #tpu.memory_space<hbm>>
      %dma_start3A_87 = arith.constant 40 : i32
      %dma_start3A_88 = arith.constant 0 : i32
      %dma_start3A_89 = tpu.memref_slice %arg3[%arg0, %arg1, %dma_start3A_87, %dma_start3A_88] : memref<2x16x80x128xi32, #tpu.memory_space<hbm>> -> memref<1x1x40x128xi32, #tpu.memory_space<hbm>>
      %dma_start3A_90 = tpu.memref_squeeze %dma_start3A_89 : memref<1x1x40x128xi32, #tpu.memory_space<hbm>> -> memref<40x128xi32, #tpu.memory_space<hbm>>
      tpu.enqueue_dma source(%dma_start3A_90 : memref<40x128xi32, #tpu.memory_space<hbm>>) target(%arg6 : memref<40x128xi32, #tpu.memory_space<vmem>>) target_semaphore(%run_scoped3A_82 : memref<!tpu.dma_semaphore, #tpu.memory_space<semaphore_mem>>)
      %dma_wait3A_91 = arith.constant 40 : i32
      %dma_wait3A_92 = arith.constant 0 : i32
      %dma_wait3A_93 = tpu.memref_slice %arg3[%arg0, %arg1, %dma_wait3A_91, %dma_wait3A_92] : memref<2x16x80x128xi32, #tpu.memory_space<hbm>> -> memref<1x1x40x128xi32, #tpu.memory_space<hbm>>
      %dma_wait3A_94 = tpu.memref_squeeze %dma_wait3A_93 : memref<1x1x40x128xi32, #tpu.memory_space<hbm>> -> memref<40x128xi32, #tpu.memory_space<hbm>>
      %dma_wait3A_95 = arith.constant 40 : i32
      %dma_wait3A_96 = arith.constant 0 : i32
      %dma_wait3A_97 = tpu.memref_slice %arg3[%arg0, %arg1, %dma_wait3A_95, %dma_wait3A_96] : memref<2x16x80x128xi32, #tpu.memory_space<hbm>> -> memref<1x1x40x128xi32, #tpu.memory_space<hbm>>
      %dma_wait3A_98 = tpu.memref_squeeze %dma_wait3A_97 : memref<1x1x40x128xi32, #tpu.memory_space<hbm>> -> memref<40x128xi32, #tpu.memory_space<hbm>>
      tpu.wait_dma2 semaphore(%run_scoped3A_82 : memref<!tpu.dma_semaphore, #tpu.memory_space<semaphore_mem>>) src(%dma_wait3A_98 : memref<40x128xi32, #tpu.memory_space<hbm>>) dst(%arg6 : memref<40x128xi32, #tpu.memory_space<vmem>>)
      tpu.yield
    }) : () -> ()
    "tpu.region"() ({
      %run_scoped3A_82 = tpu.sem_alloc : memref<!tpu.dma_semaphore, #tpu.memory_space<semaphore_mem>>
      %dma_start3A_83 = arith.constant 40 : i32
      %dma_start3A_84 = arith.constant 0 : i32
      %dma_start3A_85 = tpu.memref_slice %arg4[%arg0, %arg1, %dma_start3A_83, %dma_start3A_84] : memref<2x16x80x128xi32, #tpu.memory_space<hbm>> -> memref<1x1x40x128xi32, #tpu.memory_space<hbm>>
      %dma_start3A_86 = tpu.memref_squeeze %dma_start3A_85 : memref<1x1x40x128xi32, #tpu.memory_space<hbm>> -> memref<40x128xi32, #tpu.memory_space<hbm>>
      %dma_start3A_87 = arith.constant 40 : i32
      %dma_start3A_88 = arith.constant 0 : i32
      %dma_start3A_89 = tpu.memref_slice %arg4[%arg0, %arg1, %dma_start3A_87, %dma_start3A_88] : memref<2x16x80x128xi32, #tpu.memory_space<hbm>> -> memref<1x1x40x128xi32, #tpu.memory_space<hbm>>
      %dma_start3A_90 = tpu.memref_squeeze %dma_start3A_89 : memref<1x1x40x128xi32, #tpu.memory_space<hbm>> -> memref<40x128xi32, #tpu.memory_space<hbm>>
      tpu.enqueue_dma source(%dma_start3A_90 : memref<40x128xi32, #tpu.memory_space<hbm>>) target(%arg7 : memref<40x128xi32, #tpu.memory_space<vmem>>) target_semaphore(%run_scoped3A_82 : memref<!tpu.dma_semaphore, #tpu.memory_space<semaphore_mem>>)
      %dma_wait3A_91 = arith.constant 40 : i32
      %dma_wait3A_92 = arith.constant 0 : i32
      %dma_wait3A_93 = tpu.memref_slice %arg4[%arg0, %arg1, %dma_wait3A_91, %dma_wait3A_92] : memref<2x16x80x128xi32, #tpu.memory_space<hbm>> -> memref<1x1x40x128xi32, #tpu.memory_space<hbm>>
      %dma_wait3A_94 = tpu.memref_squeeze %dma_wait3A_93 : memref<1x1x40x128xi32, #tpu.memory_space<hbm>> -> memref<40x128xi32, #tpu.memory_space<hbm>>
      %dma_wait3A_95 = arith.constant 40 : i32
      %dma_wait3A_96 = arith.constant 0 : i32
      %dma_wait3A_97 = tpu.memref_slice %arg4[%arg0, %arg1, %dma_wait3A_95, %dma_wait3A_96] : memref<2x16x80x128xi32, #tpu.memory_space<hbm>> -> memref<1x1x40x128xi32, #tpu.memory_space<hbm>>
      %dma_wait3A_98 = tpu.memref_squeeze %dma_wait3A_97 : memref<1x1x40x128xi32, #tpu.memory_space<hbm>> -> memref<40x128xi32, #tpu.memory_space<hbm>>
      tpu.wait_dma2 semaphore(%run_scoped3A_82 : memref<!tpu.dma_semaphore, #tpu.memory_space<semaphore_mem>>) src(%dma_wait3A_98 : memref<40x128xi32, #tpu.memory_space<hbm>>) dst(%arg7 : memref<40x128xi32, #tpu.memory_space<vmem>>)
      tpu.yield
    }) : () -> ()
    %dma_start3A_46 = arith.constant 0 : i32
    %dma_start3A_47 = arith.constant 0 : i32
    %dma_start3A_48 = tpu.memref_slice %arg6[%dma_start3A_46, %dma_start3A_47] : memref<40x128xi32, #tpu.memory_space<vmem>> -> memref<1x128xi32, #tpu.memory_space<vmem>>
    %dma_start3A_49 = tpu.memref_squeeze %dma_start3A_48 : memref<1x128xi32, #tpu.memory_space<vmem>> -> memref<128xi32, #tpu.memory_space<vmem>>
    %dma_start3A_50 = arith.constant 0 : i32
    %dma_start3A_51 = arith.constant 0 : i32
    %dma_start3A_52 = tpu.memref_slice %arg2[%dma_start3A_50, %dma_start3A_51] : memref<20480x128xf32, #tpu.memory_space<hbm>> -> memref<20480x128xf32, #tpu.memory_space<hbm>>
    tpu.enqueue_indirect_dma source(%dma_start3A_52 : memref<20480x128xf32, #tpu.memory_space<hbm>>) target(%arg8 : memref<128x128xf32, #tpu.memory_space<vmem>>) offsets(%dma_start3A_49 : memref<128xi32, #tpu.memory_space<vmem>>) semaphore(%arg11 : memref<!tpu.dma_semaphore, #tpu.memory_space<semaphore_mem>>)
    %scan3A_53 = arith.constant 0 : i32
    %scan3A_54 = arith.constant 19 : i32
    %scan3A_55 = arith.addi %scan3A_53, %scan3A_54 : i32
    %scan3A_56 = arith.constant 1 : i32
    scf.for %scan3A_82 = %scan3A_53 to %scan3A_55 step %scan3A_56  : i32 {
      %mul3A_83 = arith.constant 1 : i32
      %mul3A_84 = arith.muli %scan3A_82, %mul3A_83 : i32
      %add3A_85 = arith.constant 0 : i32
      %add3A_86 = arith.addi %add3A_85, %mul3A_84 : i32
      %mul3A_87 = arith.constant 2 : i32
      %mul3A_88 = arith.muli %mul3A_87, %add3A_86 : i32
      %add3A_89 = arith.constant 1 : i32
      %add3A_90 = arith.addi %mul3A_88, %add3A_89 : i32
      %dma_start3A_91 = arith.constant 0 : i32
      %dma_start3A_92 = tpu.memref_slice %arg6[%add3A_90, %dma_start3A_91] : memref<40x128xi32, #tpu.memory_space<vmem>> -> memref<1x128xi32, #tpu.memory_space<vmem>>
      %dma_start3A_93 = tpu.memref_squeeze %dma_start3A_92 : memref<1x128xi32, #tpu.memory_space<vmem>> -> memref<128xi32, #tpu.memory_space<vmem>>
      %dma_start3A_94 = arith.constant 0 : i32
      %dma_start3A_95 = arith.constant 0 : i32
      %dma_start3A_96 = tpu.memref_slice %arg2[%dma_start3A_94, %dma_start3A_95] : memref<20480x128xf32, #tpu.memory_space<hbm>> -> memref<20480x128xf32, #tpu.memory_space<hbm>>
      tpu.enqueue_indirect_dma source(%dma_start3A_96 : memref<20480x128xf32, #tpu.memory_space<hbm>>) target(%arg9 : memref<128x128xf32, #tpu.memory_space<vmem>>) offsets(%dma_start3A_93 : memref<128xi32, #tpu.memory_space<vmem>>) semaphore(%arg12 : memref<!tpu.dma_semaphore, #tpu.memory_space<semaphore_mem>>)
      %dma_wait3A_97 = arith.constant 0 : i32
      %dma_wait3A_98 = tpu.memref_slice %arg6[%mul3A_88, %dma_wait3A_97] : memref<40x128xi32, #tpu.memory_space<vmem>> -> memref<1x128xi32, #tpu.memory_space<vmem>>
      %dma_wait3A_99 = tpu.memref_squeeze %dma_wait3A_98 : memref<1x128xi32, #tpu.memory_space<vmem>> -> memref<128xi32, #tpu.memory_space<vmem>>
      %dma_wait3A_100 = arith.constant 0 : i32
      %dma_wait3A_101 = arith.constant 0 : i32
      %dma_wait3A_102 = tpu.memref_slice %arg2[%dma_wait3A_100, %dma_wait3A_101] : memref<20480x128xf32, #tpu.memory_space<hbm>> -> memref<20480x128xf32, #tpu.memory_space<hbm>>
      tpu.wait_indirect_dma semaphore(%arg11 : memref<!tpu.dma_semaphore, #tpu.memory_space<semaphore_mem>>) src(%dma_wait3A_102 : memref<20480x128xf32, #tpu.memory_space<hbm>>) dst(%arg8 : memref<128x128xf32, #tpu.memory_space<vmem>>)
      "tpu.region"() ({
        %run_scoped3A_121 = tpu.sem_alloc : memref<!tpu.dma_semaphore, #tpu.memory_space<semaphore_mem>>
        %dma_start3A_122 = arith.constant 0 : i32
        %dma_start3A_123 = tpu.memref_slice %arg7[%mul3A_88, %dma_start3A_122] : memref<40x128xi32, #tpu.memory_space<vmem>> -> memref<1x128xi32, #tpu.memory_space<vmem>>
        %dma_start3A_124 = tpu.memref_squeeze %dma_start3A_123 : memref<1x128xi32, #tpu.memory_space<vmem>> -> memref<128xi32, #tpu.memory_space<vmem>>
        %dma_start3A_125 = arith.constant 0 : i32
        %dma_start3A_126 = arith.constant 0 : i32
        %dma_start3A_127 = tpu.memref_slice %arg10[%dma_start3A_125, %dma_start3A_126] : memref<10240x128xf32, #tpu.memory_space<vmem_shared>> -> memref<10240x128xf32, #tpu.memory_space<vmem_shared>>
        tpu.enqueue_indirect_dma source(%arg8 : memref<128x128xf32, #tpu.memory_space<vmem>>) target(%dma_start3A_127 : memref<10240x128xf32, #tpu.memory_space<vmem_shared>>) offsets(%dma_start3A_124 : memref<128xi32, #tpu.memory_space<vmem>>) semaphore(%run_scoped3A_121 : memref<!tpu.dma_semaphore, #tpu.memory_space<semaphore_mem>>) {add = true}
        %dma_wait3A_128 = arith.constant 0 : i32
        %dma_wait3A_129 = tpu.memref_slice %arg7[%mul3A_88, %dma_wait3A_128] : memref<40x128xi32, #tpu.memory_space<vmem>> -> memref<1x128xi32, #tpu.memory_space<vmem>>
        %dma_wait3A_130 = tpu.memref_squeeze %dma_wait3A_129 : memref<1x128xi32, #tpu.memory_space<vmem>> -> memref<128xi32, #tpu.memory_space<vmem>>
        %dma_wait3A_131 = arith.constant 0 : i32
        %dma_wait3A_132 = arith.constant 0 : i32
        %dma_wait3A_133 = tpu.memref_slice %arg10[%dma_wait3A_131, %dma_wait3A_132] : memref<10240x128xf32, #tpu.memory_space<vmem_shared>> -> memref<10240x128xf32, #tpu.memory_space<vmem_shared>>
        tpu.wait_indirect_dma semaphore(%run_scoped3A_121 : memref<!tpu.dma_semaphore, #tpu.memory_space<semaphore_mem>>) src(%arg8 : memref<128x128xf32, #tpu.memory_space<vmem>>) dst(%dma_wait3A_133 : memref<10240x128xf32, #tpu.memory_space<vmem_shared>>)
        tpu.yield
      }) : () -> ()
      %add3A_103 = arith.constant 2 : i32
      %add3A_104 = arith.addi %mul3A_88, %add3A_103 : i32
      %dma_start3A_105 = arith.constant 0 : i32
      %dma_start3A_106 = tpu.memref_slice %arg6[%add3A_104, %dma_start3A_105] : memref<40x128xi32, #tpu.memory_space<vmem>> -> memref<1x128xi32, #tpu.memory_space<vmem>>
      %dma_start3A_107 = tpu.memref_squeeze %dma_start3A_106 : memref<1x128xi32, #tpu.memory_space<vmem>> -> memref<128xi32, #tpu.memory_space<vmem>>
      %dma_start3A_108 = arith.constant 0 : i32
      %dma_start3A_109 = arith.constant 0 : i32
      %dma_start3A_110 = tpu.memref_slice %arg2[%dma_start3A_108, %dma_start3A_109] : memref<20480x128xf32, #tpu.memory_space<hbm>> -> memref<20480x128xf32, #tpu.memory_space<hbm>>
      tpu.enqueue_indirect_dma source(%dma_start3A_110 : memref<20480x128xf32, #tpu.memory_space<hbm>>) target(%arg8 : memref<128x128xf32, #tpu.memory_space<vmem>>) offsets(%dma_start3A_107 : memref<128xi32, #tpu.memory_space<vmem>>) semaphore(%arg11 : memref<!tpu.dma_semaphore, #tpu.memory_space<semaphore_mem>>)
      %add3A_111 = arith.constant 1 : i32
      %add3A_112 = arith.addi %mul3A_88, %add3A_111 : i32
      %dma_wait3A_113 = arith.constant 0 : i32
      %dma_wait3A_114 = tpu.memref_slice %arg6[%add3A_112, %dma_wait3A_113] : memref<40x128xi32, #tpu.memory_space<vmem>> -> memref<1x128xi32, #tpu.memory_space<vmem>>
      %dma_wait3A_115 = tpu.memref_squeeze %dma_wait3A_114 : memref<1x128xi32, #tpu.memory_space<vmem>> -> memref<128xi32, #tpu.memory_space<vmem>>
      %dma_wait3A_116 = arith.constant 0 : i32
      %dma_wait3A_117 = arith.constant 0 : i32
      %dma_wait3A_118 = tpu.memref_slice %arg2[%dma_wait3A_116, %dma_wait3A_117] : memref<20480x128xf32, #tpu.memory_space<hbm>> -> memref<20480x128xf32, #tpu.memory_space<hbm>>
      tpu.wait_indirect_dma semaphore(%arg12 : memref<!tpu.dma_semaphore, #tpu.memory_space<semaphore_mem>>) src(%dma_wait3A_118 : memref<20480x128xf32, #tpu.memory_space<hbm>>) dst(%arg9 : memref<128x128xf32, #tpu.memory_space<vmem>>)
      %add3A_119 = arith.constant 1 : i32
      %add3A_120 = arith.addi %mul3A_88, %add3A_119 : i32
      "tpu.region"() ({
        %run_scoped3A_121 = tpu.sem_alloc : memref<!tpu.dma_semaphore, #tpu.memory_space<semaphore_mem>>
        %dma_start3A_122 = arith.constant 0 : i32
        %dma_start3A_123 = tpu.memref_slice %arg7[%add3A_120, %dma_start3A_122] : memref<40x128xi32, #tpu.memory_space<vmem>> -> memref<1x128xi32, #tpu.memory_space<vmem>>
        %dma_start3A_124 = tpu.memref_squeeze %dma_start3A_123 : memref<1x128xi32, #tpu.memory_space<vmem>> -> memref<128xi32, #tpu.memory_space<vmem>>
        %dma_start3A_125 = arith.constant 0 : i32
        %dma_start3A_126 = arith.constant 0 : i32
        %dma_start3A_127 = tpu.memref_slice %arg10[%dma_start3A_125, %dma_start3A_126] : memref<10240x128xf32, #tpu.memory_space<vmem_shared>> -> memref<10240x128xf32, #tpu.memory_space<vmem_shared>>
        tpu.enqueue_indirect_dma source(%arg9 : memref<128x128xf32, #tpu.memory_space<vmem>>) target(%dma_start3A_127 : memref<10240x128xf32, #tpu.memory_space<vmem_shared>>) offsets(%dma_start3A_124 : memref<128xi32, #tpu.memory_space<vmem>>) semaphore(%run_scoped3A_121 : memref<!tpu.dma_semaphore, #tpu.memory_space<semaphore_mem>>) {add = true}
        %dma_wait3A_128 = arith.constant 0 : i32
        %dma_wait3A_129 = tpu.memref_slice %arg7[%add3A_120, %dma_wait3A_128] : memref<40x128xi32, #tpu.memory_space<vmem>> -> memref<1x128xi32, #tpu.memory_space<vmem>>
        %dma_wait3A_130 = tpu.memref_squeeze %dma_wait3A_129 : memref<1x128xi32, #tpu.memory_space<vmem>> -> memref<128xi32, #tpu.memory_space<vmem>>
        %dma_wait3A_131 = arith.constant 0 : i32
        %dma_wait3A_132 = arith.constant 0 : i32
        %dma_wait3A_133 = tpu.memref_slice %arg10[%dma_wait3A_131, %dma_wait3A_132] : memref<10240x128xf32, #tpu.memory_space<vmem_shared>> -> memref<10240x128xf32, #tpu.memory_space<vmem_shared>>
        tpu.wait_indirect_dma semaphore(%run_scoped3A_121 : memref<!tpu.dma_semaphore, #tpu.memory_space<semaphore_mem>>) src(%arg9 : memref<128x128xf32, #tpu.memory_space<vmem>>) dst(%dma_wait3A_133 : memref<10240x128xf32, #tpu.memory_space<vmem_shared>>)
        tpu.yield
      }) : () -> ()
    }
    %scan3A_57 = arith.constant 19 : i32
    %dma_start3A_58 = arith.constant 39 : i32
    %dma_start3A_59 = arith.constant 0 : i32
    %dma_start3A_60 = tpu.memref_slice %arg6[%dma_start3A_58, %dma_start3A_59] : memref<40x128xi32, #tpu.memory_space<vmem>> -> memref<1x128xi32, #tpu.memory_space<vmem>>
    %dma_start3A_61 = tpu.memref_squeeze %dma_start3A_60 : memref<1x128xi32, #tpu.memory_space<vmem>> -> memref<128xi32, #tpu.memory_space<vmem>>
    %dma_start3A_62 = arith.constant 0 : i32
    %dma_start3A_63 = arith.constant 0 : i32
    %dma_start3A_64 = tpu.memref_slice %arg2[%dma_start3A_62, %dma_start3A_63] : memref<20480x128xf32, #tpu.memory_space<hbm>> -> memref<20480x128xf32, #tpu.memory_space<hbm>>
    tpu.enqueue_indirect_dma source(%dma_start3A_64 : memref<20480x128xf32, #tpu.memory_space<hbm>>) target(%arg9 : memref<128x128xf32, #tpu.memory_space<vmem>>) offsets(%dma_start3A_61 : memref<128xi32, #tpu.memory_space<vmem>>) semaphore(%arg12 : memref<!tpu.dma_semaphore, #tpu.memory_space<semaphore_mem>>)
    %dma_wait3A_65 = arith.constant 38 : i32
    %dma_wait3A_66 = arith.constant 0 : i32
    %dma_wait3A_67 = tpu.memref_slice %arg6[%dma_wait3A_65, %dma_wait3A_66] : memref<40x128xi32, #tpu.memory_space<vmem>> -> memref<1x128xi32, #tpu.memory_space<vmem>>
    %dma_wait3A_68 = tpu.memref_squeeze %dma_wait3A_67 : memref<1x128xi32, #tpu.memory_space<vmem>> -> memref<128xi32, #tpu.memory_space<vmem>>
    %dma_wait3A_69 = arith.constant 0 : i32
    %dma_wait3A_70 = arith.constant 0 : i32
    %dma_wait3A_71 = tpu.memref_slice %arg2[%dma_wait3A_69, %dma_wait3A_70] : memref<20480x128xf32, #tpu.memory_space<hbm>> -> memref<20480x128xf32, #tpu.memory_space<hbm>>
    tpu.wait_indirect_dma semaphore(%arg11 : memref<!tpu.dma_semaphore, #tpu.memory_space<semaphore_mem>>) src(%dma_wait3A_71 : memref<20480x128xf32, #tpu.memory_space<hbm>>) dst(%arg8 : memref<128x128xf32, #tpu.memory_space<vmem>>)
    %run_scoped3A_72 = arith.constant 38 : i32
    "tpu.region"() ({
      %run_scoped3A_82 = tpu.sem_alloc : memref<!tpu.dma_semaphore, #tpu.memory_space<semaphore_mem>>
      %dma_start3A_83 = arith.constant 0 : i32
      %dma_start3A_84 = tpu.memref_slice %arg7[%run_scoped3A_72, %dma_start3A_83] : memref<40x128xi32, #tpu.memory_space<vmem>> -> memref<1x128xi32, #tpu.memory_space<vmem>>
      %dma_start3A_85 = tpu.memref_squeeze %dma_start3A_84 : memref<1x128xi32, #tpu.memory_space<vmem>> -> memref<128xi32, #tpu.memory_space<vmem>>
      %dma_start3A_86 = arith.constant 0 : i32
      %dma_start3A_87 = arith.constant 0 : i32
      %dma_start3A_88 = tpu.memref_slice %arg10[%dma_start3A_86, %dma_start3A_87] : memref<10240x128xf32, #tpu.memory_space<vmem_shared>> -> memref<10240x128xf32, #tpu.memory_space<vmem_shared>>
      tpu.enqueue_indirect_dma source(%arg8 : memref<128x128xf32, #tpu.memory_space<vmem>>) target(%dma_start3A_88 : memref<10240x128xf32, #tpu.memory_space<vmem_shared>>) offsets(%dma_start3A_85 : memref<128xi32, #tpu.memory_space<vmem>>) semaphore(%run_scoped3A_82 : memref<!tpu.dma_semaphore, #tpu.memory_space<semaphore_mem>>) {add = true}
      %dma_wait3A_89 = arith.constant 0 : i32
      %dma_wait3A_90 = tpu.memref_slice %arg7[%run_scoped3A_72, %dma_wait3A_89] : memref<40x128xi32, #tpu.memory_space<vmem>> -> memref<1x128xi32, #tpu.memory_space<vmem>>
      %dma_wait3A_91 = tpu.memref_squeeze %dma_wait3A_90 : memref<1x128xi32, #tpu.memory_space<vmem>> -> memref<128xi32, #tpu.memory_space<vmem>>
      %dma_wait3A_92 = arith.constant 0 : i32
      %dma_wait3A_93 = arith.constant 0 : i32
      %dma_wait3A_94 = tpu.memref_slice %arg10[%dma_wait3A_92, %dma_wait3A_93] : memref<10240x128xf32, #tpu.memory_space<vmem_shared>> -> memref<10240x128xf32, #tpu.memory_space<vmem_shared>>
      tpu.wait_indirect_dma semaphore(%run_scoped3A_82 : memref<!tpu.dma_semaphore, #tpu.memory_space<semaphore_mem>>) src(%arg8 : memref<128x128xf32, #tpu.memory_space<vmem>>) dst(%dma_wait3A_94 : memref<10240x128xf32, #tpu.memory_space<vmem_shared>>)
      tpu.yield
    }) : () -> ()
    %dma_wait3A_73 = arith.constant 39 : i32
    %dma_wait3A_74 = arith.constant 0 : i32
    %dma_wait3A_75 = tpu.memref_slice %arg6[%dma_wait3A_73, %dma_wait3A_74] : memref<40x128xi32, #tpu.memory_space<vmem>> -> memref<1x128xi32, #tpu.memory_space<vmem>>
    %dma_wait3A_76 = tpu.memref_squeeze %dma_wait3A_75 : memref<1x128xi32, #tpu.memory_space<vmem>> -> memref<128xi32, #tpu.memory_space<vmem>>
    %dma_wait3A_77 = arith.constant 0 : i32
    %dma_wait3A_78 = arith.constant 0 : i32
    %dma_wait3A_79 = tpu.memref_slice %arg2[%dma_wait3A_77, %dma_wait3A_78] : memref<20480x128xf32, #tpu.memory_space<hbm>> -> memref<20480x128xf32, #tpu.memory_space<hbm>>
    tpu.wait_indirect_dma semaphore(%arg12 : memref<!tpu.dma_semaphore, #tpu.memory_space<semaphore_mem>>) src(%dma_wait3A_79 : memref<20480x128xf32, #tpu.memory_space<hbm>>) dst(%arg9 : memref<128x128xf32, #tpu.memory_space<vmem>>)
    %run_scoped3A_80 = arith.constant 39 : i32
    "tpu.region"() ({
      %run_scoped3A_82 = tpu.sem_alloc : memref<!tpu.dma_semaphore, #tpu.memory_space<semaphore_mem>>
      %dma_start3A_83 = arith.constant 0 : i32
      %dma_start3A_84 = tpu.memref_slice %arg7[%run_scoped3A_80, %dma_start3A_83] : memref<40x128xi32, #tpu.memory_space<vmem>> -> memref<1x128xi32, #tpu.memory_space<vmem>>
      %dma_start3A_85 = tpu.memref_squeeze %dma_start3A_84 : memref<1x128xi32, #tpu.memory_space<vmem>> -> memref<128xi32, #tpu.memory_space<vmem>>
      %dma_start3A_86 = arith.constant 0 : i32
      %dma_start3A_87 = arith.constant 0 : i32
      %dma_start3A_88 = tpu.memref_slice %arg10[%dma_start3A_86, %dma_start3A_87] : memref<10240x128xf32, #tpu.memory_space<vmem_shared>> -> memref<10240x128xf32, #tpu.memory_space<vmem_shared>>
      tpu.enqueue_indirect_dma source(%arg9 : memref<128x128xf32, #tpu.memory_space<vmem>>) target(%dma_start3A_88 : memref<10240x128xf32, #tpu.memory_space<vmem_shared>>) offsets(%dma_start3A_85 : memref<128xi32, #tpu.memory_space<vmem>>) semaphore(%run_scoped3A_82 : memref<!tpu.dma_semaphore, #tpu.memory_space<semaphore_mem>>) {add = true}
      %dma_wait3A_89 = arith.constant 0 : i32
      %dma_wait3A_90 = tpu.memref_slice %arg7[%run_scoped3A_80, %dma_wait3A_89] : memref<40x128xi32, #tpu.memory_space<vmem>> -> memref<1x128xi32, #tpu.memory_space<vmem>>
      %dma_wait3A_91 = tpu.memref_squeeze %dma_wait3A_90 : memref<1x128xi32, #tpu.memory_space<vmem>> -> memref<128xi32, #tpu.memory_space<vmem>>
      %dma_wait3A_92 = arith.constant 0 : i32
      %dma_wait3A_93 = arith.constant 0 : i32
      %dma_wait3A_94 = tpu.memref_slice %arg10[%dma_wait3A_92, %dma_wait3A_93] : memref<10240x128xf32, #tpu.memory_space<vmem_shared>> -> memref<10240x128xf32, #tpu.memory_space<vmem_shared>>
      tpu.wait_indirect_dma semaphore(%run_scoped3A_82 : memref<!tpu.dma_semaphore, #tpu.memory_space<semaphore_mem>>) src(%arg9 : memref<128x128xf32, #tpu.memory_space<vmem>>) dst(%dma_wait3A_94 : memref<10240x128xf32, #tpu.memory_space<vmem_shared>>)
      tpu.yield
    }) : () -> ()
    %barrier3A_81 = arith.constant 0 : index
    tpu.barrier barrier_id(%barrier3A_81)
    "tpu.region"() ({
      %run_scoped3A_82 = tpu.sem_alloc : memref<!tpu.dma_semaphore, #tpu.memory_space<semaphore_mem>>
      %dma_start3A_83 = arith.constant 0 : i32
      %dma_start3A_84 = tpu.memref_slice %arg5[%arg0, %mul3A_0, %dma_start3A_83] : memref<2x10240x128xf32, #tpu.memory_space<hbm>> -> memref<1x640x128xf32, #tpu.memory_space<hbm>>
      %dma_start3A_85 = tpu.memref_squeeze %dma_start3A_84 : memref<1x640x128xf32, #tpu.memory_space<hbm>> -> memref<640x128xf32, #tpu.memory_space<hbm>>
      %dma_start3A_86 = arith.constant 0 : i32
      %dma_start3A_87 = tpu.memref_slice %arg10[%mul3A_0, %dma_start3A_86] : memref<10240x128xf32, #tpu.memory_space<vmem_shared>> -> memref<640x128xf32, #tpu.memory_space<vmem_shared>>
      tpu.enqueue_dma source(%dma_start3A_87 : memref<640x128xf32, #tpu.memory_space<vmem_shared>>) target(%dma_start3A_85 : memref<640x128xf32, #tpu.memory_space<hbm>>) target_semaphore(%run_scoped3A_82 : memref<!tpu.dma_semaphore, #tpu.memory_space<semaphore_mem>>)
      %dma_wait3A_88 = arith.constant 0 : i32
      %dma_wait3A_89 = tpu.memref_slice %arg5[%arg0, %mul3A_0, %dma_wait3A_88] : memref<2x10240x128xf32, #tpu.memory_space<hbm>> -> memref<1x640x128xf32, #tpu.memory_space<hbm>>
      %dma_wait3A_90 = tpu.memref_squeeze %dma_wait3A_89 : memref<1x640x128xf32, #tpu.memory_space<hbm>> -> memref<640x128xf32, #tpu.memory_space<hbm>>
      %dma_wait3A_91 = arith.constant 0 : i32
      %dma_wait3A_92 = tpu.memref_slice %arg10[%mul3A_0, %dma_wait3A_91] : memref<10240x128xf32, #tpu.memory_space<vmem_shared>> -> memref<640x128xf32, #tpu.memory_space<vmem_shared>>
      tpu.wait_dma2 semaphore(%run_scoped3A_82 : memref<!tpu.dma_semaphore, #tpu.memory_space<semaphore_mem>>) src(%dma_wait3A_92 : memref<640x128xf32, #tpu.memory_space<vmem_shared>>) dst(%dma_wait3A_90 : memref<640x128xf32, #tpu.memory_space<hbm>>)
      tpu.yield
    }) : () -> ()
    return
  }
}

module attributes {stable_mosaic.version = 14 : i64} {
  func.func @_tc_pre_body(%arg0: i32, %arg1: i32, %arg2: memref<1x1024x64xf32, #tpu.memory_space<vmem>>, %arg3: memref<1x1024x128xf32, #tpu.memory_space<vmem>>, %arg4: memref<1x64x128xf32, #tpu.memory_space<vmem>>, %arg5: memref<1x1x128xf32, #tpu.memory_space<vmem>>, %arg6: memref<1x128x128xf32, #tpu.memory_space<vmem>>, %arg7: memref<1x1024x128xf32, #tpu.memory_space<vmem>>, %arg8: memref<1x1024x128xf32, #tpu.memory_space<vmem>>) attributes {dimension_semantics = [#tpu.dimension_semantics<arbitrary>, #tpu.dimension_semantics<arbitrary>], iteration_bounds = array<i64: 2, 10>, scalar_prefetch = 0 : i64, scratch_operands = 0 : i64, tpu.core_type = #tpu.core_type<tc>, window_params = [{transform_indices = @transform_0, window_bounds = array<i64: 1, 1024, 64>}, {transform_indices = @transform_1, window_bounds = array<i64: 1, 1024, 128>}, {transform_indices = @transform_2, window_bounds = array<i64: 1, 64, 128>}, {transform_indices = @transform_3, window_bounds = array<i64: 1, 1, 128>}, {transform_indices = @transform_4, window_bounds = array<i64: 1, 128, 128>}, {transform_indices = @transform_5, window_bounds = array<i64: 1, 1024, 128>}, {transform_indices = @transform_6, window_bounds = array<i64: 1, 1024, 128>}]} {
    %get3A = arith.constant 0 : index
    %get3A_0 = arith.constant 0 : index
    %get3A_1 = arith.constant 0 : index
    %get3A_2 = vector.load %arg2[%get3A, %get3A_0, %get3A_1] : memref<1x1024x64xf32, #tpu.memory_space<vmem>>, vector<1x1024x64xf32>
    %get3A_3 = vector.shape_cast %get3A_2 : vector<1x1024x64xf32> to vector<1024x64xf32>
    %get3A_4 = arith.constant 0 : index
    %get3A_5 = arith.constant 0 : index
    %get3A_6 = arith.constant 0 : index
    %get3A_7 = vector.load %arg4[%get3A_4, %get3A_5, %get3A_6] : memref<1x64x128xf32, #tpu.memory_space<vmem>>, vector<1x64x128xf32>
    %get3A_8 = vector.shape_cast %get3A_7 : vector<1x64x128xf32> to vector<64x128xf32>
    %dot_general3A = arith.constant dense<0.000000e+00> : vector<1024x128xf32>
    %dot_general3A_9 = tpu.matmul %get3A_3, %get3A_8, %dot_general3A {dimension_numbers = #tpu.dot_dimension_numbers<[1], [0], [0], [1], [0, 0, 1, 1], [], []>, precision = #tpu.contract_precision<fp32>, transpose_lhs_hint = false} : vector<1024x64xf32>, vector<64x128xf32>, vector<1024x128xf32> -> vector<1024x128xf32>
    %get3A_10 = arith.constant 0 : index
    %get3A_11 = arith.constant 0 : index
    %get3A_12 = arith.constant 0 : index
    %get3A_13 = vector.load %arg5[%get3A_10, %get3A_11, %get3A_12] : memref<1x1x128xf32, #tpu.memory_space<vmem>>, vector<1x1x128xf32>
    %get3A_14 = vector.shape_cast %get3A_13 : vector<1x1x128xf32> to vector<1x128xf32>
    %add3A = vector.broadcast %get3A_14 : vector<1x128xf32> to vector<1024x128xf32>
    %add3A_15 = arith.addf %dot_general3A_9, %add3A : vector<1024x128xf32>
    %swap3A = arith.constant 0 : index
    %swap3A_16 = arith.constant 0 : index
    %swap3A_17 = arith.constant 0 : index
    %swap3A_18 = vector.load %arg7[%swap3A, %swap3A_16, %swap3A_17] : memref<1x1024x128xf32, #tpu.memory_space<vmem>>, vector<1x1024x128xf32>
    %swap3A_19 = vector.shape_cast %swap3A_18 : vector<1x1024x128xf32> to vector<1024x128xf32>
    %swap3A_20 = vector.shape_cast %add3A_15 : vector<1024x128xf32> to vector<1x1024x128xf32>
    tpu.vector_store %arg7[%swap3A, %swap3A_16, %swap3A_17], %swap3A_20 {strides = array<i32>} : memref<1x1024x128xf32, #tpu.memory_space<vmem>>, vector<1x1024x128xf32>,
    %get3A_21 = arith.constant 0 : index
    %get3A_22 = arith.constant 0 : index
    %get3A_23 = arith.constant 0 : index
    %get3A_24 = vector.load %arg3[%get3A_21, %get3A_22, %get3A_23] : memref<1x1024x128xf32, #tpu.memory_space<vmem>>, vector<1x1024x128xf32>
    %get3A_25 = vector.shape_cast %get3A_24 : vector<1x1024x128xf32> to vector<1024x128xf32>
    %slice3A = vector.extract_strided_slice %get3A_25 {offsets = [0, 0], sizes = [1024, 1], strides = [1, 1]} : vector<1024x128xf32> to vector<1024x1xf32>
    %max3A = arith.constant 1.000000e+00 : f32
    %max3A_26 = vector.broadcast %max3A : f32 to vector<1024x1xf32>
    %max3A_27 = arith.maximumf %slice3A, %max3A_26 : vector<1024x1xf32>
    %rsqrt3A = math.rsqrt %max3A_27 : vector<1024x1xf32>
    %mul3A = vector.broadcast %rsqrt3A : vector<1024x1xf32> to vector<1024x128xf32>
    %mul3A_28 = arith.mulf %add3A_15, %mul3A : vector<1024x128xf32>
    %get3A_29 = arith.constant 0 : index
    %get3A_30 = arith.constant 0 : index
    %get3A_31 = arith.constant 0 : index
    %get3A_32 = vector.load %arg6[%get3A_29, %get3A_30, %get3A_31] : memref<1x128x128xf32, #tpu.memory_space<vmem>>, vector<1x128x128xf32>
    %get3A_33 = vector.shape_cast %get3A_32 : vector<1x128x128xf32> to vector<128x128xf32>
    %dot_general3A_34 = arith.constant dense<0.000000e+00> : vector<1024x128xf32>
    %dot_general3A_35 = tpu.matmul %mul3A_28, %get3A_33, %dot_general3A_34 {dimension_numbers = #tpu.dot_dimension_numbers<[1], [0], [0], [1], [0, 0, 1, 1], [], []>, precision = #tpu.contract_precision<fp32>, transpose_lhs_hint = false} : vector<1024x128xf32>, vector<128x128xf32>, vector<1024x128xf32> -> vector<1024x128xf32>
    %swap3A_36 = arith.constant 0 : index
    %swap3A_37 = arith.constant 0 : index
    %swap3A_38 = arith.constant 0 : index
    %swap3A_39 = vector.load %arg8[%swap3A_36, %swap3A_37, %swap3A_38] : memref<1x1024x128xf32, #tpu.memory_space<vmem>>, vector<1x1024x128xf32>
    %swap3A_40 = vector.shape_cast %swap3A_39 : vector<1x1024x128xf32> to vector<1024x128xf32>
    %swap3A_41 = vector.shape_cast %dot_general3A_35 : vector<1024x128xf32> to vector<1x1024x128xf32>
    tpu.vector_store %arg8[%swap3A_36, %swap3A_37, %swap3A_38], %swap3A_41 {strides = array<i32>} : memref<1x1024x128xf32, #tpu.memory_space<vmem>>, vector<1x1024x128xf32>,
    return
  }
  func.func @transform_0(%arg0: i32, %arg1: i32) -> (i32, i32, i32) {
    %c0_i32 = arith.constant 0 : i32
    %c0_i32_0 = arith.constant 0 : i32
    return %arg0, %arg1, %c0_i32 : i32, i32, i32
  }
  func.func @transform_1(%arg0: i32, %arg1: i32) -> (i32, i32, i32) {
    %c0_i32 = arith.constant 0 : i32
    %c0_i32_0 = arith.constant 0 : i32
    return %arg0, %arg1, %c0_i32 : i32, i32, i32
  }
  func.func @transform_2(%arg0: i32, %arg1: i32) -> (i32, i32, i32) {
    %c0_i32 = arith.constant 0 : i32
    %c0_i32_0 = arith.constant 0 : i32
    %c0_i32_1 = arith.constant 0 : i32
    return %arg0, %c0_i32, %c0_i32_0 : i32, i32, i32
  }
  func.func @transform_3(%arg0: i32, %arg1: i32) -> (i32, i32, i32) {
    %c0_i32 = arith.constant 0 : i32
    %c0_i32_0 = arith.constant 0 : i32
    %c0_i32_1 = arith.constant 0 : i32
    return %arg0, %c0_i32, %c0_i32_0 : i32, i32, i32
  }
  func.func @transform_4(%arg0: i32, %arg1: i32) -> (i32, i32, i32) {
    %c0_i32 = arith.constant 0 : i32
    %c0_i32_0 = arith.constant 0 : i32
    %c0_i32_1 = arith.constant 0 : i32
    return %arg0, %c0_i32, %c0_i32_0 : i32, i32, i32
  }
  func.func @transform_5(%arg0: i32, %arg1: i32) -> (i32, i32, i32) {
    %c0_i32 = arith.constant 0 : i32
    %c0_i32_0 = arith.constant 0 : i32
    return %arg0, %arg1, %c0_i32 : i32, i32, i32
  }
  func.func @transform_6(%arg0: i32, %arg1: i32) -> (i32, i32, i32) {
    %c0_i32 = arith.constant 0 : i32
    %c0_i32_0 = arith.constant 0 : i32
    return %arg0, %arg1, %c0_i32 : i32, i32, i32
  }
}

module attributes {stable_mosaic.version = 14 : i64} {
  func.func @_tc_mid_body(%arg0: i32, %arg1: i32, %arg2: memref<1x1024x128xf32, #tpu.memory_space<vmem>>, %arg3: memref<1x1024x128xf32, #tpu.memory_space<vmem>>, %arg4: memref<1x1024x128xf32, #tpu.memory_space<vmem>>, %arg5: memref<1x1x128xf32, #tpu.memory_space<vmem>>, %arg6: memref<1x128x128xf32, #tpu.memory_space<vmem>>, %arg7: memref<1x1024x128xf32, #tpu.memory_space<vmem>>) attributes {dimension_semantics = [#tpu.dimension_semantics<arbitrary>, #tpu.dimension_semantics<arbitrary>], iteration_bounds = array<i64: 2, 10>, scalar_prefetch = 0 : i64, scratch_operands = 0 : i64, tpu.core_type = #tpu.core_type<tc>, window_params = [{transform_indices = @transform_0, window_bounds = array<i64: 1, 1024, 128>}, {transform_indices = @transform_1, window_bounds = array<i64: 1, 1024, 128>}, {transform_indices = @transform_2, window_bounds = array<i64: 1, 1024, 128>}, {transform_indices = @transform_3, window_bounds = array<i64: 1, 1, 128>}, {transform_indices = @transform_4, window_bounds = array<i64: 1, 128, 128>}, {transform_indices = @transform_5, window_bounds = array<i64: 1, 1024, 128>}]} {
    %get3A = arith.constant 0 : index
    %get3A_0 = arith.constant 0 : index
    %get3A_1 = arith.constant 0 : index
    %get3A_2 = vector.load %arg2[%get3A, %get3A_0, %get3A_1] : memref<1x1024x128xf32, #tpu.memory_space<vmem>>, vector<1x1024x128xf32>
    %get3A_3 = vector.shape_cast %get3A_2 : vector<1x1024x128xf32> to vector<1024x128xf32>
    %get3A_4 = arith.constant 0 : index
    %get3A_5 = arith.constant 0 : index
    %get3A_6 = arith.constant 0 : index
    %get3A_7 = vector.load %arg3[%get3A_4, %get3A_5, %get3A_6] : memref<1x1024x128xf32, #tpu.memory_space<vmem>>, vector<1x1024x128xf32>
    %get3A_8 = vector.shape_cast %get3A_7 : vector<1x1024x128xf32> to vector<1024x128xf32>
    %slice3A = vector.extract_strided_slice %get3A_8 {offsets = [0, 0], sizes = [1024, 1], strides = [1, 1]} : vector<1024x128xf32> to vector<1024x1xf32>
    %max3A = arith.constant 1.000000e+00 : f32
    %max3A_9 = vector.broadcast %max3A : f32 to vector<1024x1xf32>
    %max3A_10 = arith.maximumf %slice3A, %max3A_9 : vector<1024x1xf32>
    %rsqrt3A = math.rsqrt %max3A_10 : vector<1024x1xf32>
    %mul3A = vector.broadcast %rsqrt3A : vector<1024x1xf32> to vector<1024x128xf32>
    %mul3A_11 = arith.mulf %get3A_3, %mul3A : vector<1024x128xf32>
    %get3A_12 = arith.constant 0 : index
    %get3A_13 = arith.constant 0 : index
    %get3A_14 = arith.constant 0 : index
    %get3A_15 = vector.load %arg5[%get3A_12, %get3A_13, %get3A_14] : memref<1x1x128xf32, #tpu.memory_space<vmem>>, vector<1x1x128xf32>
    %get3A_16 = vector.shape_cast %get3A_15 : vector<1x1x128xf32> to vector<1x128xf32>
    %add3A = vector.broadcast %get3A_16 : vector<1x128xf32> to vector<1024x128xf32>
    %add3A_17 = arith.addf %mul3A_11, %add3A : vector<1024x128xf32>
    %max3A_18 = arith.constant 0.000000e+00 : f32
    %max3A_19 = vector.broadcast %max3A_18 : f32 to vector<1024x128xf32>
    %max3A_20 = arith.maximumf %add3A_17, %max3A_19 : vector<1024x128xf32>
    %get3A_21 = arith.constant 0 : index
    %get3A_22 = arith.constant 0 : index
    %get3A_23 = arith.constant 0 : index
    %get3A_24 = vector.load %arg4[%get3A_21, %get3A_22, %get3A_23] : memref<1x1024x128xf32, #tpu.memory_space<vmem>>, vector<1x1024x128xf32>
    %get3A_25 = vector.shape_cast %get3A_24 : vector<1x1024x128xf32> to vector<1024x128xf32>
    %slice3A_26 = vector.extract_strided_slice %get3A_25 {offsets = [0, 0], sizes = [1024, 1], strides = [1, 1]} : vector<1024x128xf32> to vector<1024x1xf32>
    %max3A_27 = arith.constant 1.000000e+00 : f32
    %max3A_28 = vector.broadcast %max3A_27 : f32 to vector<1024x1xf32>
    %max3A_29 = arith.maximumf %slice3A_26, %max3A_28 : vector<1024x1xf32>
    %rsqrt3A_30 = math.rsqrt %max3A_29 : vector<1024x1xf32>
    %mul3A_31 = vector.broadcast %rsqrt3A_30 : vector<1024x1xf32> to vector<1024x128xf32>
    %mul3A_32 = arith.mulf %max3A_20, %mul3A_31 : vector<1024x128xf32>
    %get3A_33 = arith.constant 0 : index
    %get3A_34 = arith.constant 0 : index
    %get3A_35 = arith.constant 0 : index
    %get3A_36 = vector.load %arg6[%get3A_33, %get3A_34, %get3A_35] : memref<1x128x128xf32, #tpu.memory_space<vmem>>, vector<1x128x128xf32>
    %get3A_37 = vector.shape_cast %get3A_36 : vector<1x128x128xf32> to vector<128x128xf32>
    %dot_general3A = arith.constant dense<0.000000e+00> : vector<1024x128xf32>
    %dot_general3A_38 = tpu.matmul %mul3A_32, %get3A_37, %dot_general3A {dimension_numbers = #tpu.dot_dimension_numbers<[1], [0], [0], [1], [0, 0, 1, 1], [], []>, precision = #tpu.contract_precision<fp32>, transpose_lhs_hint = false} : vector<1024x128xf32>, vector<128x128xf32>, vector<1024x128xf32> -> vector<1024x128xf32>
    %swap3A = arith.constant 0 : index
    %swap3A_39 = arith.constant 0 : index
    %swap3A_40 = arith.constant 0 : index
    %swap3A_41 = vector.load %arg7[%swap3A, %swap3A_39, %swap3A_40] : memref<1x1024x128xf32, #tpu.memory_space<vmem>>, vector<1x1024x128xf32>
    %swap3A_42 = vector.shape_cast %swap3A_41 : vector<1x1024x128xf32> to vector<1024x128xf32>
    %swap3A_43 = vector.shape_cast %dot_general3A_38 : vector<1024x128xf32> to vector<1x1024x128xf32>
    tpu.vector_store %arg7[%swap3A, %swap3A_39, %swap3A_40], %swap3A_43 {strides = array<i32>} : memref<1x1024x128xf32, #tpu.memory_space<vmem>>, vector<1x1024x128xf32>,
    return
  }
  func.func @transform_0(%arg0: i32, %arg1: i32) -> (i32, i32, i32) {
    %sub3A = arith.constant 1 : i32
    %sub3A_0 = arith.subi %sub3A, %arg0 : i32
    %c0_i32 = arith.constant 0 : i32
    %c0_i32_1 = arith.constant 0 : i32
    return %sub3A_0, %arg1, %c0_i32 : i32, i32, i32
  }
  func.func @transform_1(%arg0: i32, %arg1: i32) -> (i32, i32, i32) {
    %sub3A = arith.constant 1 : i32
    %sub3A_0 = arith.subi %sub3A, %arg0 : i32
    %c0_i32 = arith.constant 0 : i32
    %c0_i32_1 = arith.constant 0 : i32
    return %sub3A_0, %arg1, %c0_i32 : i32, i32, i32
  }
  func.func @transform_2(%arg0: i32, %arg1: i32) -> (i32, i32, i32) {
    %c0_i32 = arith.constant 0 : i32
    %c0_i32_0 = arith.constant 0 : i32
    return %arg0, %arg1, %c0_i32 : i32, i32, i32
  }
  func.func @transform_3(%arg0: i32, %arg1: i32) -> (i32, i32, i32) {
    %sub3A = arith.constant 1 : i32
    %sub3A_0 = arith.subi %sub3A, %arg0 : i32
    %c0_i32 = arith.constant 0 : i32
    %c0_i32_1 = arith.constant 0 : i32
    %c0_i32_2 = arith.constant 0 : i32
    return %sub3A_0, %c0_i32, %c0_i32_1 : i32, i32, i32
  }
  func.func @transform_4(%arg0: i32, %arg1: i32) -> (i32, i32, i32) {
    %c0_i32 = arith.constant 0 : i32
    %c0_i32_0 = arith.constant 0 : i32
    %c0_i32_1 = arith.constant 0 : i32
    return %arg0, %c0_i32, %c0_i32_0 : i32, i32, i32
  }
  func.func @transform_5(%arg0: i32, %arg1: i32) -> (i32, i32, i32) {
    %c0_i32 = arith.constant 0 : i32
    %c0_i32_0 = arith.constant 0 : i32
    return %arg0, %arg1, %c0_i32 : i32, i32, i32
  }
}

module attributes {stable_mosaic.version = 14 : i64} {
  func.func @_tc_post_body(%arg0: i32, %arg1: memref<1x1000x128xf32, #tpu.memory_space<vmem>>, %arg2: memref<1x1000x128xf32, #tpu.memory_space<vmem>>, %arg3: memref<1x1000x128xf32, #tpu.memory_space<vmem>>, %arg4: memref<1x1000x128xf32, #tpu.memory_space<vmem>>, %arg5: memref<1x1x128xf32, #tpu.memory_space<vmem>>, %arg6: memref<1x1x128xf32, #tpu.memory_space<vmem>>, %arg7: memref<1x1000x128xf32, #tpu.memory_space<vmem>>, %arg8: memref<1x1000x128xf32, #tpu.memory_space<vmem>>, %arg9: memref<128x64xf32, #tpu.memory_space<vmem>>, %arg10: memref<1x64xf32, #tpu.memory_space<vmem>>, %arg11: memref<128x32xf32, #tpu.memory_space<vmem>>, %arg12: memref<1x32xf32, #tpu.memory_space<vmem>>, %arg13: memref<1000x64xf32, #tpu.memory_space<vmem>>, %arg14: memref<1000x32xf32, #tpu.memory_space<vmem>>, %arg15: memref<1000x128xf32, #tpu.memory_space<vmem>>, %arg16: memref<1000x128xf32, #tpu.memory_space<vmem>>) attributes {dimension_semantics = [#tpu.dimension_semantics<arbitrary>], iteration_bounds = array<i64: 10>, scalar_prefetch = 0 : i64, scratch_operands = 0 : i64, tpu.core_type = #tpu.core_type<tc>, window_params = [{transform_indices = @transform_0, window_bounds = array<i64: 1, 1000, 128>}, {transform_indices = @transform_1, window_bounds = array<i64: 1, 1000, 128>}, {transform_indices = @transform_2, window_bounds = array<i64: 1, 1000, 128>}, {transform_indices = @transform_3, window_bounds = array<i64: 1, 1000, 128>}, {transform_indices = @transform_4, window_bounds = array<i64: 1, 1, 128>}, {transform_indices = @transform_5, window_bounds = array<i64: 1, 1, 128>}, {transform_indices = @transform_6, window_bounds = array<i64: 1, 1000, 128>}, {transform_indices = @transform_7, window_bounds = array<i64: 1, 1000, 128>}, {pipeline_mode = #tpu.pipeline_mode<synchronous>, transform_indices = @transform_8, window_bounds = array<i64: 128, 64>}, {pipeline_mode = #tpu.pipeline_mode<synchronous>, transform_indices = @transform_9, window_bounds = array<i64: 1, 64>}, {pipeline_mode = #tpu.pipeline_mode<synchronous>, transform_indices = @transform_10, window_bounds = array<i64: 128, 32>}, {pipeline_mode = #tpu.pipeline_mode<synchronous>, transform_indices = @transform_11, window_bounds = array<i64: 1, 32>}, {transform_indices = @transform_12, window_bounds = array<i64: 1000, 64>}, {transform_indices = @transform_13, window_bounds = array<i64: 1000, 32>}, {transform_indices = @transform_14, window_bounds = array<i64: 1000, 128>}, {transform_indices = @transform_15, window_bounds = array<i64: 1000, 128>}]} {
    %get3A = arith.constant 0 : index
    %get3A_0 = arith.constant 0 : index
    %get3A_1 = arith.constant 0 : index
    %get3A_2 = vector.load %arg1[%get3A, %get3A_0, %get3A_1] : memref<1x1000x128xf32, #tpu.memory_space<vmem>>, vector<1x1000x128xf32>
    %get3A_3 = vector.shape_cast %get3A_2 : vector<1x1000x128xf32> to vector<1000x128xf32>
    %get3A_4 = arith.constant 0 : index
    %get3A_5 = arith.constant 0 : index
    %get3A_6 = arith.constant 0 : index
    %get3A_7 = vector.load %arg3[%get3A_4, %get3A_5, %get3A_6] : memref<1x1000x128xf32, #tpu.memory_space<vmem>>, vector<1x1000x128xf32>
    %get3A_8 = vector.shape_cast %get3A_7 : vector<1x1000x128xf32> to vector<1000x128xf32>
    %slice3A = vector.extract_strided_slice %get3A_8 {offsets = [0, 0], sizes = [1000, 1], strides = [1, 1]} : vector<1000x128xf32> to vector<1000x1xf32>
    %max3A = arith.constant 1.000000e+00 : f32
    %max3A_9 = vector.broadcast %max3A : f32 to vector<1000x1xf32>
    %max3A_10 = arith.maximumf %slice3A, %max3A_9 : vector<1000x1xf32>
    %rsqrt3A = math.rsqrt %max3A_10 : vector<1000x1xf32>
    %mul3A = vector.broadcast %rsqrt3A : vector<1000x1xf32> to vector<1000x128xf32>
    %mul3A_11 = arith.mulf %get3A_3, %mul3A : vector<1000x128xf32>
    %get3A_12 = arith.constant 0 : index
    %get3A_13 = arith.constant 0 : index
    %get3A_14 = arith.constant 0 : index
    %get3A_15 = vector.load %arg5[%get3A_12, %get3A_13, %get3A_14] : memref<1x1x128xf32, #tpu.memory_space<vmem>>, vector<1x1x128xf32>
    %get3A_16 = vector.shape_cast %get3A_15 : vector<1x1x128xf32> to vector<1x128xf32>
    %add3A = vector.broadcast %get3A_16 : vector<1x128xf32> to vector<1000x128xf32>
    %add3A_17 = arith.addf %mul3A_11, %add3A : vector<1000x128xf32>
    %get3A_18 = arith.constant 0 : index
    %get3A_19 = arith.constant 0 : index
    %get3A_20 = arith.constant 0 : index
    %get3A_21 = vector.load %arg8[%get3A_18, %get3A_19, %get3A_20] : memref<1x1000x128xf32, #tpu.memory_space<vmem>>, vector<1x1000x128xf32>
    %get3A_22 = vector.shape_cast %get3A_21 : vector<1x1000x128xf32> to vector<1000x128xf32>
    %add3A_23 = arith.addf %add3A_17, %get3A_22 : vector<1000x128xf32>
    %get3A_24 = arith.constant 0 : index
    %get3A_25 = arith.constant 0 : index
    %get3A_26 = arith.constant 0 : index
    %get3A_27 = vector.load %arg2[%get3A_24, %get3A_25, %get3A_26] : memref<1x1000x128xf32, #tpu.memory_space<vmem>>, vector<1x1000x128xf32>
    %get3A_28 = vector.shape_cast %get3A_27 : vector<1x1000x128xf32> to vector<1000x128xf32>
    %get3A_29 = arith.constant 0 : index
    %get3A_30 = arith.constant 0 : index
    %get3A_31 = arith.constant 0 : index
    %get3A_32 = vector.load %arg4[%get3A_29, %get3A_30, %get3A_31] : memref<1x1000x128xf32, #tpu.memory_space<vmem>>, vector<1x1000x128xf32>
    %get3A_33 = vector.shape_cast %get3A_32 : vector<1x1000x128xf32> to vector<1000x128xf32>
    %slice3A_34 = vector.extract_strided_slice %get3A_33 {offsets = [0, 0], sizes = [1000, 1], strides = [1, 1]} : vector<1000x128xf32> to vector<1000x1xf32>
    %max3A_35 = arith.constant 1.000000e+00 : f32
    %max3A_36 = vector.broadcast %max3A_35 : f32 to vector<1000x1xf32>
    %max3A_37 = arith.maximumf %slice3A_34, %max3A_36 : vector<1000x1xf32>
    %rsqrt3A_38 = math.rsqrt %max3A_37 : vector<1000x1xf32>
    %mul3A_39 = vector.broadcast %rsqrt3A_38 : vector<1000x1xf32> to vector<1000x128xf32>
    %mul3A_40 = arith.mulf %get3A_28, %mul3A_39 : vector<1000x128xf32>
    %get3A_41 = arith.constant 0 : index
    %get3A_42 = arith.constant 0 : index
    %get3A_43 = arith.constant 0 : index
    %get3A_44 = vector.load %arg6[%get3A_41, %get3A_42, %get3A_43] : memref<1x1x128xf32, #tpu.memory_space<vmem>>, vector<1x1x128xf32>
    %get3A_45 = vector.shape_cast %get3A_44 : vector<1x1x128xf32> to vector<1x128xf32>
    %add3A_46 = vector.broadcast %get3A_45 : vector<1x128xf32> to vector<1000x128xf32>
    %add3A_47 = arith.addf %mul3A_40, %add3A_46 : vector<1000x128xf32>
    %get3A_48 = arith.constant 0 : index
    %get3A_49 = arith.constant 0 : index
    %get3A_50 = arith.constant 0 : index
    %get3A_51 = vector.load %arg7[%get3A_48, %get3A_49, %get3A_50] : memref<1x1000x128xf32, #tpu.memory_space<vmem>>, vector<1x1000x128xf32>
    %get3A_52 = vector.shape_cast %get3A_51 : vector<1x1000x128xf32> to vector<1000x128xf32>
    %add3A_53 = arith.addf %add3A_47, %get3A_52 : vector<1000x128xf32>
    %swap3A = arith.constant 0 : index
    %swap3A_54 = arith.constant 0 : index
    %swap3A_55 = vector.load %arg15[%swap3A, %swap3A_54] : memref<1000x128xf32, #tpu.memory_space<vmem>>, vector<1000x128xf32>
    tpu.vector_store %arg15[%swap3A, %swap3A_54], %add3A_23 {strides = array<i32>} : memref<1000x128xf32, #tpu.memory_space<vmem>>, vector<1000x128xf32>,
    %swap3A_56 = arith.constant 0 : index
    %swap3A_57 = arith.constant 0 : index
    %swap3A_58 = vector.load %arg16[%swap3A_56, %swap3A_57] : memref<1000x128xf32, #tpu.memory_space<vmem>>, vector<1000x128xf32>
    tpu.vector_store %arg16[%swap3A_56, %swap3A_57], %add3A_53 {strides = array<i32>} : memref<1000x128xf32, #tpu.memory_space<vmem>>, vector<1000x128xf32>,
    %get3A_59 = arith.constant 0 : index
    %get3A_60 = arith.constant 0 : index
    %get3A_61 = vector.load %arg9[%get3A_59, %get3A_60] : memref<128x64xf32, #tpu.memory_space<vmem>>, vector<128x64xf32>
    %dot_general3A = arith.constant dense<0.000000e+00> : vector<1000x64xf32>
    %dot_general3A_62 = tpu.matmul %add3A_23, %get3A_61, %dot_general3A {dimension_numbers = #tpu.dot_dimension_numbers<[1], [0], [0], [1], [0, 0, 1, 1], [], []>, precision = #tpu.contract_precision<fp32>, transpose_lhs_hint = false} : vector<1000x128xf32>, vector<128x64xf32>, vector<1000x64xf32> -> vector<1000x64xf32>
    %get3A_63 = arith.constant 0 : index
    %get3A_64 = arith.constant 0 : index
    %get3A_65 = vector.load %arg10[%get3A_63, %get3A_64] : memref<1x64xf32, #tpu.memory_space<vmem>>, vector<1x64xf32>
    %add3A_66 = vector.broadcast %get3A_65 : vector<1x64xf32> to vector<1000x64xf32>
    %add3A_67 = arith.addf %dot_general3A_62, %add3A_66 : vector<1000x64xf32>
    %swap3A_68 = arith.constant 0 : index
    %swap3A_69 = arith.constant 0 : index
    %swap3A_70 = vector.load %arg13[%swap3A_68, %swap3A_69] : memref<1000x64xf32, #tpu.memory_space<vmem>>, vector<1000x64xf32>
    tpu.vector_store %arg13[%swap3A_68, %swap3A_69], %add3A_67 {strides = array<i32>} : memref<1000x64xf32, #tpu.memory_space<vmem>>, vector<1000x64xf32>,
    %get3A_71 = arith.constant 0 : index
    %get3A_72 = arith.constant 0 : index
    %get3A_73 = vector.load %arg11[%get3A_71, %get3A_72] : memref<128x32xf32, #tpu.memory_space<vmem>>, vector<128x32xf32>
    %dot_general3A_74 = arith.constant dense<0.000000e+00> : vector<1000x32xf32>
    %dot_general3A_75 = tpu.matmul %add3A_53, %get3A_73, %dot_general3A_74 {dimension_numbers = #tpu.dot_dimension_numbers<[1], [0], [0], [1], [0, 0, 1, 1], [], []>, precision = #tpu.contract_precision<fp32>, transpose_lhs_hint = false} : vector<1000x128xf32>, vector<128x32xf32>, vector<1000x32xf32> -> vector<1000x32xf32>
    %get3A_76 = arith.constant 0 : index
    %get3A_77 = arith.constant 0 : index
    %get3A_78 = vector.load %arg12[%get3A_76, %get3A_77] : memref<1x32xf32, #tpu.memory_space<vmem>>, vector<1x32xf32>
    %add3A_79 = vector.broadcast %get3A_78 : vector<1x32xf32> to vector<1000x32xf32>
    %add3A_80 = arith.addf %dot_general3A_75, %add3A_79 : vector<1000x32xf32>
    %swap3A_81 = arith.constant 0 : index
    %swap3A_82 = arith.constant 0 : index
    %swap3A_83 = vector.load %arg14[%swap3A_81, %swap3A_82] : memref<1000x32xf32, #tpu.memory_space<vmem>>, vector<1000x32xf32>
    tpu.vector_store %arg14[%swap3A_81, %swap3A_82], %add3A_80 {strides = array<i32>} : memref<1000x32xf32, #tpu.memory_space<vmem>>, vector<1000x32xf32>,
    return
  }
  func.func @transform_0(%arg0: i32) -> (i32, i32, i32) {
    %c0_i32 = arith.constant 0 : i32
    %c0_i32_0 = arith.constant 0 : i32
    %c0_i32_1 = arith.constant 0 : i32
    return %c0_i32, %arg0, %c0_i32_0 : i32, i32, i32
  }
  func.func @transform_1(%arg0: i32) -> (i32, i32, i32) {
    %c1_i32 = arith.constant 1 : i32
    %c0_i32 = arith.constant 0 : i32
    %c0_i32_0 = arith.constant 0 : i32
    return %c1_i32, %arg0, %c0_i32 : i32, i32, i32
  }
  func.func @transform_2(%arg0: i32) -> (i32, i32, i32) {
    %c0_i32 = arith.constant 0 : i32
    %c0_i32_0 = arith.constant 0 : i32
    %c0_i32_1 = arith.constant 0 : i32
    return %c0_i32, %arg0, %c0_i32_0 : i32, i32, i32
  }
  func.func @transform_3(%arg0: i32) -> (i32, i32, i32) {
    %c1_i32 = arith.constant 1 : i32
    %c0_i32 = arith.constant 0 : i32
    %c0_i32_0 = arith.constant 0 : i32
    return %c1_i32, %arg0, %c0_i32 : i32, i32, i32
  }
  func.func @transform_4(%arg0: i32) -> (i32, i32, i32) {
    %c0_i32 = arith.constant 0 : i32
    %c0_i32_0 = arith.constant 0 : i32
    %c0_i32_1 = arith.constant 0 : i32
    %c0_i32_2 = arith.constant 0 : i32
    return %c0_i32, %c0_i32_0, %c0_i32_1 : i32, i32, i32
  }
  func.func @transform_5(%arg0: i32) -> (i32, i32, i32) {
    %c1_i32 = arith.constant 1 : i32
    %c0_i32 = arith.constant 0 : i32
    %c0_i32_0 = arith.constant 0 : i32
    %c0_i32_1 = arith.constant 0 : i32
    return %c1_i32, %c0_i32, %c0_i32_0 : i32, i32, i32
  }
  func.func @transform_6(%arg0: i32) -> (i32, i32, i32) {
    %c0_i32 = arith.constant 0 : i32
    %c0_i32_0 = arith.constant 0 : i32
    %c0_i32_1 = arith.constant 0 : i32
    return %c0_i32, %arg0, %c0_i32_0 : i32, i32, i32
  }
  func.func @transform_7(%arg0: i32) -> (i32, i32, i32) {
    %c1_i32 = arith.constant 1 : i32
    %c0_i32 = arith.constant 0 : i32
    %c0_i32_0 = arith.constant 0 : i32
    return %c1_i32, %arg0, %c0_i32 : i32, i32, i32
  }
  func.func @transform_8(%arg0: i32) -> (i32, i32) {
    %c0_i32 = arith.constant 0 : i32
    %c0_i32_0 = arith.constant 0 : i32
    %c0_i32_1 = arith.constant 0 : i32
    return %c0_i32, %c0_i32_0 : i32, i32
  }
  func.func @transform_9(%arg0: i32) -> (i32, i32) {
    %c0_i32 = arith.constant 0 : i32
    %c0_i32_0 = arith.constant 0 : i32
    %c0_i32_1 = arith.constant 0 : i32
    return %c0_i32, %c0_i32_0 : i32, i32
  }
  func.func @transform_10(%arg0: i32) -> (i32, i32) {
    %c0_i32 = arith.constant 0 : i32
    %c0_i32_0 = arith.constant 0 : i32
    %c0_i32_1 = arith.constant 0 : i32
    return %c0_i32, %c0_i32_0 : i32, i32
  }
  func.func @transform_11(%arg0: i32) -> (i32, i32) {
    %c0_i32 = arith.constant 0 : i32
    %c0_i32_0 = arith.constant 0 : i32
    %c0_i32_1 = arith.constant 0 : i32
    return %c0_i32, %c0_i32_0 : i32, i32
  }
  func.func @transform_12(%arg0: i32) -> (i32, i32) {
    %c0_i32 = arith.constant 0 : i32
    %c0_i32_0 = arith.constant 0 : i32
    return %arg0, %c0_i32 : i32, i32
  }
  func.func @transform_13(%arg0: i32) -> (i32, i32) {
    %c0_i32 = arith.constant 0 : i32
    %c0_i32_0 = arith.constant 0 : i32
    return %arg0, %c0_i32 : i32, i32
  }
  func.func @transform_14(%arg0: i32) -> (i32, i32) {
    %c0_i32 = arith.constant 0 : i32
    %c0_i32_0 = arith.constant 0 : i32
    return %arg0, %c0_i32 : i32, i32
  }
  func.func @transform_15(%arg0: i32) -> (i32, i32) {
    %c0_i32 = arith.constant 0 : i32
    %c0_i32_0 = arith.constant 0 : i32
    return %arg0, %c0_i32 : i32, i32
  }
}

</mosaic_0001>

<sc_bundles>
// kernel: kernel.11.cloned.1.call-start
scs
__scs_entry_jumppad:
0x0: {  	(pc) =	sbr.rel $0x88, $3  }
0x1: {  	(tag) =	ssettag $0x0;
	lr =	simm.s32 $0x1  }
0x2: {  	[smem:$0x3F91] =	sst lr;
	_ =	strace $0xD0000000  }
0x3: {  	_ = 	snop  }
0x4: {  	_ = 	snop  }
0x5: {  	_ = 	snop  }
0x6: {  	_ = 	snop  }
0x7: {  	_ = 	snop  }
__scs_overlays_trampoline_lowered:
0x8: {  	[smem:$0x3FA0] =	sst s0  }
0x9: {  	[smem:$0x3FA1] =	sst s1  }
0xa: {  	[smem:$0x3FA2] =	sst s2  }
0xb: {  	[smem:$0x3FA3] =	sst s3  }
0xc: {  	[smem:$0x3FA4] =	sst s4  }
0xd: {  	[smem:$0x3FA5] =	sst s5  }
0xe: {  	[smem:$0x3FA6] =	sst s6  }
0xf: {  	[smem:$0x3FA7] =	sst s7  }
0x10: {  	[smem:$0x3FA8] =	sst s8  }
0x11: {  	[smem:$0x3FA9] =	sst s9;
	s0 =	simm.s32 @!p0 $0x0  }
0x12: {  	s1 =	sld [smem:$0x3F8F];
	s0 =	simm.s32 @p0 $0x1  }
0x13: {  	[smem:$0x3FAA] =	sst s0;
	s0 =	simm.s32 @!p1 $0x0  }
0x14: {  	s2 =	sld [smem:$0x3F8E];
	s0 =	simm.s32 @p1 $0x1  }
0x15: {  	[smem:$0x3FAB] =	sst s0;
	s0 =	simm.s32 @!p2 $0x0  }
0x16: {  	s3 =	sld [smem:$0x3FDB];
	s0 =	simm.s32 @p2 $0x1  }
0x17: {  	s4 =	simm.s32 $0x1BF5;
	[smem:$0x3FAD] =	sst s0  }
0x18: {  	s0 =	sld [smem:$0x3F90];
	_ =	swait.ge [sflag:s4], $0x0  }
0x19: {  	s7 =	sld [smem:$0x3F91]  }
0x1a: {  	s8 =	sadd.s32 $0xFFFFE003, lr  }
0x1b: {  	s9 =	sadd.s32 $0xFFFFFEF7, lr;
	s5 =	simm.s32 $0xFFFFFFFF;
	p2 =	slt.u32 s8, $0xFFFFF086  }
0x1c: {  	p1 =	slt.u32 s9, $0xF7A;
	s5 =	simm.s32 @!p2 $0x0  }
0x1d: {  	s5 =	simm.s32 @p1 $0x1;
	p0 =	seq.s32 s7, s2  }
0x1e: {  	s7 =	smul.u32 @!p0 $0xF7A, s2;
	p2 =	seq.s32 @!p0 s5, $0x0  }
0x1f: {  	s9 =	smul.u32 $0xF7A, s1;
	s8 =	simm.s32 @!p0 $0x1BF5;
	p2 =	por !p2, p0  }
0x20: {  	[sflag:s8] =	ssyncset.s32 @!p0 $0xFFFFF086;
	s6 =	sadd.s32 @!p0 s3, s7;
	s7 =	simm.s32 @!p0 $0x108  }
0x21: {  	s3 =	sadd.s32 s3, s9;
	s6 =	sadd.s32 @!p0 $0x88, s6;
	s7 =	simm.s32 @p2 $0x1082  }
0x22: {  	[simem:s7], [sflag:s8] =	dma.local @!p0 [hbm:s6], $0xF7A  }
0x23: {  	s9 =	sor.u32 $0xD0000000, s2;
	s6 =	simm.s32 $0x108;
	_ =	swait.ge @!p0 [sflag:s8], $0x0  }
0x24: {  	s3 =	sadd.s32 $0x88, s3;
	s6 =	simm.s32 @!p1 $0x1082;
	[sflag:s4] =	ssyncset.s32 $0xFFFFF086  }
0x25: {  	[simem:s6], [sflag:s4] =	dma.local [hbm:s3], $0xF7A  }
0x26: {  	[smem:$0x3F91] =	sst s1;
	(tag) =	ssettag s2;
	_ =	strace s9  }
0x27: {  	s1 =	sld [smem:$0x3FA1]  }
0x28: {  	s2 =	sld [smem:$0x3FA2]  }
0x29: {  	s4 =	sld [smem:$0x3FA4]  }
0x2a: {  	p0 =	seq.s32 s5, $0x0;
	s5 =	sld [smem:$0x3FA5]  }
0x2b: {  	s6 =	sld [smem:$0x3FA6]  }
0x2c: {  	s7 =	sld [smem:$0x3FA7]  }
0x2d: {  	s3 =	simm.s32 $0x108;
	s8 =	sld [smem:$0x3FA8]  }
0x2e: {  	s3 =	simm.s32 @!p0 $0x1082;
	s9 =	sld [smem:$0x3FA9]  }
0x2f: {  	lr =	sadd.s32 s0, s3;
	s0 =	sld [smem:$0x3FA0]  }
0x30: {  	s3 =	sld [smem:$0x3FA3]  }
0x31: {  	[smem:$0x3FAC] =	sst s10  }
0x32: {  	s10 =	sld [smem:$0x3FAA];
	_ =	sdelay $0x3  }
0x33: {  	p0 =	seq.s32 s10, $0x1;
	s10 =	sld [smem:$0x3FAC];
	_ =	sdelay $0x3  }
0x34: {  	[smem:$0x3FAC] =	sst s10  }
0x35: {  	s10 =	sld [smem:$0x3FAB];
	_ =	sdelay $0x3  }
0x36: {  	p1 =	seq.s32 s10, $0x1;
	s10 =	sld [smem:$0x3FAC];
	_ =	sdelay $0x3  }
0x37: {  	[smem:$0x3FAC] =	sst s10  }
0x38: {  	s10 =	sld [smem:$0x3FAD]  }
0x39: {  	_ = 	snop;
	(pc) =	sbr.ind lr, $3  }
0x3a: {  	_ = 	snop  }
0x3b: {  	_ = 	snop  }
0x3c: {  	p2 =	seq.s32 s10, $0x1;
	s10 =	sld [smem:$0x3FAC]  }
0x3d: {  	_ =	shalt  }
0x3e: {  	_ =	shalt  }
0x3f: {  	_ =	shalt  }
0x40: {  	_ =	shalt  }
0x41: {  	_ =	shalt  }
0x42: {  	_ =	shalt  }
0x43: {  	_ =	shalt  }
0x44: {  	_ =	shalt  }
0x45: {  	_ =	shalt  }
0x46: {  	_ =	shalt  }
0x47: {  	_ =	shalt  }
0x48: {  	_ =	shalt  }
0x49: {  	_ =	shalt  }
0x4a: {  	_ =	shalt  }
0x4b: {  	_ =	shalt  }
0x4c: {  	_ =	shalt  }
0x4d: {  	_ =	shalt  }
0x4e: {  	_ =	shalt  }
0x4f: {  	_ =	shalt  }
0x50: {  	_ =	shalt  }
0x51: {  	_ =	shalt  }
0x52: {  	_ =	shalt  }
0x53: {  	_ =	shalt  }
0x54: {  	_ =	shalt  }
0x55: {  	_ =	shalt  }
0x56: {  	_ =	shalt  }
0x57: {  	_ =	shalt  }
0x58: {  	_ =	shalt  }
0x59: {  	_ =	shalt  }
0x5a: {  	_ =	shalt  }
0x5b: {  	_ =	shalt  }
0x5c: {  	_ =	shalt  }
0x5d: {  	_ =	shalt  }
0x5e: {  	_ =	shalt  }
0x5f: {  	_ =	shalt  }
0x60: {  	_ =	shalt  }
0x61: {  	_ =	shalt  }
0x62: {  	_ =	shalt  }
0x63: {  	_ =	shalt  }
0x64: {  	_ =	shalt  }
0x65: {  	_ =	shalt  }
0x66: {  	_ =	shalt  }
0x67: {  	_ =	shalt  }
0x68: {  	_ =	shalt  }
0x69: {  	_ =	shalt  }
0x6a: {  	_ =	shalt  }
0x6b: {  	_ =	shalt  }
0x6c: {  	_ =	shalt  }
0x6d: {  	_ =	shalt  }
0x6e: {  	_ =	shalt  }
0x6f: {  	_ =	shalt  }
0x70: {  	_ =	shalt  }
0x71: {  	_ =	shalt  }
0x72: {  	_ =	shalt  }
0x73: {  	_ =	shalt  }
0x74: {  	_ =	shalt  }
0x75: {  	_ =	shalt  }
0x76: {  	_ =	shalt  }
0x77: {  	_ =	shalt  }
0x78: {  	_ =	shalt  }
0x79: {  	_ =	shalt  }
0x7a: {  	_ =	shalt  }
0x7b: {  	_ =	shalt  }
0x7c: {  	_ =	shalt  }
0x7d: {  	_ =	shalt  }
0x7e: {  	_ =	shalt  }
0x7f: {  	_ =	shalt  }
0x80: {  	_ =	shalt  }
0x81: {  	_ =	shalt  }
0x82: {  	_ =	shalt  }
0x83: {  	_ =	shalt  }
0x84: {  	_ =	shalt  }
0x85: {  	_ =	shalt  }
0x86: {  	_ =	shalt  }
0x87: {  	_ =	shalt  }
.Lfunc_end0:
.L_simem_size_0:
called_computation.1_lowered:
.L_overlay_start_0:
0x88: {  	s2 =	sld [smem:$0x3FD9]  }
0x89: {  	s3 =	sld [smem:$0x3FFE];
	_ =	sdelay $0x1  }
0x8a: {  	s1 =	srdreg.scid  }
0x8b: {  	s0 =	sand.u32 $0x1, s1  }
0x8c: {  	s14 =	sshll.u32 s0, $0xA;
	s2 =	sadd.s32 s3, s2  }
0x8d: {  	s2 =	sadd.s32 s2, s14  }
0x8e: {  	[smem:$0x3FB8] =	sst s2  }
0x8f: {  	_ = 	snop  }
0x90: {  	s2 =	sld [smem:$0x3FD0];
	_ =	sdelay $0x2  }
0x91: {  	s15 =	simm.s32 $0xA;
	s4 =	simm.s32 $0x10  }
0x92: {  	[smem:s4], [sflag:s15] =	dma.local [hbm:s2], $0x1  }
0x93: {  	_ =	swait.eq [sflag:s15], $0x1  }
0x94: {  	[sflag:s15] =	ssyncset.done $0x0  }
0x95: {  	s16 =	sld [smem:$0x12];
	[sflag:s15] =	ssyncadd.s32 $0xFFFFFFFF  }
0x96: {  	s17 =	sld [smem:$0x13];
	(tm) =	ssettm $0x1  }
0x97: {  	s18 =	sld [smem:$0x3FFB];
	_ =	sdelay $0x3  }
0x98: {  	_ =	strace s18  }
0x99: {  	s4 =	sld [smem:$0x3FFC];
	_ =	sdelay $0x3  }
0x9a: {  	_ =	strace s4  }
0x9b: {  	s4 =	sld [smem:$0x3FFD];
	_ =	sdelay $0x3  }
0x9c: {  	_ =	strace s4  }
0x9d: {  	_ =	strace $0x8FFFFFFF  }
0x9e: {  	s19 =	sld [smem:$0x3FDB];
	_ =	sdelay $0x1  }
0x9f: {  	s5 =	simm.s32 $_scs_section_size  }
0xa0: {  	s6 =	simm.s32 $_size__tile_overlayer_lowered;
	s7 =	simm.s32 $_tile_overlayer_lowered  }
0xa1: {  	s22 =	simm.s32 $0x1BFF;
	s21 =	sshll.u32 s7, $0x1;
	s4 =	sadd.s32 s5, s19  }
0xa2: {  	s8 =	simm.s32 $0x0;
	s20 =	sshll.u32 s6, $0x1;
	s6 =	sadd.s32 s21, s4  }
0xa3: {  	[timem:s8], [sflag:s22] =	dma.local [hbm:s6], s20  }
0xa4: {  	_ =	swait.ge [sflag:s22], s20  }
0xa5: {  	s5 =	ssub.s32 $0x0, s20;
	[sflag:s22] =	ssyncset.done $0x0  }
0xa6: {  	[sflag:s22] =	ssyncadd.s32 s5;
	_ =	sdelay $0x1  }
0xa7: {  	s23 =	simm.s32 $0x1B8B  }
0xa8: {  	_ =	swait.ge [sflag:s23], $0x1  }
0xa9: {  	[sflag:s23] =	ssyncset.done $0x0  }
0xaa: {  	s25 =	simm.s32 $0x1B8E;
	s24 =	sld [smem:$0x3FFE];
	[sflag:s23] =	ssyncadd.s32 $0xFFFFFFFF  }
0xab: {  	s26 =	simm.s32 $execute0_lowered;
	[smem:$0x3FD2] =	sst s25  }
0xac: {  	s6 =	sshll.u32 s26, $0x1;
	_ =	strace $0x80000049;
	[dreg:$0x1] =	wrdreg $0xFFFFFFFF  }
0xad: {  	s28 =	simm.s32 $_size_execute0_lowered;
	s4 =	sadd.s32 s4, s6;
	[dreg:$0x0] =	wrdreg $0x0  }
0xae: {  	s6 =	sshll.u32 s28, $0x1;
	[dreg:$0x2] =	wrdreg s4  }
0xaf: {  	[dreg:$0x3] =	wrdreg s6  }
0xb0: {  	[dreg:$0x4] =	wrdreg $0xC0  }
0xb1: {  	_ =	task [dreg:s8], $0x5FFFF  }
0xb2: {  	[dreg:$0x1] =	wrdreg $0xFFFFFFFF  }
0xb3: {  	[dreg:$0x0] =	wrdreg $0x60  }
0xb4: {  	[dreg:$0x2] =	wrdreg s24  }
0xb5: {  	[dreg:$0x3] =	wrdreg s16  }
0xb6: {  	[dreg:$0x4] =	wrdreg s17  }
0xb7: {  	[dreg:$0x5] =	wrdreg $0xA8000  }
0xb8: {  	[dreg:$0x6] =	wrdreg $0x9  }
0xb9: {  	_ =	task.clear_ibuf [dreg:s8], $0x7FFFF;
	_ =	strace $0x90000049  }
0xba: {  	s29 =	simm.s32 $0x9;
	_ =	strace $0x8000004B  }
0xbb: {  	_ =	swait.ge [sflag:s29], $0x1  }
0xbc: {  	[sflag:s29] =	ssyncadd.s32 $0xFFFFFFFF  }
0xbd: {  	_ =	strace $0x9000004B  }
0xbe: {  	_ =	sfence  }
0xbf: {  	s30 =	sld [smem:$0x0];
	_ =	sdelay $0x2  }
0xc0: {  	s31 =	sshll.u32 s1, $0xD;
	s1 =	sshrl.u32 s1, $0x2  }
0xc1: {  	s3 =	sand.u32 $0x4000, s31;
	s1 =	sadd.s32 s1, s30  }
0xc2: {  	s0 =	sor.u32 s3, s0;
	s1 =	sshll.u32 s1, $0x11  }
0xc3: {  	s0 =	sor.u32 s1, s0  }
0xc4: {  	s0 =	sadd.s32 $0x8F2B, s0  }
0xc5: {  	[sflag:s0] =	ssyncadd.remote.s32 $0x1  }
0xc6: {  	_ =	sfence.sel $0xFFFF  }
0xc7: {  	[dreg:$0x0] =	wrdreg $0xFFFFFFFF;
	(pc) =	sbr.abs _section_cstart, $3  }
0xc8: {  	[dreg:$0x1] =	wrdreg $0xFFFFFFFF  }
0xc9: {  	_ =	task.clear_ibuf [dreg:s8], $0x2FFFF;
	_ =	strace $0x9FFFFFFF  }
0xca: {  	(tm) =	ssettm $0x7FFFFFFF  }
0xcb: {  	_ =	shalt  }
tec
execute0_lowered:
.L_overlay_start_1:
0x0: {  	(tag) =	ssettag $0x1  }
0x1: {  	s5 =	rddreg [dreg:$0x0]  }
0x2: {  	s12 =	rddreg [dreg:$0x1]  }
0x3: {  	s13 =	rddreg [dreg:$0x2];
	s0 =	srdreg.scid  }
0x4: {  	s2 =	rddreg [dreg:$0x3];
	s1 =	stileid.u32  }
0x5: {  	s3 =	simm.s32 $0x0;
	s17 =	simm.s32 $0x3;
	s18 =	simm.s32 $0x1400  }
0x6: {  	s19 =	simm.s32 $0x80;
	s20 =	simm.s32 $0x6800;
	s21 =	simm.s32 $0x1  }
0x7: {  	s22 =	simm.s32 $0x2;
	s23 =	simm.s32 $0x1380;
	s7 =	smul.u32 $0x14000, s1  }
0x8: {  	s24 =	simm.s32 $0x2700;
	s25 =	simm.s32 $0x2780;
	s8 =	smul.u32 $0x50000, s1  }
0x9: {  	s6 =	sand.u32 $0x1, s0;
	[smem:$0x7FF] =	sst s3;
	s10 =	smul.u32 $0x2800, s1  }
0xa: {  	s0 =	rddreg [dreg:$0x4];
	s4 =	smul.u32 $0x140000, s6;
	_ =	strace $0x8000004A  }
0xb: {  	s9 =	smul.u32 $0x28000, s6;
	s6 =	ssub.s32 $0x2, s6;
	s8 =	sshrl.u32 s8, $0x2  }
0xc: {  	s31 =	sshrl.u32 s6, $0x1;
	s7 =	sadd.s32 s7, s4;
	s4 =	sadd.s32 $0xA2C00, s5  }
0xd: {  	s15 =	ssub.s32 s6, s31;
	s9 =	sadd.s32 s10, s9;
	s7 =	sshrl.u32 s7, $0x3  }
0xe: {  	s11 =	sshrl.u32 s9, $0x3;
	s15 =	smax.u32 s15, $0x1;
	s14 =	sadd.s32 s7, s5  }
0xf: {  	s5 =	sadd.s32 s8, s2;
	s10 =	sadd.s32 s12, s11;
	s16 =	sadd.s32 $0x280, s11  }
0x10: {  	s11 =	sadd.s32 s13, s11;
	s6 =	sadd.s32 $0x4000, s5;
	s7 =	sadd.s32 $0x8000, s5  }
0x11: {  	s8 =	sadd.s32 $0xC000, s5;
	s9 =	sadd.s32 $0x10000, s5;
	s12 =	sadd.s32 s12, s16  }
0x12: {  	v0 =	vimm.f32 $0.0e+00;
	s13 =	sadd.s32 s13, s16;
	s14 =	sadd.s32 $0x142C00, s14;
	s16 =	simm.s32 $0x2800  }
.LBB2_1:
0x13: {  	s26 =	simm.s32 $0x0;
	s28 =	simm.s32 $0x200  }
.LBB2_2:
0x14: {  	p0 =	sne.s32 s28, $0xFE00;
	[tilespmem:s26+$0x2870] =	vst v0  }
0x15: {  	[tilespmem:s26+$0x2800] =	vst v0  }
0x16: {  	[tilespmem:s26+$0x2810] =	vst v0  }
.Ltmp0:
0x17: {  	[tilespmem:s26+$0x2820] =	vst v0;
	(pc) =	sbr.rel @p0 .LBB2_2-.Ltmp0, $4  }
0x18: {  	[tilespmem:s26+$0x2830] =	vst v0  }
0x19: {  	[tilespmem:s26+$0x2840] =	vst v0  }
0x1a: {  	[tilespmem:s26+$0x2850] =	vst v0  }
0x1b: {  	[tilespmem:s26+$0x2860] =	vst v0;
	s26 =	sshra.s32 s28, $0x2;
	s28 =	sadd.s32 $0x200, s28  }
0x1c: {  	[tilespmem:s26+$0x2870] =	vst v0  }
0x1d: {  	[tilespmem:s26+$0x2800] =	vst v0  }
0x1e: {  	[tilespmem:s26+$0x2810] =	vst v0  }
0x1f: {  	[tilespmem:s26+$0x2820] =	vst v0  }
0x20: {  	[tilespmem:s26+$0x2830] =	vst v0  }
0x21: {  	[tilespmem:s26+$0x2840] =	vst v0  }
0x22: {  	[tilespmem:s26+$0x2850] =	vst v0  }
0x23: {  	[tilespmem:s26+$0x2860] =	vst v0  }
0x24: {  	[spmem:s5] =	stream.linear.scatter [tilespmem:s16], [sflag:$0x3], $0x4000, $0x38;
	[tilespmem:$0x1E800] =	vst v63  }
0x25: {  	_ =	swait.ge [sflag:s17], $0x4000  }
0x26: {  	[sflag:s17] =	ssyncset.done $0x0  }
0x27: {  	[sflag:s17] =	ssyncadd.s32 $0xFFFFC000  }
0x28: {  	[spmem:s6] =	stream.linear.scatter [tilespmem:s16], [sflag:$0x3], $0x4000, $0x38;
	[tilespmem:$0x1E800] =	vst v63  }
0x29: {  	_ =	swait.ge [sflag:s17], $0x4000  }
0x2a: {  	[sflag:s17] =	ssyncset.done $0x0  }
0x2b: {  	[sflag:s17] =	ssyncadd.s32 $0xFFFFC000  }
0x2c: {  	[spmem:s7] =	stream.linear.scatter [tilespmem:s16], [sflag:$0x3], $0x4000, $0x38;
	[tilespmem:$0x1E800] =	vst v63  }
0x2d: {  	_ =	swait.ge [sflag:s17], $0x4000  }
0x2e: {  	[sflag:s17] =	ssyncset.done $0x0  }
0x2f: {  	[sflag:s17] =	ssyncadd.s32 $0xFFFFC000  }
0x30: {  	[spmem:s8] =	stream.linear.scatter [tilespmem:s16], [sflag:$0x3], $0x4000, $0x38;
	[tilespmem:$0x1E800] =	vst v63  }
0x31: {  	_ =	swait.ge [sflag:s17], $0x4000  }
0x32: {  	[sflag:s17] =	ssyncset.done $0x0  }
0x33: {  	[sflag:s17] =	ssyncadd.s32 $0xFFFFC000  }
0x34: {  	[spmem:s9] =	stream.linear.scatter [tilespmem:s16], [sflag:$0x3], $0x4000, $0x38;
	[tilespmem:$0x1E800] =	vst v63  }
0x35: {  	_ =	swait.ge [sflag:s17], $0x4000  }
0x36: {  	[sflag:s17] =	ssyncset.done $0x0  }
0x37: {  	[sflag:s17] =	ssyncadd.s32 $0xFFFFC000  }
0x38: {  	s30 =	simm.s32 $0x0;
	[bflag:$0x0] =	sbarrier.arrive $0xFFFF  }
0x39: {  	[tilespmem:s30], [sflag:$0x3] =	stream.linear.gather [hbm4b:s10+s30], $0x1400, $0x38;
	[tilespmem:$0x1E800] =	vst v63  }
0x3a: {  	_ =	swait.ge [sflag:s17], $0x1400  }
0x3b: {  	[sflag:s17] =	ssyncset.done $0x0  }
0x3c: {  	[sflag:s17] =	ssyncadd.s32 $0xFFFFEC00  }
0x3d: {  	[tilespmem:s18], [sflag:$0x3] =	stream.linear.gather [hbm4b:s11+s30], $0x1400, $0x38;
	[tilespmem:$0x1E800] =	vst v63  }
0x3e: {  	_ =	swait.ge [sflag:s17], $0x1400  }
0x3f: {  	[sflag:s17] =	ssyncset.done $0x0  }
0x40: {  	[sflag:s17] =	ssyncadd.s32 $0xFFFFEC00  }
0x41: {  	[tilespmem:s16], [sflag:$0x1] =	stream.indirect.gather [hbm4b:s4+s19], $0x80, s30, s19, $0xb8;
	[tilespmem:$0x1E800] =	vst v63  }
0x42: {  	s31 =	simm.s32 $0x80  }
0x43: {  	[tilespmem:s20], [sflag:$0x2] =	stream.indirect.gather [hbm4b:s4+s19], $0x80, s31, s19, $0xb8;
	[tilespmem:$0x1E800] =	vst v63  }
0x44: {  	_ =	swait.ge [sflag:s21], $0x4000  }
0x45: {  	[sflag:s21] =	ssyncset.done $0x0  }
0x46: {  	s29 =	simm.s32 $0x1400;
	[sflag:s21] =	ssyncadd.s32 $0xFFFFC000  }
0x47: {  	[spmem:s2] =	stream.indirect.scatter.add.f32 [tilespmem:s16], [sflag:$0x3], $0x80, s29, s19, $0xb8;
	[tilespmem:$0x1E800] =	vst v63  }
0x48: {  	_ =	swait.ge [sflag:s17], $0x4000  }
0x49: {  	[sflag:s17] =	ssyncset.done $0x0  }
0x4a: {  	s30 =	simm.s32 $0x100;
	[sflag:s17] =	ssyncadd.s32 $0xFFFFC000  }
0x4b: {  	[tilespmem:s16], [sflag:$0x1] =	stream.indirect.gather [hbm4b:s4+s19], $0x80, s30, s19, $0xb8;
	[tilespmem:$0x1E800] =	vst v63  }
0x4c: {  	_ =	swait.ge [sflag:s22], $0x4000  }
0x4d: {  	[sflag:s22] =	ssyncset.done $0x0  }
0x4e: {  	s31 =	simm.s32 $0x1480;
	[sflag:s22] =	ssyncadd.s32 $0xFFFFC000  }
0x4f: {  	[spmem:s2] =	stream.indirect.scatter.add.f32 [tilespmem:s20], [sflag:$0x3], $0x80, s31, s19, $0xb8;
	[tilespmem:$0x1E800] =	vst v63  }
0x50: {  	_ =	swait.ge [sflag:s17], $0x4000  }
0x51: {  	s28 =	simm.s32 $0x800;
	s26 =	simm.s32 $0x100;
	[sflag:s17] =	ssyncset.done $0x0  }
.LBB2_4:
0x52: {  	s29 =	sadd.s32 $0x80, s26  }
0x53: {  	[sflag:s17] =	ssyncadd.s32 $0xFFFFC000;
	s30 =	smov.u32 s28;
	s31 =	sadd.s32 $0x400, s28  }
0x54: {  	[tilespmem:s20], [sflag:$0x2] =	stream.indirect.gather [hbm4b:s4+s19], $0x80, s29, s19, $0xb8;
	[tilespmem:$0x1E800] =	vst v63  }
0x55: {  	p0 =	sne.s32 s28, $0x4800;
	_ =	swait.ge [sflag:s21], $0x4000  }
0x56: {  	[sflag:s21] =	ssyncset.done $0x0  }
0x57: {  	s28 =	sadd.s32 $0x1400, s26;
	[sflag:s21] =	ssyncadd.s32 $0xFFFFC000  }
0x58: {  	[spmem:s2] =	stream.indirect.scatter.add.f32 [tilespmem:s16], [sflag:$0x3], $0x80, s28, s19, $0xb8;
	[tilespmem:$0x1E800] =	vst v63  }
0x59: {  	_ =	swait.ge [sflag:s17], $0x4000  }
0x5a: {  	[sflag:s17] =	ssyncset.done $0x0  }
0x5b: {  	s28 =	sadd.s32 $0x100, s26;
	[sflag:s17] =	ssyncadd.s32 $0xFFFFC000  }
0x5c: {  	[tilespmem:s16], [sflag:$0x1] =	stream.indirect.gather [hbm4b:s4+s19], $0x80, s28, s19, $0xb8;
	[tilespmem:$0x1E800] =	vst v63  }
0x5d: {  	_ =	swait.ge [sflag:s22], $0x4000  }
.Ltmp1:
0x5e: {  	[sflag:s22] =	ssyncset.done $0x0;
	(pc) =	sbr.rel @p0 .LBB2_4-.Ltmp1, $4  }
0x5f: {  	s26 =	sadd.s32 $0x1480, s26;
	[sflag:s22] =	ssyncadd.s32 $0xFFFFC000  }
0x60: {  	[spmem:s2] =	stream.indirect.scatter.add.f32 [tilespmem:s20], [sflag:$0x3], $0x80, s26, s19, $0xb8;
	[tilespmem:$0x1E800] =	vst v63  }
0x61: {  	_ =	swait.ge [sflag:s17], $0x4000  }
0x62: {  	s28 =	smov.u32 s31;
	s26 =	sshra.s32 s30, $0x2;
	[sflag:s17] =	ssyncset.done $0x0  }
0x63: {  	s28 =	sadd.s32 $0x80, s26;
	[sflag:s17] =	ssyncadd.s32 $0xFFFFC000  }
0x64: {  	[tilespmem:s20], [sflag:$0x2] =	stream.indirect.gather [hbm4b:s4+s19], $0x80, s28, s19, $0xb8;
	[tilespmem:$0x1E800] =	vst v63  }
0x65: {  	_ =	swait.ge [sflag:s21], $0x4000  }
0x66: {  	[sflag:s21] =	ssyncset.done $0x0  }
0x67: {  	s28 =	sadd.s32 $0x1400, s26;
	[sflag:s21] =	ssyncadd.s32 $0xFFFFC000  }
0x68: {  	[spmem:s2] =	stream.indirect.scatter.add.f32 [tilespmem:s16], [sflag:$0x3], $0x80, s28, s19, $0xb8;
	[tilespmem:$0x1E800] =	vst v63  }
0x69: {  	_ =	swait.ge [sflag:s17], $0x4000  }
0x6a: {  	[sflag:s17] =	ssyncset.done $0x0  }
0x6b: {  	s28 =	sadd.s32 $0x100, s26;
	[sflag:s17] =	ssyncadd.s32 $0xFFFFC000  }
0x6c: {  	[tilespmem:s16], [sflag:$0x1] =	stream.indirect.gather [hbm4b:s4+s19], $0x80, s28, s19, $0xb8;
	[tilespmem:$0x1E800] =	vst v63  }
0x6d: {  	_ =	swait.ge [sflag:s22], $0x4000  }
0x6e: {  	[sflag:s22] =	ssyncset.done $0x0  }
0x6f: {  	s29 =	sadd.s32 $0x1480, s26;
	[sflag:s22] =	ssyncadd.s32 $0xFFFFC000  }
0x70: {  	[spmem:s2] =	stream.indirect.scatter.add.f32 [tilespmem:s20], [sflag:$0x3], $0x80, s29, s19, $0xb8;
	[tilespmem:$0x1E800] =	vst v63  }
0x71: {  	_ =	swait.ge [sflag:s17], $0x4000  }
0x72: {  	[sflag:s17] =	ssyncset.done $0x0  }
0x73: {  	[sflag:s17] =	ssyncadd.s32 $0xFFFFC000  }
0x74: {  	[tilespmem:s20], [sflag:$0x2] =	stream.indirect.gather [hbm4b:s4+s19], $0x80, s23, s19, $0xb8;
	[tilespmem:$0x1E800] =	vst v63  }
0x75: {  	_ =	swait.ge [sflag:s21], $0x4000  }
0x76: {  	[sflag:s21] =	ssyncset.done $0x0  }
0x77: {  	[sflag:s21] =	ssyncadd.s32 $0xFFFFC000  }
0x78: {  	[spmem:s2] =	stream.indirect.scatter.add.f32 [tilespmem:s16], [sflag:$0x3], $0x80, s24, s19, $0xb8;
	[tilespmem:$0x1E800] =	vst v63  }
0x79: {  	_ =	swait.ge [sflag:s17], $0x4000  }
0x7a: {  	[sflag:s17] =	ssyncset.done $0x0  }
0x7b: {  	[sflag:s17] =	ssyncadd.s32 $0xFFFFC000  }
0x7c: {  	_ =	swait.ge [sflag:s22], $0x4000  }
0x7d: {  	[sflag:s22] =	ssyncset.done $0x0  }
0x7e: {  	[sflag:s22] =	ssyncadd.s32 $0xFFFFC000  }
0x7f: {  	[spmem:s2] =	stream.indirect.scatter.add.f32 [tilespmem:s20], [sflag:$0x3], $0x80, s25, s19, $0xb8;
	[tilespmem:$0x1E800] =	vst v63  }
0x80: {  	_ =	swait.ge [sflag:s17], $0x4000  }
0x81: {  	[sflag:s17] =	ssyncset.done $0x0  }
0x82: {  	s30 =	simm.s32 $0x0;
	[sflag:s17] =	ssyncadd.s32 $0xFFFFC000  }
0x83: {  	[tilespmem:s30], [sflag:$0x3] =	stream.linear.gather [hbm4b:s12+s30], $0x1400, $0x38;
	[tilespmem:$0x1E800] =	vst v63  }
0x84: {  	_ =	swait.ge [sflag:s17], $0x1400  }
0x85: {  	[sflag:s17] =	ssyncset.done $0x0  }
0x86: {  	[sflag:s17] =	ssyncadd.s32 $0xFFFFEC00  }
0x87: {  	[tilespmem:s18], [sflag:$0x3] =	stream.linear.gather [hbm4b:s13+s30], $0x1400, $0x38;
	[tilespmem:$0x1E800] =	vst v63  }
0x88: {  	_ =	swait.ge [sflag:s17], $0x1400  }
0x89: {  	[sflag:s17] =	ssyncset.done $0x0  }
0x8a: {  	[sflag:s17] =	ssyncadd.s32 $0xFFFFEC00  }
0x8b: {  	[tilespmem:s16], [sflag:$0x1] =	stream.indirect.gather [hbm4b:s4+s19], $0x80, s30, s19, $0xb8;
	[tilespmem:$0x1E800] =	vst v63  }
0x8c: {  	s31 =	simm.s32 $0x80  }
0x8d: {  	[tilespmem:s20], [sflag:$0x2] =	stream.indirect.gather [hbm4b:s4+s19], $0x80, s31, s19, $0xb8;
	[tilespmem:$0x1E800] =	vst v63  }
0x8e: {  	_ =	swait.ge [sflag:s21], $0x4000  }
0x8f: {  	[sflag:s21] =	ssyncset.done $0x0  }
0x90: {  	s29 =	simm.s32 $0x1400;
	[sflag:s21] =	ssyncadd.s32 $0xFFFFC000  }
0x91: {  	[spmem:s2] =	stream.indirect.scatter.add.f32 [tilespmem:s16], [sflag:$0x3], $0x80, s29, s19, $0xb8;
	[tilespmem:$0x1E800] =	vst v63  }
0x92: {  	_ =	swait.ge [sflag:s17], $0x4000  }
0x93: {  	[sflag:s17] =	ssyncset.done $0x0  }
0x94: {  	s30 =	simm.s32 $0x100;
	[sflag:s17] =	ssyncadd.s32 $0xFFFFC000  }
0x95: {  	[tilespmem:s16], [sflag:$0x1] =	stream.indirect.gather [hbm4b:s4+s19], $0x80, s30, s19, $0xb8;
	[tilespmem:$0x1E800] =	vst v63  }
0x96: {  	_ =	swait.ge [sflag:s22], $0x4000  }
0x97: {  	[sflag:s22] =	ssyncset.done $0x0  }
0x98: {  	s31 =	simm.s32 $0x1480;
	[sflag:s22] =	ssyncadd.s32 $0xFFFFC000  }
0x99: {  	[spmem:s2] =	stream.indirect.scatter.add.f32 [tilespmem:s20], [sflag:$0x3], $0x80, s31, s19, $0xb8;
	[tilespmem:$0x1E800] =	vst v63  }
0x9a: {  	_ =	swait.ge [sflag:s17], $0x4000  }
0x9b: {  	s26 =	simm.s32 $0x100;
	s28 =	simm.s32 $0x800;
	[sflag:s17] =	ssyncset.done $0x0  }
.LBB2_6:
0x9c: {  	s29 =	sadd.s32 $0x80, s26  }
0x9d: {  	[sflag:s17] =	ssyncadd.s32 $0xFFFFC000;
	s30 =	smov.u32 s28;
	s31 =	sadd.s32 $0x400, s28  }
0x9e: {  	[tilespmem:s20], [sflag:$0x2] =	stream.indirect.gather [hbm4b:s4+s19], $0x80, s29, s19, $0xb8;
	[tilespmem:$0x1E800] =	vst v63  }
0x9f: {  	p0 =	sne.s32 s28, $0x4800;
	_ =	swait.ge [sflag:s21], $0x4000  }
0xa0: {  	[sflag:s21] =	ssyncset.done $0x0  }
0xa1: {  	s28 =	sadd.s32 $0x1400, s26;
	[sflag:s21] =	ssyncadd.s32 $0xFFFFC000  }
0xa2: {  	[spmem:s2] =	stream.indirect.scatter.add.f32 [tilespmem:s16], [sflag:$0x3], $0x80, s28, s19, $0xb8;
	[tilespmem:$0x1E800] =	vst v63  }
0xa3: {  	_ =	swait.ge [sflag:s17], $0x4000  }
0xa4: {  	[sflag:s17] =	ssyncset.done $0x0  }
0xa5: {  	s28 =	sadd.s32 $0x100, s26;
	[sflag:s17] =	ssyncadd.s32 $0xFFFFC000  }
0xa6: {  	[tilespmem:s16], [sflag:$0x1] =	stream.indirect.gather [hbm4b:s4+s19], $0x80, s28, s19, $0xb8;
	[tilespmem:$0x1E800] =	vst v63  }
0xa7: {  	_ =	swait.ge [sflag:s22], $0x4000  }
.Ltmp2:
0xa8: {  	[sflag:s22] =	ssyncset.done $0x0;
	(pc) =	sbr.rel @p0 .LBB2_6-.Ltmp2, $4  }
0xa9: {  	s26 =	sadd.s32 $0x1480, s26;
	[sflag:s22] =	ssyncadd.s32 $0xFFFFC000  }
0xaa: {  	[spmem:s2] =	stream.indirect.scatter.add.f32 [tilespmem:s20], [sflag:$0x3], $0x80, s26, s19, $0xb8;
	[tilespmem:$0x1E800] =	vst v63  }
0xab: {  	_ =	swait.ge [sflag:s17], $0x4000  }
0xac: {  	s28 =	smov.u32 s31;
	s26 =	sshra.s32 s30, $0x2;
	[sflag:s17] =	ssyncset.done $0x0  }
0xad: {  	s28 =	sadd.s32 $0x80, s26;
	[sflag:s17] =	ssyncadd.s32 $0xFFFFC000  }
0xae: {  	[tilespmem:s20], [sflag:$0x2] =	stream.indirect.gather [hbm4b:s4+s19], $0x80, s28, s19, $0xb8;
	[tilespmem:$0x1E800] =	vst v63  }
0xaf: {  	_ =	swait.ge [sflag:s21], $0x4000  }
0xb0: {  	[sflag:s21] =	ssyncset.done $0x0  }
0xb1: {  	s30 =	sadd.s32 $0x1400, s26;
	[sflag:s21] =	ssyncadd.s32 $0xFFFFC000  }
0xb2: {  	[spmem:s2] =	stream.indirect.scatter.add.f32 [tilespmem:s16], [sflag:$0x3], $0x80, s30, s19, $0xb8;
	[tilespmem:$0x1E800] =	vst v63  }
0xb3: {  	_ =	swait.ge [sflag:s17], $0x4000  }
0xb4: {  	[sflag:s17] =	ssyncset.done $0x0  }
0xb5: {  	s31 =	sadd.s32 $0x100, s26;
	[sflag:s17] =	ssyncadd.s32 $0xFFFFC000  }
0xb6: {  	[tilespmem:s16], [sflag:$0x1] =	stream.indirect.gather [hbm4b:s4+s19], $0x80, s31, s19, $0xb8;
	[tilespmem:$0x1E800] =	vst v63  }
0xb7: {  	_ =	swait.ge [sflag:s22], $0x4000  }
0xb8: {  	[sflag:s22] =	ssyncset.done $0x0  }
0xb9: {  	s29 =	sadd.s32 $0x1480, s26;
	[sflag:s22] =	ssyncadd.s32 $0xFFFFC000  }
0xba: {  	[spmem:s2] =	stream.indirect.scatter.add.f32 [tilespmem:s20], [sflag:$0x3], $0x80, s29, s19, $0xb8;
	[tilespmem:$0x1E800] =	vst v63  }
0xbb: {  	_ =	swait.ge [sflag:s17], $0x4000  }
0xbc: {  	[sflag:s17] =	ssyncset.done $0x0  }
0xbd: {  	[sflag:s17] =	ssyncadd.s32 $0xFFFFC000  }
0xbe: {  	[tilespmem:s20], [sflag:$0x2] =	stream.indirect.gather [hbm4b:s4+s19], $0x80, s23, s19, $0xb8;
	[tilespmem:$0x1E800] =	vst v63  }
0xbf: {  	_ =	swait.ge [sflag:s21], $0x4000  }
0xc0: {  	[sflag:s21] =	ssyncset.done $0x0  }
0xc1: {  	[sflag:s21] =	ssyncadd.s32 $0xFFFFC000  }
0xc2: {  	[spmem:s2] =	stream.indirect.scatter.add.f32 [tilespmem:s16], [sflag:$0x3], $0x80, s24, s19, $0xb8;
	[tilespmem:$0x1E800] =	vst v63  }
0xc3: {  	_ =	swait.ge [sflag:s17], $0x4000  }
0xc4: {  	[sflag:s17] =	ssyncset.done $0x0  }
0xc5: {  	[sflag:s17] =	ssyncadd.s32 $0xFFFFC000  }
0xc6: {  	_ =	swait.ge [sflag:s22], $0x4000  }
0xc7: {  	[sflag:s22] =	ssyncset.done $0x0  }
0xc8: {  	[sflag:s22] =	ssyncadd.s32 $0xFFFFC000  }
0xc9: {  	[spmem:s2] =	stream.indirect.scatter.add.f32 [tilespmem:s20], [sflag:$0x3], $0x80, s25, s19, $0xb8;
	[tilespmem:$0x1E800] =	vst v63  }
0xca: {  	_ =	swait.ge [sflag:s17], $0x4000  }
0xcb: {  	s3 =	sadd.s32 $0x1, s3;
	s30 =	sshll.u32 s1, $0x6;
	[sflag:s17] =	ssyncset.done $0x0  }
0xcc: {  	p0 =	sne.s32 s3, s15;
	s26 =	sor.u32 $0x1C03, s30;
	[sflag:s17] =	ssyncadd.s32 $0xFFFFC000  }
.Ltmp3:
0xcd: {  	s31 =	sshrl.u32 s5, $0x3;
	[bflag:$0x0] =	sbarrier.arrive $0xFFFF;
	(pc) =	sbr.rel @p0 .LBB2_1-.Ltmp3, $4  }
0xce: {  	[hbm:s14], [sflag:s26] =	dma.local [spmem:s31], $0x2800  }
0xcf: {  	_ =	swait.ge [sflag:s17], $0x2800  }
0xd0: {  	[sflag:s17] =	ssyncset.done $0x0  }
0xd1: {  	[sflag:s17] =	ssyncadd.s32 $0xFFFFD800  }
0xd2: {  	_ =	sfence.sel $0x180000  }
0xd3: {  	[bflag:$0x0] =	sbarrier.arrive $0xFFFF  }
0xd4: {  	p0 =	sne.s32 s1, $0x0;
	_ =	strace $0x9000004A  }
0xd5: {  	s0 =	sadd.s32 @!p0 $0x100000, s0;
	[bflag:$0x2] =	sbarrier.arrive $0xFFFF  }
0xd6: {  	[sflag:s0] =	ssyncadd.tile.s32 @!p0 $0x1;
	_ =	shalt  }
.Lfunc_end2:
_tile_overlayer_lowered:
.L_overlay_start_2:
0xd7: {  	(tag) =	ssettag $0x2  }
0xd8: {  	s0 =	rddreg [dreg:$0x0];
	s2 =	stileid.u32  }
0xd9: {  	s1 =	rddreg [dreg:$0x1];
	p0 =	sne.s32 s2, $0x0  }
0xda: {  	s3 =	rddreg [dreg:$0x2];
	[bflag:$0x3] =	sbarrier.arrive $0xFFFF;
	s2 =	simm.s32 @!p0 $0x1C03  }
0xdb: {  	[timem:s3], [sflag:s2] =	dma.local @!p0 [hbm:s0], s1  }
0xdc: {  	s0 =	simm.s32 @!p0 $0x3  }
0xdd: {  	_ =	swait.ge @!p0 [sflag:s0], s1  }
0xde: {  	s1 =	ssub.s32 @!p0 $0x0, s1;
	[sflag:s0] =	ssyncset.done @!p0 $0x0  }
0xdf: {  	[sflag:s0] =	ssyncadd.s32 @!p0 s1  }
0xe0: {  	[bflag:$0x3] =	sbarrier.arrive $0xFFFF  }
0xe1: {  	_ =	shalt  }

// kernel: kernel.14.cloned.1.call-start
scs
__scs_entry_jumppad:
0x0: {  	(pc) =	sbr.rel $0x88, $3  }
0x1: {  	(tag) =	ssettag $0x0;
	lr =	simm.s32 $0x1  }
0x2: {  	[smem:$0x3F91] =	sst lr;
	_ =	strace $0xD0000000  }
0x3: {  	_ = 	snop  }
0x4: {  	_ = 	snop  }
0x5: {  	_ = 	snop  }
0x6: {  	_ = 	snop  }
0x7: {  	_ = 	snop  }
__scs_overlays_trampoline_lowered:
0x8: {  	[smem:$0x3FA0] =	sst s0  }
0x9: {  	[smem:$0x3FA1] =	sst s1  }
0xa: {  	[smem:$0x3FA2] =	sst s2  }
0xb: {  	[smem:$0x3FA3] =	sst s3  }
0xc: {  	[smem:$0x3FA4] =	sst s4  }
0xd: {  	[smem:$0x3FA5] =	sst s5  }
0xe: {  	[smem:$0x3FA6] =	sst s6  }
0xf: {  	[smem:$0x3FA7] =	sst s7  }
0x10: {  	[smem:$0x3FA8] =	sst s8  }
0x11: {  	[smem:$0x3FA9] =	sst s9;
	s0 =	simm.s32 @!p0 $0x0  }
0x12: {  	s1 =	sld [smem:$0x3F8F];
	s0 =	simm.s32 @p0 $0x1  }
0x13: {  	[smem:$0x3FAA] =	sst s0;
	s0 =	simm.s32 @!p1 $0x0  }
0x14: {  	s2 =	sld [smem:$0x3F8E];
	s0 =	simm.s32 @p1 $0x1  }
0x15: {  	[smem:$0x3FAB] =	sst s0;
	s0 =	simm.s32 @!p2 $0x0  }
0x16: {  	s3 =	sld [smem:$0x3FDB];
	s0 =	simm.s32 @p2 $0x1  }
0x17: {  	s4 =	simm.s32 $0x1BF5;
	[smem:$0x3FAD] =	sst s0  }
0x18: {  	s0 =	sld [smem:$0x3F90];
	_ =	swait.ge [sflag:s4], $0x0  }
0x19: {  	s7 =	sld [smem:$0x3F91]  }
0x1a: {  	s8 =	sadd.s32 $0xFFFFE003, lr  }
0x1b: {  	s9 =	sadd.s32 $0xFFFFFEF7, lr;
	s5 =	simm.s32 $0xFFFFFFFF;
	p2 =	slt.u32 s8, $0xFFFFF086  }
0x1c: {  	p1 =	slt.u32 s9, $0xF7A;
	s5 =	simm.s32 @!p2 $0x0  }
0x1d: {  	s5 =	simm.s32 @p1 $0x1;
	p0 =	seq.s32 s7, s2  }
0x1e: {  	s7 =	smul.u32 @!p0 $0xF7A, s2;
	p2 =	seq.s32 @!p0 s5, $0x0  }
0x1f: {  	s9 =	smul.u32 $0xF7A, s1;
	s8 =	simm.s32 @!p0 $0x1BF5;
	p2 =	por !p2, p0  }
0x20: {  	[sflag:s8] =	ssyncset.s32 @!p0 $0xFFFFF086;
	s6 =	sadd.s32 @!p0 s3, s7;
	s7 =	simm.s32 @!p0 $0x108  }
0x21: {  	s3 =	sadd.s32 s3, s9;
	s6 =	sadd.s32 @!p0 $0x88, s6;
	s7 =	simm.s32 @p2 $0x1082  }
0x22: {  	[simem:s7], [sflag:s8] =	dma.local @!p0 [hbm:s6], $0xF7A  }
0x23: {  	s9 =	sor.u32 $0xD0000000, s2;
	s6 =	simm.s32 $0x108;
	_ =	swait.ge @!p0 [sflag:s8], $0x0  }
0x24: {  	s3 =	sadd.s32 $0x88, s3;
	s6 =	simm.s32 @!p1 $0x1082;
	[sflag:s4] =	ssyncset.s32 $0xFFFFF086  }
0x25: {  	[simem:s6], [sflag:s4] =	dma.local [hbm:s3], $0xF7A  }
0x26: {  	[smem:$0x3F91] =	sst s1;
	(tag) =	ssettag s2;
	_ =	strace s9  }
0x27: {  	s1 =	sld [smem:$0x3FA1]  }
0x28: {  	s2 =	sld [smem:$0x3FA2]  }
0x29: {  	s4 =	sld [smem:$0x3FA4]  }
0x2a: {  	p0 =	seq.s32 s5, $0x0;
	s5 =	sld [smem:$0x3FA5]  }
0x2b: {  	s6 =	sld [smem:$0x3FA6]  }
0x2c: {  	s7 =	sld [smem:$0x3FA7]  }
0x2d: {  	s3 =	simm.s32 $0x108;
	s8 =	sld [smem:$0x3FA8]  }
0x2e: {  	s3 =	simm.s32 @!p0 $0x1082;
	s9 =	sld [smem:$0x3FA9]  }
0x2f: {  	lr =	sadd.s32 s0, s3;
	s0 =	sld [smem:$0x3FA0]  }
0x30: {  	s3 =	sld [smem:$0x3FA3]  }
0x31: {  	[smem:$0x3FAC] =	sst s10  }
0x32: {  	s10 =	sld [smem:$0x3FAA];
	_ =	sdelay $0x3  }
0x33: {  	p0 =	seq.s32 s10, $0x1;
	s10 =	sld [smem:$0x3FAC];
	_ =	sdelay $0x3  }
0x34: {  	[smem:$0x3FAC] =	sst s10  }
0x35: {  	s10 =	sld [smem:$0x3FAB];
	_ =	sdelay $0x3  }
0x36: {  	p1 =	seq.s32 s10, $0x1;
	s10 =	sld [smem:$0x3FAC];
	_ =	sdelay $0x3  }
0x37: {  	[smem:$0x3FAC] =	sst s10  }
0x38: {  	s10 =	sld [smem:$0x3FAD]  }
0x39: {  	_ = 	snop;
	(pc) =	sbr.ind lr, $3  }
0x3a: {  	_ = 	snop  }
0x3b: {  	_ = 	snop  }
0x3c: {  	p2 =	seq.s32 s10, $0x1;
	s10 =	sld [smem:$0x3FAC]  }
0x3d: {  	_ =	shalt  }
0x3e: {  	_ =	shalt  }
0x3f: {  	_ =	shalt  }
0x40: {  	_ =	shalt  }
0x41: {  	_ =	shalt  }
0x42: {  	_ =	shalt  }
0x43: {  	_ =	shalt  }
0x44: {  	_ =	shalt  }
0x45: {  	_ =	shalt  }
0x46: {  	_ =	shalt  }
0x47: {  	_ =	shalt  }
0x48: {  	_ =	shalt  }
0x49: {  	_ =	shalt  }
0x4a: {  	_ =	shalt  }
0x4b: {  	_ =	shalt  }
0x4c: {  	_ =	shalt  }
0x4d: {  	_ =	shalt  }
0x4e: {  	_ =	shalt  }
0x4f: {  	_ =	shalt  }
0x50: {  	_ =	shalt  }
0x51: {  	_ =	shalt  }
0x52: {  	_ =	shalt  }
0x53: {  	_ =	shalt  }
0x54: {  	_ =	shalt  }
0x55: {  	_ =	shalt  }
0x56: {  	_ =	shalt  }
0x57: {  	_ =	shalt  }
0x58: {  	_ =	shalt  }
0x59: {  	_ =	shalt  }
0x5a: {  	_ =	shalt  }
0x5b: {  	_ =	shalt  }
0x5c: {  	_ =	shalt  }
0x5d: {  	_ =	shalt  }
0x5e: {  	_ =	shalt  }
0x5f: {  	_ =	shalt  }
0x60: {  	_ =	shalt  }
0x61: {  	_ =	shalt  }
0x62: {  	_ =	shalt  }
0x63: {  	_ =	shalt  }
0x64: {  	_ =	shalt  }
0x65: {  	_ =	shalt  }
0x66: {  	_ =	shalt  }
0x67: {  	_ =	shalt  }
0x68: {  	_ =	shalt  }
0x69: {  	_ =	shalt  }
0x6a: {  	_ =	shalt  }
0x6b: {  	_ =	shalt  }
0x6c: {  	_ =	shalt  }
0x6d: {  	_ =	shalt  }
0x6e: {  	_ =	shalt  }
0x6f: {  	_ =	shalt  }
0x70: {  	_ =	shalt  }
0x71: {  	_ =	shalt  }
0x72: {  	_ =	shalt  }
0x73: {  	_ =	shalt  }
0x74: {  	_ =	shalt  }
0x75: {  	_ =	shalt  }
0x76: {  	_ =	shalt  }
0x77: {  	_ =	shalt  }
0x78: {  	_ =	shalt  }
0x79: {  	_ =	shalt  }
0x7a: {  	_ =	shalt  }
0x7b: {  	_ =	shalt  }
0x7c: {  	_ =	shalt  }
0x7d: {  	_ =	shalt  }
0x7e: {  	_ =	shalt  }
0x7f: {  	_ =	shalt  }
0x80: {  	_ =	shalt  }
0x81: {  	_ =	shalt  }
0x82: {  	_ =	shalt  }
0x83: {  	_ =	shalt  }
0x84: {  	_ =	shalt  }
0x85: {  	_ =	shalt  }
0x86: {  	_ =	shalt  }
0x87: {  	_ =	shalt  }
.Lfunc_end0:
.L_simem_size_0:
called_computation.2_lowered:
.L_overlay_start_0:
0x88: {  	s2 =	sld [smem:$0x3FD9]  }
0x89: {  	s3 =	sld [smem:$0x3FFE];
	_ =	sdelay $0x1  }
0x8a: {  	s1 =	srdreg.scid  }
0x8b: {  	s0 =	sand.u32 $0x1, s1  }
0x8c: {  	s14 =	sshll.u32 s0, $0xA;
	s2 =	sadd.s32 s3, s2  }
0x8d: {  	s2 =	sadd.s32 s2, s14  }
0x8e: {  	[smem:$0x3FB8] =	sst s2  }
0x8f: {  	_ = 	snop  }
0x90: {  	s2 =	sld [smem:$0x3FD0];
	_ =	sdelay $0x2  }
0x91: {  	s15 =	simm.s32 $0xA;
	s4 =	simm.s32 $0x10  }
0x92: {  	[smem:s4], [sflag:s15] =	dma.local [hbm:s2], $0x1  }
0x93: {  	_ =	swait.eq [sflag:s15], $0x1  }
0x94: {  	[sflag:s15] =	ssyncset.done $0x0  }
0x95: {  	s16 =	sld [smem:$0x12];
	[sflag:s15] =	ssyncadd.s32 $0xFFFFFFFF  }
0x96: {  	s17 =	sld [smem:$0x13];
	(tm) =	ssettm $0x1  }
0x97: {  	s18 =	sld [smem:$0x3FFB];
	_ =	sdelay $0x3  }
0x98: {  	_ =	strace s18  }
0x99: {  	s4 =	sld [smem:$0x3FFC];
	_ =	sdelay $0x3  }
0x9a: {  	_ =	strace s4  }
0x9b: {  	s4 =	sld [smem:$0x3FFD];
	_ =	sdelay $0x3  }
0x9c: {  	_ =	strace s4  }
0x9d: {  	_ =	strace $0x8FFFFFFF  }
0x9e: {  	s19 =	sld [smem:$0x3FDB];
	_ =	sdelay $0x1  }
0x9f: {  	s5 =	simm.s32 $_scs_section_size  }
0xa0: {  	s6 =	simm.s32 $_size__tile_overlayer_lowered;
	s7 =	simm.s32 $_tile_overlayer_lowered  }
0xa1: {  	s22 =	simm.s32 $0x1BFF;
	s21 =	sshll.u32 s7, $0x1;
	s4 =	sadd.s32 s5, s19  }
0xa2: {  	s8 =	simm.s32 $0x0;
	s20 =	sshll.u32 s6, $0x1;
	s6 =	sadd.s32 s21, s4  }
0xa3: {  	[timem:s8], [sflag:s22] =	dma.local [hbm:s6], s20  }
0xa4: {  	_ =	swait.ge [sflag:s22], s20  }
0xa5: {  	s5 =	ssub.s32 $0x0, s20;
	[sflag:s22] =	ssyncset.done $0x0  }
0xa6: {  	[sflag:s22] =	ssyncadd.s32 s5;
	_ =	sdelay $0x1  }
0xa7: {  	s23 =	simm.s32 $0x1B8B  }
0xa8: {  	_ =	swait.ge [sflag:s23], $0x1  }
0xa9: {  	[sflag:s23] =	ssyncset.done $0x0  }
0xaa: {  	s25 =	simm.s32 $0x1B8E;
	s24 =	sld [smem:$0x3FFE];
	[sflag:s23] =	ssyncadd.s32 $0xFFFFFFFF  }
0xab: {  	s26 =	simm.s32 $execute0_lowered;
	[smem:$0x3FD2] =	sst s25  }
0xac: {  	s6 =	sshll.u32 s26, $0x1;
	_ =	strace $0x8000004C;
	[dreg:$0x1] =	wrdreg $0xFFFFFFFF  }
0xad: {  	s28 =	simm.s32 $_size_execute0_lowered;
	s4 =	sadd.s32 s4, s6;
	[dreg:$0x0] =	wrdreg $0x0  }
0xae: {  	s6 =	sshll.u32 s28, $0x1;
	[dreg:$0x2] =	wrdreg s4  }
0xaf: {  	[dreg:$0x3] =	wrdreg s6  }
0xb0: {  	[dreg:$0x4] =	wrdreg $0xC0  }
0xb1: {  	_ =	task [dreg:s8], $0x5FFFF  }
0xb2: {  	[dreg:$0x1] =	wrdreg $0xFFFFFFFF  }
0xb3: {  	[dreg:$0x0] =	wrdreg $0x60  }
0xb4: {  	[dreg:$0x2] =	wrdreg s24  }
0xb5: {  	[dreg:$0x3] =	wrdreg s16  }
0xb6: {  	[dreg:$0x4] =	wrdreg s17  }
0xb7: {  	[dreg:$0x5] =	wrdreg $0xA8000  }
0xb8: {  	[dreg:$0x6] =	wrdreg $0x9  }
0xb9: {  	_ =	task.clear_ibuf [dreg:s8], $0x7FFFF;
	_ =	strace $0x9000004C  }
0xba: {  	s29 =	simm.s32 $0x9;
	_ =	strace $0x8000004E  }
0xbb: {  	_ =	swait.ge [sflag:s29], $0x1  }
0xbc: {  	[sflag:s29] =	ssyncadd.s32 $0xFFFFFFFF  }
0xbd: {  	_ =	strace $0x9000004E  }
0xbe: {  	_ =	sfence  }
0xbf: {  	s30 =	sld [smem:$0x0];
	_ =	sdelay $0x2  }
0xc0: {  	s31 =	sshll.u32 s1, $0xD;
	s1 =	sshrl.u32 s1, $0x2  }
0xc1: {  	s3 =	sand.u32 $0x4000, s31;
	s1 =	sadd.s32 s1, s30  }
0xc2: {  	s0 =	sor.u32 s3, s0;
	s1 =	sshll.u32 s1, $0x11  }
0xc3: {  	s0 =	sor.u32 s1, s0  }
0xc4: {  	s0 =	sadd.s32 $0x8F2B, s0  }
0xc5: {  	[sflag:s0] =	ssyncadd.remote.s32 $0x1  }
0xc6: {  	_ =	sfence.sel $0xFFFF  }
0xc7: {  	[dreg:$0x0] =	wrdreg $0xFFFFFFFF;
	(pc) =	sbr.abs _section_cstart, $3  }
0xc8: {  	[dreg:$0x1] =	wrdreg $0xFFFFFFFF  }
0xc9: {  	_ =	task.clear_ibuf [dreg:s8], $0x2FFFF;
	_ =	strace $0x9FFFFFFF  }
0xca: {  	(tm) =	ssettm $0x7FFFFFFF  }
0xcb: {  	_ =	shalt  }
tec
execute0_lowered:
.L_overlay_start_1:
0x0: {  	(tag) =	ssettag $0x1  }
0x1: {  	s5 =	rddreg [dreg:$0x0]  }
0x2: {  	s12 =	rddreg [dreg:$0x1]  }
0x3: {  	s13 =	rddreg [dreg:$0x2];
	s0 =	srdreg.scid  }
0x4: {  	s2 =	rddreg [dreg:$0x3];
	s1 =	stileid.u32  }
0x5: {  	s3 =	simm.s32 $0x0;
	s17 =	simm.s32 $0x3;
	s18 =	simm.s32 $0x1400  }
0x6: {  	s19 =	simm.s32 $0x80;
	s20 =	simm.s32 $0x6800;
	s21 =	simm.s32 $0x1  }
0x7: {  	s22 =	simm.s32 $0x2;
	s23 =	simm.s32 $0x1380;
	s7 =	smul.u32 $0x14000, s1  }
0x8: {  	s24 =	simm.s32 $0x2700;
	s25 =	simm.s32 $0x2780;
	s8 =	smul.u32 $0x50000, s1  }
0x9: {  	s6 =	sand.u32 $0x1, s0;
	[smem:$0x7FF] =	sst s3;
	s10 =	smul.u32 $0x2800, s1  }
0xa: {  	s0 =	rddreg [dreg:$0x4];
	s4 =	smul.u32 $0x140000, s6;
	_ =	strace $0x8000004D  }
0xb: {  	s9 =	smul.u32 $0x28000, s6;
	s6 =	ssub.s32 $0x2, s6;
	s8 =	sshrl.u32 s8, $0x2  }
0xc: {  	s31 =	sshrl.u32 s6, $0x1;
	s7 =	sadd.s32 s7, s4;
	s4 =	sadd.s32 $0x2C00, s5  }
0xd: {  	s15 =	ssub.s32 s6, s31;
	s9 =	sadd.s32 s10, s9;
	s7 =	sshrl.u32 s7, $0x3  }
0xe: {  	s11 =	sshrl.u32 s9, $0x3;
	s15 =	smax.u32 s15, $0x1;
	s14 =	sadd.s32 s7, s5  }
0xf: {  	s5 =	sadd.s32 s8, s2;
	s10 =	sadd.s32 s12, s11;
	s16 =	sadd.s32 $0x280, s11  }
0x10: {  	s11 =	sadd.s32 s13, s11;
	s6 =	sadd.s32 $0x4000, s5;
	s7 =	sadd.s32 $0x8000, s5  }
0x11: {  	s8 =	sadd.s32 $0xC000, s5;
	s9 =	sadd.s32 $0x10000, s5;
	s12 =	sadd.s32 s12, s16  }
0x12: {  	v0 =	vimm.f32 $0.0e+00;
	s13 =	sadd.s32 s13, s16;
	s14 =	sadd.s32 $0xA2C00, s14;
	s16 =	simm.s32 $0x2800  }
.LBB2_1:
0x13: {  	s26 =	simm.s32 $0x0;
	s28 =	simm.s32 $0x200  }
.LBB2_2:
0x14: {  	p0 =	sne.s32 s28, $0xFE00;
	[tilespmem:s26+$0x2870] =	vst v0  }
0x15: {  	[tilespmem:s26+$0x2800] =	vst v0  }
0x16: {  	[tilespmem:s26+$0x2810] =	vst v0  }
.Ltmp0:
0x17: {  	[tilespmem:s26+$0x2820] =	vst v0;
	(pc) =	sbr.rel @p0 .LBB2_2-.Ltmp0, $4  }
0x18: {  	[tilespmem:s26+$0x2830] =	vst v0  }
0x19: {  	[tilespmem:s26+$0x2840] =	vst v0  }
0x1a: {  	[tilespmem:s26+$0x2850] =	vst v0  }
0x1b: {  	[tilespmem:s26+$0x2860] =	vst v0;
	s26 =	sshra.s32 s28, $0x2;
	s28 =	sadd.s32 $0x200, s28  }
0x1c: {  	[tilespmem:s26+$0x2870] =	vst v0  }
0x1d: {  	[tilespmem:s26+$0x2800] =	vst v0  }
0x1e: {  	[tilespmem:s26+$0x2810] =	vst v0  }
0x1f: {  	[tilespmem:s26+$0x2820] =	vst v0  }
0x20: {  	[tilespmem:s26+$0x2830] =	vst v0  }
0x21: {  	[tilespmem:s26+$0x2840] =	vst v0  }
0x22: {  	[tilespmem:s26+$0x2850] =	vst v0  }
0x23: {  	[tilespmem:s26+$0x2860] =	vst v0  }
0x24: {  	[spmem:s5] =	stream.linear.scatter [tilespmem:s16], [sflag:$0x3], $0x4000, $0x38;
	[tilespmem:$0x1E800] =	vst v63  }
0x25: {  	_ =	swait.ge [sflag:s17], $0x4000  }
0x26: {  	[sflag:s17] =	ssyncset.done $0x0  }
0x27: {  	[sflag:s17] =	ssyncadd.s32 $0xFFFFC000  }
0x28: {  	[spmem:s6] =	stream.linear.scatter [tilespmem:s16], [sflag:$0x3], $0x4000, $0x38;
	[tilespmem:$0x1E800] =	vst v63  }
0x29: {  	_ =	swait.ge [sflag:s17], $0x4000  }
0x2a: {  	[sflag:s17] =	ssyncset.done $0x0  }
0x2b: {  	[sflag:s17] =	ssyncadd.s32 $0xFFFFC000  }
0x2c: {  	[spmem:s7] =	stream.linear.scatter [tilespmem:s16], [sflag:$0x3], $0x4000, $0x38;
	[tilespmem:$0x1E800] =	vst v63  }
0x2d: {  	_ =	swait.ge [sflag:s17], $0x4000  }
0x2e: {  	[sflag:s17] =	ssyncset.done $0x0  }
0x2f: {  	[sflag:s17] =	ssyncadd.s32 $0xFFFFC000  }
0x30: {  	[spmem:s8] =	stream.linear.scatter [tilespmem:s16], [sflag:$0x3], $0x4000, $0x38;
	[tilespmem:$0x1E800] =	vst v63  }
0x31: {  	_ =	swait.ge [sflag:s17], $0x4000  }
0x32: {  	[sflag:s17] =	ssyncset.done $0x0  }
0x33: {  	[sflag:s17] =	ssyncadd.s32 $0xFFFFC000  }
0x34: {  	[spmem:s9] =	stream.linear.scatter [tilespmem:s16], [sflag:$0x3], $0x4000, $0x38;
	[tilespmem:$0x1E800] =	vst v63  }
0x35: {  	_ =	swait.ge [sflag:s17], $0x4000  }
0x36: {  	[sflag:s17] =	ssyncset.done $0x0  }
0x37: {  	[sflag:s17] =	ssyncadd.s32 $0xFFFFC000  }
0x38: {  	s30 =	simm.s32 $0x0;
	[bflag:$0x0] =	sbarrier.arrive $0xFFFF  }
0x39: {  	[tilespmem:s30], [sflag:$0x3] =	stream.linear.gather [hbm4b:s10+s30], $0x1400, $0x38;
	[tilespmem:$0x1E800] =	vst v63  }
0x3a: {  	_ =	swait.ge [sflag:s17], $0x1400  }
0x3b: {  	[sflag:s17] =	ssyncset.done $0x0  }
0x3c: {  	[sflag:s17] =	ssyncadd.s32 $0xFFFFEC00  }
0x3d: {  	[tilespmem:s18], [sflag:$0x3] =	stream.linear.gather [hbm4b:s11+s30], $0x1400, $0x38;
	[tilespmem:$0x1E800] =	vst v63  }
0x3e: {  	_ =	swait.ge [sflag:s17], $0x1400  }
0x3f: {  	[sflag:s17] =	ssyncset.done $0x0  }
0x40: {  	[sflag:s17] =	ssyncadd.s32 $0xFFFFEC00  }
0x41: {  	[tilespmem:s16], [sflag:$0x1] =	stream.indirect.gather [hbm4b:s4+s19], $0x80, s30, s19, $0xb8;
	[tilespmem:$0x1E800] =	vst v63  }
0x42: {  	s31 =	simm.s32 $0x80  }
0x43: {  	[tilespmem:s20], [sflag:$0x2] =	stream.indirect.gather [hbm4b:s4+s19], $0x80, s31, s19, $0xb8;
	[tilespmem:$0x1E800] =	vst v63  }
0x44: {  	_ =	swait.ge [sflag:s21], $0x4000  }
0x45: {  	[sflag:s21] =	ssyncset.done $0x0  }
0x46: {  	s29 =	simm.s32 $0x1400;
	[sflag:s21] =	ssyncadd.s32 $0xFFFFC000  }
0x47: {  	[spmem:s2] =	stream.indirect.scatter.add.f32 [tilespmem:s16], [sflag:$0x3], $0x80, s29, s19, $0xb8;
	[tilespmem:$0x1E800] =	vst v63  }
0x48: {  	_ =	swait.ge [sflag:s17], $0x4000  }
0x49: {  	[sflag:s17] =	ssyncset.done $0x0  }
0x4a: {  	s30 =	simm.s32 $0x100;
	[sflag:s17] =	ssyncadd.s32 $0xFFFFC000  }
0x4b: {  	[tilespmem:s16], [sflag:$0x1] =	stream.indirect.gather [hbm4b:s4+s19], $0x80, s30, s19, $0xb8;
	[tilespmem:$0x1E800] =	vst v63  }
0x4c: {  	_ =	swait.ge [sflag:s22], $0x4000  }
0x4d: {  	[sflag:s22] =	ssyncset.done $0x0  }
0x4e: {  	s31 =	simm.s32 $0x1480;
	[sflag:s22] =	ssyncadd.s32 $0xFFFFC000  }
0x4f: {  	[spmem:s2] =	stream.indirect.scatter.add.f32 [tilespmem:s20], [sflag:$0x3], $0x80, s31, s19, $0xb8;
	[tilespmem:$0x1E800] =	vst v63  }
0x50: {  	_ =	swait.ge [sflag:s17], $0x4000  }
0x51: {  	s28 =	simm.s32 $0x800;
	s26 =	simm.s32 $0x100;
	[sflag:s17] =	ssyncset.done $0x0  }
.LBB2_4:
0x52: {  	s29 =	sadd.s32 $0x80, s26  }
0x53: {  	[sflag:s17] =	ssyncadd.s32 $0xFFFFC000;
	s30 =	smov.u32 s28;
	s31 =	sadd.s32 $0x400, s28  }
0x54: {  	[tilespmem:s20], [sflag:$0x2] =	stream.indirect.gather [hbm4b:s4+s19], $0x80, s29, s19, $0xb8;
	[tilespmem:$0x1E800] =	vst v63  }
0x55: {  	p0 =	sne.s32 s28, $0x4800;
	_ =	swait.ge [sflag:s21], $0x4000  }
0x56: {  	[sflag:s21] =	ssyncset.done $0x0  }
0x57: {  	s28 =	sadd.s32 $0x1400, s26;
	[sflag:s21] =	ssyncadd.s32 $0xFFFFC000  }
0x58: {  	[spmem:s2] =	stream.indirect.scatter.add.f32 [tilespmem:s16], [sflag:$0x3], $0x80, s28, s19, $0xb8;
	[tilespmem:$0x1E800] =	vst v63  }
0x59: {  	_ =	swait.ge [sflag:s17], $0x4000  }
0x5a: {  	[sflag:s17] =	ssyncset.done $0x0  }
0x5b: {  	s28 =	sadd.s32 $0x100, s26;
	[sflag:s17] =	ssyncadd.s32 $0xFFFFC000  }
0x5c: {  	[tilespmem:s16], [sflag:$0x1] =	stream.indirect.gather [hbm4b:s4+s19], $0x80, s28, s19, $0xb8;
	[tilespmem:$0x1E800] =	vst v63  }
0x5d: {  	_ =	swait.ge [sflag:s22], $0x4000  }
.Ltmp1:
0x5e: {  	[sflag:s22] =	ssyncset.done $0x0;
	(pc) =	sbr.rel @p0 .LBB2_4-.Ltmp1, $4  }
0x5f: {  	s26 =	sadd.s32 $0x1480, s26;
	[sflag:s22] =	ssyncadd.s32 $0xFFFFC000  }
0x60: {  	[spmem:s2] =	stream.indirect.scatter.add.f32 [tilespmem:s20], [sflag:$0x3], $0x80, s26, s19, $0xb8;
	[tilespmem:$0x1E800] =	vst v63  }
0x61: {  	_ =	swait.ge [sflag:s17], $0x4000  }
0x62: {  	s28 =	smov.u32 s31;
	s26 =	sshra.s32 s30, $0x2;
	[sflag:s17] =	ssyncset.done $0x0  }
0x63: {  	s28 =	sadd.s32 $0x80, s26;
	[sflag:s17] =	ssyncadd.s32 $0xFFFFC000  }
0x64: {  	[tilespmem:s20], [sflag:$0x2] =	stream.indirect.gather [hbm4b:s4+s19], $0x80, s28, s19, $0xb8;
	[tilespmem:$0x1E800] =	vst v63  }
0x65: {  	_ =	swait.ge [sflag:s21], $0x4000  }
0x66: {  	[sflag:s21] =	ssyncset.done $0x0  }
0x67: {  	s28 =	sadd.s32 $0x1400, s26;
	[sflag:s21] =	ssyncadd.s32 $0xFFFFC000  }
0x68: {  	[spmem:s2] =	stream.indirect.scatter.add.f32 [tilespmem:s16], [sflag:$0x3], $0x80, s28, s19, $0xb8;
	[tilespmem:$0x1E800] =	vst v63  }
0x69: {  	_ =	swait.ge [sflag:s17], $0x4000  }
0x6a: {  	[sflag:s17] =	ssyncset.done $0x0  }
0x6b: {  	s28 =	sadd.s32 $0x100, s26;
	[sflag:s17] =	ssyncadd.s32 $0xFFFFC000  }
0x6c: {  	[tilespmem:s16], [sflag:$0x1] =	stream.indirect.gather [hbm4b:s4+s19], $0x80, s28, s19, $0xb8;
	[tilespmem:$0x1E800] =	vst v63  }
0x6d: {  	_ =	swait.ge [sflag:s22], $0x4000  }
0x6e: {  	[sflag:s22] =	ssyncset.done $0x0  }
0x6f: {  	s29 =	sadd.s32 $0x1480, s26;
	[sflag:s22] =	ssyncadd.s32 $0xFFFFC000  }
0x70: {  	[spmem:s2] =	stream.indirect.scatter.add.f32 [tilespmem:s20], [sflag:$0x3], $0x80, s29, s19, $0xb8;
	[tilespmem:$0x1E800] =	vst v63  }
0x71: {  	_ =	swait.ge [sflag:s17], $0x4000  }
0x72: {  	[sflag:s17] =	ssyncset.done $0x0  }
0x73: {  	[sflag:s17] =	ssyncadd.s32 $0xFFFFC000  }
0x74: {  	[tilespmem:s20], [sflag:$0x2] =	stream.indirect.gather [hbm4b:s4+s19], $0x80, s23, s19, $0xb8;
	[tilespmem:$0x1E800] =	vst v63  }
0x75: {  	_ =	swait.ge [sflag:s21], $0x4000  }
0x76: {  	[sflag:s21] =	ssyncset.done $0x0  }
0x77: {  	[sflag:s21] =	ssyncadd.s32 $0xFFFFC000  }
0x78: {  	[spmem:s2] =	stream.indirect.scatter.add.f32 [tilespmem:s16], [sflag:$0x3], $0x80, s24, s19, $0xb8;
	[tilespmem:$0x1E800] =	vst v63  }
0x79: {  	_ =	swait.ge [sflag:s17], $0x4000  }
0x7a: {  	[sflag:s17] =	ssyncset.done $0x0  }
0x7b: {  	[sflag:s17] =	ssyncadd.s32 $0xFFFFC000  }
0x7c: {  	_ =	swait.ge [sflag:s22], $0x4000  }
0x7d: {  	[sflag:s22] =	ssyncset.done $0x0  }
0x7e: {  	[sflag:s22] =	ssyncadd.s32 $0xFFFFC000  }
0x7f: {  	[spmem:s2] =	stream.indirect.scatter.add.f32 [tilespmem:s20], [sflag:$0x3], $0x80, s25, s19, $0xb8;
	[tilespmem:$0x1E800] =	vst v63  }
0x80: {  	_ =	swait.ge [sflag:s17], $0x4000  }
0x81: {  	[sflag:s17] =	ssyncset.done $0x0  }
0x82: {  	s30 =	simm.s32 $0x0;
	[sflag:s17] =	ssyncadd.s32 $0xFFFFC000  }
0x83: {  	[tilespmem:s30], [sflag:$0x3] =	stream.linear.gather [hbm4b:s12+s30], $0x1400, $0x38;
	[tilespmem:$0x1E800] =	vst v63  }
0x84: {  	_ =	swait.ge [sflag:s17], $0x1400  }
0x85: {  	[sflag:s17] =	ssyncset.done $0x0  }
0x86: {  	[sflag:s17] =	ssyncadd.s32 $0xFFFFEC00  }
0x87: {  	[tilespmem:s18], [sflag:$0x3] =	stream.linear.gather [hbm4b:s13+s30], $0x1400, $0x38;
	[tilespmem:$0x1E800] =	vst v63  }
0x88: {  	_ =	swait.ge [sflag:s17], $0x1400  }
0x89: {  	[sflag:s17] =	ssyncset.done $0x0  }
0x8a: {  	[sflag:s17] =	ssyncadd.s32 $0xFFFFEC00  }
0x8b: {  	[tilespmem:s16], [sflag:$0x1] =	stream.indirect.gather [hbm4b:s4+s19], $0x80, s30, s19, $0xb8;
	[tilespmem:$0x1E800] =	vst v63  }
0x8c: {  	s31 =	simm.s32 $0x80  }
0x8d: {  	[tilespmem:s20], [sflag:$0x2] =	stream.indirect.gather [hbm4b:s4+s19], $0x80, s31, s19, $0xb8;
	[tilespmem:$0x1E800] =	vst v63  }
0x8e: {  	_ =	swait.ge [sflag:s21], $0x4000  }
0x8f: {  	[sflag:s21] =	ssyncset.done $0x0  }
0x90: {  	s29 =	simm.s32 $0x1400;
	[sflag:s21] =	ssyncadd.s32 $0xFFFFC000  }
0x91: {  	[spmem:s2] =	stream.indirect.scatter.add.f32 [tilespmem:s16], [sflag:$0x3], $0x80, s29, s19, $0xb8;
	[tilespmem:$0x1E800] =	vst v63  }
0x92: {  	_ =	swait.ge [sflag:s17], $0x4000  }
0x93: {  	[sflag:s17] =	ssyncset.done $0x0  }
0x94: {  	s30 =	simm.s32 $0x100;
	[sflag:s17] =	ssyncadd.s32 $0xFFFFC000  }
0x95: {  	[tilespmem:s16], [sflag:$0x1] =	stream.indirect.gather [hbm4b:s4+s19], $0x80, s30, s19, $0xb8;
	[tilespmem:$0x1E800] =	vst v63  }
0x96: {  	_ =	swait.ge [sflag:s22], $0x4000  }
0x97: {  	[sflag:s22] =	ssyncset.done $0x0  }
0x98: {  	s31 =	simm.s32 $0x1480;
	[sflag:s22] =	ssyncadd.s32 $0xFFFFC000  }
0x99: {  	[spmem:s2] =	stream.indirect.scatter.add.f32 [tilespmem:s20], [sflag:$0x3], $0x80, s31, s19, $0xb8;
	[tilespmem:$0x1E800] =	vst v63  }
0x9a: {  	_ =	swait.ge [sflag:s17], $0x4000  }
0x9b: {  	s26 =	simm.s32 $0x100;
	s28 =	simm.s32 $0x800;
	[sflag:s17] =	ssyncset.done $0x0  }
.LBB2_6:
0x9c: {  	s29 =	sadd.s32 $0x80, s26  }
0x9d: {  	[sflag:s17] =	ssyncadd.s32 $0xFFFFC000;
	s30 =	smov.u32 s28;
	s31 =	sadd.s32 $0x400, s28  }
0x9e: {  	[tilespmem:s20], [sflag:$0x2] =	stream.indirect.gather [hbm4b:s4+s19], $0x80, s29, s19, $0xb8;
	[tilespmem:$0x1E800] =	vst v63  }
0x9f: {  	p0 =	sne.s32 s28, $0x4800;
	_ =	swait.ge [sflag:s21], $0x4000  }
0xa0: {  	[sflag:s21] =	ssyncset.done $0x0  }
0xa1: {  	s28 =	sadd.s32 $0x1400, s26;
	[sflag:s21] =	ssyncadd.s32 $0xFFFFC000  }
0xa2: {  	[spmem:s2] =	stream.indirect.scatter.add.f32 [tilespmem:s16], [sflag:$0x3], $0x80, s28, s19, $0xb8;
	[tilespmem:$0x1E800] =	vst v63  }
0xa3: {  	_ =	swait.ge [sflag:s17], $0x4000  }
0xa4: {  	[sflag:s17] =	ssyncset.done $0x0  }
0xa5: {  	s28 =	sadd.s32 $0x100, s26;
	[sflag:s17] =	ssyncadd.s32 $0xFFFFC000  }
0xa6: {  	[tilespmem:s16], [sflag:$0x1] =	stream.indirect.gather [hbm4b:s4+s19], $0x80, s28, s19, $0xb8;
	[tilespmem:$0x1E800] =	vst v63  }
0xa7: {  	_ =	swait.ge [sflag:s22], $0x4000  }
.Ltmp2:
0xa8: {  	[sflag:s22] =	ssyncset.done $0x0;
	(pc) =	sbr.rel @p0 .LBB2_6-.Ltmp2, $4  }
0xa9: {  	s26 =	sadd.s32 $0x1480, s26;
	[sflag:s22] =	ssyncadd.s32 $0xFFFFC000  }
0xaa: {  	[spmem:s2] =	stream.indirect.scatter.add.f32 [tilespmem:s20], [sflag:$0x3], $0x80, s26, s19, $0xb8;
	[tilespmem:$0x1E800] =	vst v63  }
0xab: {  	_ =	swait.ge [sflag:s17], $0x4000  }
0xac: {  	s28 =	smov.u32 s31;
	s26 =	sshra.s32 s30, $0x2;
	[sflag:s17] =	ssyncset.done $0x0  }
0xad: {  	s28 =	sadd.s32 $0x80, s26;
	[sflag:s17] =	ssyncadd.s32 $0xFFFFC000  }
0xae: {  	[tilespmem:s20], [sflag:$0x2] =	stream.indirect.gather [hbm4b:s4+s19], $0x80, s28, s19, $0xb8;
	[tilespmem:$0x1E800] =	vst v63  }
0xaf: {  	_ =	swait.ge [sflag:s21], $0x4000  }
0xb0: {  	[sflag:s21] =	ssyncset.done $0x0  }
0xb1: {  	s30 =	sadd.s32 $0x1400, s26;
	[sflag:s21] =	ssyncadd.s32 $0xFFFFC000  }
0xb2: {  	[spmem:s2] =	stream.indirect.scatter.add.f32 [tilespmem:s16], [sflag:$0x3], $0x80, s30, s19, $0xb8;
	[tilespmem:$0x1E800] =	vst v63  }
0xb3: {  	_ =	swait.ge [sflag:s17], $0x4000  }
0xb4: {  	[sflag:s17] =	ssyncset.done $0x0  }
0xb5: {  	s31 =	sadd.s32 $0x100, s26;
	[sflag:s17] =	ssyncadd.s32 $0xFFFFC000  }
0xb6: {  	[tilespmem:s16], [sflag:$0x1] =	stream.indirect.gather [hbm4b:s4+s19], $0x80, s31, s19, $0xb8;
	[tilespmem:$0x1E800] =	vst v63  }
0xb7: {  	_ =	swait.ge [sflag:s22], $0x4000  }
0xb8: {  	[sflag:s22] =	ssyncset.done $0x0  }
0xb9: {  	s29 =	sadd.s32 $0x1480, s26;
	[sflag:s22] =	ssyncadd.s32 $0xFFFFC000  }
0xba: {  	[spmem:s2] =	stream.indirect.scatter.add.f32 [tilespmem:s20], [sflag:$0x3], $0x80, s29, s19, $0xb8;
	[tilespmem:$0x1E800] =	vst v63  }
0xbb: {  	_ =	swait.ge [sflag:s17], $0x4000  }
0xbc: {  	[sflag:s17] =	ssyncset.done $0x0  }
0xbd: {  	[sflag:s17] =	ssyncadd.s32 $0xFFFFC000  }
0xbe: {  	[tilespmem:s20], [sflag:$0x2] =	stream.indirect.gather [hbm4b:s4+s19], $0x80, s23, s19, $0xb8;
	[tilespmem:$0x1E800] =	vst v63  }
0xbf: {  	_ =	swait.ge [sflag:s21], $0x4000  }
0xc0: {  	[sflag:s21] =	ssyncset.done $0x0  }
0xc1: {  	[sflag:s21] =	ssyncadd.s32 $0xFFFFC000  }
0xc2: {  	[spmem:s2] =	stream.indirect.scatter.add.f32 [tilespmem:s16], [sflag:$0x3], $0x80, s24, s19, $0xb8;
	[tilespmem:$0x1E800] =	vst v63  }
0xc3: {  	_ =	swait.ge [sflag:s17], $0x4000  }
0xc4: {  	[sflag:s17] =	ssyncset.done $0x0  }
0xc5: {  	[sflag:s17] =	ssyncadd.s32 $0xFFFFC000  }
0xc6: {  	_ =	swait.ge [sflag:s22], $0x4000  }
0xc7: {  	[sflag:s22] =	ssyncset.done $0x0  }
0xc8: {  	[sflag:s22] =	ssyncadd.s32 $0xFFFFC000  }
0xc9: {  	[spmem:s2] =	stream.indirect.scatter.add.f32 [tilespmem:s20], [sflag:$0x3], $0x80, s25, s19, $0xb8;
	[tilespmem:$0x1E800] =	vst v63  }
0xca: {  	_ =	swait.ge [sflag:s17], $0x4000  }
0xcb: {  	s3 =	sadd.s32 $0x1, s3;
	s30 =	sshll.u32 s1, $0x6;
	[sflag:s17] =	ssyncset.done $0x0  }
0xcc: {  	p0 =	sne.s32 s3, s15;
	s26 =	sor.u32 $0x1C03, s30;
	[sflag:s17] =	ssyncadd.s32 $0xFFFFC000  }
.Ltmp3:
0xcd: {  	s31 =	sshrl.u32 s5, $0x3;
	[bflag:$0x0] =	sbarrier.arrive $0xFFFF;
	(pc) =	sbr.rel @p0 .LBB2_1-.Ltmp3, $4  }
0xce: {  	[hbm:s14], [sflag:s26] =	dma.local [spmem:s31], $0x2800  }
0xcf: {  	_ =	swait.ge [sflag:s17], $0x2800  }
0xd0: {  	[sflag:s17] =	ssyncset.done $0x0  }
0xd1: {  	[sflag:s17] =	ssyncadd.s32 $0xFFFFD800  }
0xd2: {  	_ =	sfence.sel $0x180000  }
0xd3: {  	[bflag:$0x0] =	sbarrier.arrive $0xFFFF  }
0xd4: {  	p0 =	sne.s32 s1, $0x0;
	_ =	strace $0x9000004D  }
0xd5: {  	s0 =	sadd.s32 @!p0 $0x100000, s0;
	[bflag:$0x2] =	sbarrier.arrive $0xFFFF  }
0xd6: {  	[sflag:s0] =	ssyncadd.tile.s32 @!p0 $0x1;
	_ =	shalt  }
.Lfunc_end2:
_tile_overlayer_lowered:
.L_overlay_start_2:
0xd7: {  	(tag) =	ssettag $0x2  }
0xd8: {  	s0 =	rddreg [dreg:$0x0];
	s2 =	stileid.u32  }
0xd9: {  	s1 =	rddreg [dreg:$0x1];
	p0 =	sne.s32 s2, $0x0  }
0xda: {  	s3 =	rddreg [dreg:$0x2];
	[bflag:$0x3] =	sbarrier.arrive $0xFFFF;
	s2 =	simm.s32 @!p0 $0x1C03  }
0xdb: {  	[timem:s3], [sflag:s2] =	dma.local @!p0 [hbm:s0], s1  }
0xdc: {  	s0 =	simm.s32 @!p0 $0x3  }
0xdd: {  	_ =	swait.ge @!p0 [sflag:s0], s1  }
0xde: {  	s1 =	ssub.s32 @!p0 $0x0, s1;
	[sflag:s0] =	ssyncset.done @!p0 $0x0  }
0xdf: {  	[sflag:s0] =	ssyncadd.s32 @!p0 s1  }
0xe0: {  	[bflag:$0x3] =	sbarrier.arrive $0xFFFF  }
0xe1: {  	_ =	shalt  }

// kernel: kernel.8.cloned.1.call-start
scs
__scs_entry_jumppad:
0x0: {  	(pc) =	sbr.rel $0x88, $3  }
0x1: {  	(tag) =	ssettag $0x0;
	lr =	simm.s32 $0x1  }
0x2: {  	[smem:$0x3F91] =	sst lr;
	_ =	strace $0xD0000000  }
0x3: {  	_ = 	snop  }
0x4: {  	_ = 	snop  }
0x5: {  	_ = 	snop  }
0x6: {  	_ = 	snop  }
0x7: {  	_ = 	snop  }
__scs_overlays_trampoline_lowered:
0x8: {  	[smem:$0x3FA0] =	sst s0  }
0x9: {  	[smem:$0x3FA1] =	sst s1  }
0xa: {  	[smem:$0x3FA2] =	sst s2  }
0xb: {  	[smem:$0x3FA3] =	sst s3  }
0xc: {  	[smem:$0x3FA4] =	sst s4  }
0xd: {  	[smem:$0x3FA5] =	sst s5  }
0xe: {  	[smem:$0x3FA6] =	sst s6  }
0xf: {  	[smem:$0x3FA7] =	sst s7  }
0x10: {  	[smem:$0x3FA8] =	sst s8  }
0x11: {  	[smem:$0x3FA9] =	sst s9;
	s0 =	simm.s32 @!p0 $0x0  }
0x12: {  	s1 =	sld [smem:$0x3F8F];
	s0 =	simm.s32 @p0 $0x1  }
0x13: {  	[smem:$0x3FAA] =	sst s0;
	s0 =	simm.s32 @!p1 $0x0  }
0x14: {  	s2 =	sld [smem:$0x3F8E];
	s0 =	simm.s32 @p1 $0x1  }
0x15: {  	[smem:$0x3FAB] =	sst s0;
	s0 =	simm.s32 @!p2 $0x0  }
0x16: {  	s3 =	sld [smem:$0x3FDB];
	s0 =	simm.s32 @p2 $0x1  }
0x17: {  	s4 =	simm.s32 $0x1BF5;
	[smem:$0x3FAD] =	sst s0  }
0x18: {  	s0 =	sld [smem:$0x3F90];
	_ =	swait.ge [sflag:s4], $0x0  }
0x19: {  	s7 =	sld [smem:$0x3F91]  }
0x1a: {  	s8 =	sadd.s32 $0xFFFFE003, lr  }
0x1b: {  	s9 =	sadd.s32 $0xFFFFFEF7, lr;
	s5 =	simm.s32 $0xFFFFFFFF;
	p2 =	slt.u32 s8, $0xFFFFF086  }
0x1c: {  	p1 =	slt.u32 s9, $0xF7A;
	s5 =	simm.s32 @!p2 $0x0  }
0x1d: {  	s5 =	simm.s32 @p1 $0x1;
	p0 =	seq.s32 s7, s2  }
0x1e: {  	s7 =	smul.u32 @!p0 $0xF7A, s2;
	p2 =	seq.s32 @!p0 s5, $0x0  }
0x1f: {  	s9 =	smul.u32 $0xF7A, s1;
	s8 =	simm.s32 @!p0 $0x1BF5;
	p2 =	por !p2, p0  }
0x20: {  	[sflag:s8] =	ssyncset.s32 @!p0 $0xFFFFF086;
	s6 =	sadd.s32 @!p0 s3, s7;
	s7 =	simm.s32 @!p0 $0x108  }
0x21: {  	s3 =	sadd.s32 s3, s9;
	s6 =	sadd.s32 @!p0 $0x88, s6;
	s7 =	simm.s32 @p2 $0x1082  }
0x22: {  	[simem:s7], [sflag:s8] =	dma.local @!p0 [hbm:s6], $0xF7A  }
0x23: {  	s9 =	sor.u32 $0xD0000000, s2;
	s6 =	simm.s32 $0x108;
	_ =	swait.ge @!p0 [sflag:s8], $0x0  }
0x24: {  	s3 =	sadd.s32 $0x88, s3;
	s6 =	simm.s32 @!p1 $0x1082;
	[sflag:s4] =	ssyncset.s32 $0xFFFFF086  }
0x25: {  	[simem:s6], [sflag:s4] =	dma.local [hbm:s3], $0xF7A  }
0x26: {  	[smem:$0x3F91] =	sst s1;
	(tag) =	ssettag s2;
	_ =	strace s9  }
0x27: {  	s1 =	sld [smem:$0x3FA1]  }
0x28: {  	s2 =	sld [smem:$0x3FA2]  }
0x29: {  	s4 =	sld [smem:$0x3FA4]  }
0x2a: {  	p0 =	seq.s32 s5, $0x0;
	s5 =	sld [smem:$0x3FA5]  }
0x2b: {  	s6 =	sld [smem:$0x3FA6]  }
0x2c: {  	s7 =	sld [smem:$0x3FA7]  }
0x2d: {  	s3 =	simm.s32 $0x108;
	s8 =	sld [smem:$0x3FA8]  }
0x2e: {  	s3 =	simm.s32 @!p0 $0x1082;
	s9 =	sld [smem:$0x3FA9]  }
0x2f: {  	lr =	sadd.s32 s0, s3;
	s0 =	sld [smem:$0x3FA0]  }
0x30: {  	s3 =	sld [smem:$0x3FA3]  }
0x31: {  	[smem:$0x3FAC] =	sst s10  }
0x32: {  	s10 =	sld [smem:$0x3FAA];
	_ =	sdelay $0x3  }
0x33: {  	p0 =	seq.s32 s10, $0x1;
	s10 =	sld [smem:$0x3FAC];
	_ =	sdelay $0x3  }
0x34: {  	[smem:$0x3FAC] =	sst s10  }
0x35: {  	s10 =	sld [smem:$0x3FAB];
	_ =	sdelay $0x3  }
0x36: {  	p1 =	seq.s32 s10, $0x1;
	s10 =	sld [smem:$0x3FAC];
	_ =	sdelay $0x3  }
0x37: {  	[smem:$0x3FAC] =	sst s10  }
0x38: {  	s10 =	sld [smem:$0x3FAD]  }
0x39: {  	_ = 	snop;
	(pc) =	sbr.ind lr, $3  }
0x3a: {  	_ = 	snop  }
0x3b: {  	_ = 	snop  }
0x3c: {  	p2 =	seq.s32 s10, $0x1;
	s10 =	sld [smem:$0x3FAC]  }
0x3d: {  	_ =	shalt  }
0x3e: {  	_ =	shalt  }
0x3f: {  	_ =	shalt  }
0x40: {  	_ =	shalt  }
0x41: {  	_ =	shalt  }
0x42: {  	_ =	shalt  }
0x43: {  	_ =	shalt  }
0x44: {  	_ =	shalt  }
0x45: {  	_ =	shalt  }
0x46: {  	_ =	shalt  }
0x47: {  	_ =	shalt  }
0x48: {  	_ =	shalt  }
0x49: {  	_ =	shalt  }
0x4a: {  	_ =	shalt  }
0x4b: {  	_ =	shalt  }
0x4c: {  	_ =	shalt  }
0x4d: {  	_ =	shalt  }
0x4e: {  	_ =	shalt  }
0x4f: {  	_ =	shalt  }
0x50: {  	_ =	shalt  }
0x51: {  	_ =	shalt  }
0x52: {  	_ =	shalt  }
0x53: {  	_ =	shalt  }
0x54: {  	_ =	shalt  }
0x55: {  	_ =	shalt  }
0x56: {  	_ =	shalt  }
0x57: {  	_ =	shalt  }
0x58: {  	_ =	shalt  }
0x59: {  	_ =	shalt  }
0x5a: {  	_ =	shalt  }
0x5b: {  	_ =	shalt  }
0x5c: {  	_ =	shalt  }
0x5d: {  	_ =	shalt  }
0x5e: {  	_ =	shalt  }
0x5f: {  	_ =	shalt  }
0x60: {  	_ =	shalt  }
0x61: {  	_ =	shalt  }
0x62: {  	_ =	shalt  }
0x63: {  	_ =	shalt  }
0x64: {  	_ =	shalt  }
0x65: {  	_ =	shalt  }
0x66: {  	_ =	shalt  }
0x67: {  	_ =	shalt  }
0x68: {  	_ =	shalt  }
0x69: {  	_ =	shalt  }
0x6a: {  	_ =	shalt  }
0x6b: {  	_ =	shalt  }
0x6c: {  	_ =	shalt  }
0x6d: {  	_ =	shalt  }
0x6e: {  	_ =	shalt  }
0x6f: {  	_ =	shalt  }
0x70: {  	_ =	shalt  }
0x71: {  	_ =	shalt  }
0x72: {  	_ =	shalt  }
0x73: {  	_ =	shalt  }
0x74: {  	_ =	shalt  }
0x75: {  	_ =	shalt  }
0x76: {  	_ =	shalt  }
0x77: {  	_ =	shalt  }
0x78: {  	_ =	shalt  }
0x79: {  	_ =	shalt  }
0x7a: {  	_ =	shalt  }
0x7b: {  	_ =	shalt  }
0x7c: {  	_ =	shalt  }
0x7d: {  	_ =	shalt  }
0x7e: {  	_ =	shalt  }
0x7f: {  	_ =	shalt  }
0x80: {  	_ =	shalt  }
0x81: {  	_ =	shalt  }
0x82: {  	_ =	shalt  }
0x83: {  	_ =	shalt  }
0x84: {  	_ =	shalt  }
0x85: {  	_ =	shalt  }
0x86: {  	_ =	shalt  }
0x87: {  	_ =	shalt  }
.Lfunc_end0:
.L_simem_size_0:
called_computation_lowered:
.L_overlay_start_0:
0x88: {  	s2 =	sld [smem:$0x3FD9]  }
0x89: {  	s3 =	sld [smem:$0x3FFE];
	_ =	sdelay $0x1  }
0x8a: {  	s1 =	srdreg.scid  }
0x8b: {  	s0 =	sand.u32 $0x1, s1  }
0x8c: {  	s14 =	sshll.u32 s0, $0xA;
	s2 =	sadd.s32 s3, s2  }
0x8d: {  	s2 =	sadd.s32 s2, s14  }
0x8e: {  	[smem:$0x3FB8] =	sst s2  }
0x8f: {  	_ = 	snop  }
0x90: {  	s2 =	sld [smem:$0x3FD0];
	_ =	sdelay $0x2  }
0x91: {  	s15 =	simm.s32 $0xA;
	s4 =	simm.s32 $0x10  }
0x92: {  	[smem:s4], [sflag:s15] =	dma.local [hbm:s2], $0x1  }
0x93: {  	_ =	swait.eq [sflag:s15], $0x1  }
0x94: {  	[sflag:s15] =	ssyncset.done $0x0  }
0x95: {  	s16 =	sld [smem:$0x10];
	[sflag:s15] =	ssyncadd.s32 $0xFFFFFFFF  }
0x96: {  	s17 =	sld [smem:$0x13];
	(tm) =	ssettm $0x1  }
0x97: {  	s18 =	sld [smem:$0x3FFB];
	_ =	sdelay $0x3  }
0x98: {  	_ =	strace s18  }
0x99: {  	s4 =	sld [smem:$0x3FFC];
	_ =	sdelay $0x3  }
0x9a: {  	_ =	strace s4  }
0x9b: {  	s4 =	sld [smem:$0x3FFD];
	_ =	sdelay $0x3  }
0x9c: {  	_ =	strace s4  }
0x9d: {  	_ =	strace $0x8FFFFFFF  }
0x9e: {  	s19 =	sld [smem:$0x3FDB];
	_ =	sdelay $0x1  }
0x9f: {  	s5 =	simm.s32 $_scs_section_size  }
0xa0: {  	s6 =	simm.s32 $_size__tile_overlayer_lowered;
	s7 =	simm.s32 $_tile_overlayer_lowered  }
0xa1: {  	s22 =	simm.s32 $0x1BFF;
	s21 =	sshll.u32 s7, $0x1;
	s4 =	sadd.s32 s5, s19  }
0xa2: {  	s8 =	simm.s32 $0x0;
	s20 =	sshll.u32 s6, $0x1;
	s6 =	sadd.s32 s21, s4  }
0xa3: {  	[timem:s8], [sflag:s22] =	dma.local [hbm:s6], s20  }
0xa4: {  	_ =	swait.ge [sflag:s22], s20  }
0xa5: {  	s5 =	ssub.s32 $0x0, s20;
	[sflag:s22] =	ssyncset.done $0x0  }
0xa6: {  	[sflag:s22] =	ssyncadd.s32 s5;
	_ =	sdelay $0x1  }
0xa7: {  	s23 =	simm.s32 $0x1B8B  }
0xa8: {  	_ =	swait.ge [sflag:s23], $0x1  }
0xa9: {  	[sflag:s23] =	ssyncset.done $0x0  }
0xaa: {  	s25 =	simm.s32 $0x1B8E;
	s24 =	sld [smem:$0x3FFE];
	[sflag:s23] =	ssyncadd.s32 $0xFFFFFFFF  }
0xab: {  	s26 =	simm.s32 $execute0_lowered;
	[smem:$0x3FD2] =	sst s25  }
0xac: {  	s6 =	sshll.u32 s26, $0x1;
	_ =	strace $0x80000046;
	[dreg:$0x1] =	wrdreg $0xFFFFFFFF  }
0xad: {  	s28 =	simm.s32 $_size_execute0_lowered;
	s4 =	sadd.s32 s4, s6;
	[dreg:$0x0] =	wrdreg $0x0  }
0xae: {  	s6 =	sshll.u32 s28, $0x1;
	[dreg:$0x2] =	wrdreg s4  }
0xaf: {  	[dreg:$0x3] =	wrdreg s6  }
0xb0: {  	[dreg:$0x4] =	wrdreg $0xC0  }
0xb1: {  	_ =	task [dreg:s8], $0x5FFFF  }
0xb2: {  	[dreg:$0x1] =	wrdreg $0xFFFFFFFF  }
0xb3: {  	[dreg:$0x0] =	wrdreg $0x60  }
0xb4: {  	[dreg:$0x2] =	wrdreg s16  }
0xb5: {  	[dreg:$0x3] =	wrdreg s17  }
0xb6: {  	[dreg:$0x4] =	wrdreg s24  }
0xb7: {  	[dreg:$0x5] =	wrdreg $0xA8000  }
0xb8: {  	[dreg:$0x6] =	wrdreg $0x9  }
0xb9: {  	_ =	task.clear_ibuf [dreg:s8], $0x7FFFF;
	_ =	strace $0x90000046  }
0xba: {  	s29 =	simm.s32 $0x9;
	_ =	strace $0x80000048  }
0xbb: {  	_ =	swait.ge [sflag:s29], $0x1  }
0xbc: {  	[sflag:s29] =	ssyncadd.s32 $0xFFFFFFFF  }
0xbd: {  	_ =	strace $0x90000048  }
0xbe: {  	_ =	sfence  }
0xbf: {  	s30 =	sld [smem:$0x0];
	_ =	sdelay $0x2  }
0xc0: {  	s31 =	sshll.u32 s1, $0xD;
	s1 =	sshrl.u32 s1, $0x2  }
0xc1: {  	s3 =	sand.u32 $0x4000, s31;
	s1 =	sadd.s32 s1, s30  }
0xc2: {  	s0 =	sor.u32 s3, s0;
	s1 =	sshll.u32 s1, $0x11  }
0xc3: {  	s0 =	sor.u32 s1, s0  }
0xc4: {  	s0 =	sadd.s32 $0x8F2B, s0  }
0xc5: {  	[sflag:s0] =	ssyncadd.remote.s32 $0x1  }
0xc6: {  	_ =	sfence.sel $0xFFFF  }
0xc7: {  	[dreg:$0x0] =	wrdreg $0xFFFFFFFF;
	(pc) =	sbr.abs _section_cstart, $3  }
0xc8: {  	[dreg:$0x1] =	wrdreg $0xFFFFFFFF  }
0xc9: {  	_ =	task.clear_ibuf [dreg:s8], $0x2FFFF;
	_ =	strace $0x9FFFFFFF  }
0xca: {  	(tm) =	ssettm $0x7FFFFFFF  }
0xcb: {  	_ =	shalt  }
tec
execute0_lowered:
.L_overlay_start_1:
0x0: {  	(tag) =	ssettag $0x1  }
0x1: {  	s9 =	rddreg [dreg:$0x0]  }
0x2: {  	s11 =	rddreg [dreg:$0x1]  }
0x3: {  	s4 =	rddreg [dreg:$0x2];
	s1 =	stileid.u32  }
0x4: {  	s0 =	srdreg.scid;
	s7 =	smul.u32 $0x14000, s1  }
0x5: {  	s2 =	rddreg [dreg:$0x3];
	s3 =	simm.s32 $0x0;
	s30 =	smul.u32 $0x50000, s1  }
0x6: {  	s15 =	simm.s32 $0x1;
	s5 =	sand.u32 $0x1, s0;
	s12 =	smul.u32 $0x2800, s1  }
0x7: {  	s16 =	simm.s32 $0x80;
	s17 =	simm.s32 $0x2800;
	s6 =	smul.u32 $0x140000, s5  }
0x8: {  	[smem:$0x7FF] =	sst s3;
	s8 =	ssub.s32 $0x2, s5;
	s10 =	smul.u32 $0x28000, s5  }
0x9: {  	s0 =	rddreg [dreg:$0x4];
	_ =	strace $0x80000047;
	s31 =	sshrl.u32 s8, $0x1  }
0xa: {  	s6 =	sadd.s32 s7, s6;
	s7 =	sshrl.u32 s30, $0x2;
	s10 =	sadd.s32 s12, s10  }
0xb: {  	s14 =	ssub.s32 s8, s31;
	s6 =	sshrl.u32 s6, $0x3;
	s12 =	sshrl.u32 s10, $0x3  }
0xc: {  	s13 =	sadd.s32 s6, s4;
	s4 =	sadd.s32 s7, s2;
	s9 =	sadd.s32 s9, s12  }
0xd: {  	s11 =	sadd.s32 s11, s12;
	s5 =	sadd.s32 $0x4000, s4;
	s6 =	sadd.s32 $0x8000, s4  }
0xe: {  	s7 =	sadd.s32 $0xC000, s4;
	s8 =	sadd.s32 $0x10000, s4;
	s10 =	sadd.s32 $0x2C00, s13  }
0xf: {  	v0 =	vimm.f32 $1.000000000e+00;
	v1 =	vimm.f32 $0.0e+00;
	s12 =	sadd.s32 $0x52C00, s13;
	s13 =	smax.u32 s14, $0x1;
	s14 =	simm.s32 $0x6800  }
.LBB2_1:
0x10: {  	s18 =	simm.s32 $0x0;
	s19 =	simm.s32 $0x200  }
.LBB2_2:
0x11: {  	p0 =	sne.s32 s19, $0xFE00;
	[tilespmem:s18+$0x2870] =	vst v0  }
0x12: {  	[tilespmem:s18+$0x2800] =	vst v0  }
0x13: {  	[tilespmem:s18+$0x2810] =	vst v0  }
.Ltmp0:
0x14: {  	[tilespmem:s18+$0x2820] =	vst v0;
	(pc) =	sbr.rel @p0 .LBB2_2-.Ltmp0, $4  }
0x15: {  	[tilespmem:s18+$0x2830] =	vst v0  }
0x16: {  	[tilespmem:s18+$0x2840] =	vst v0  }
0x17: {  	[tilespmem:s18+$0x2850] =	vst v0  }
0x18: {  	[tilespmem:s18+$0x2860] =	vst v0;
	s18 =	sshra.s32 s19, $0x2;
	s19 =	sadd.s32 $0x200, s19  }
0x19: {  	[tilespmem:s18+$0x2870] =	vst v0  }
0x1a: {  	[tilespmem:s18+$0x2800] =	vst v0  }
0x1b: {  	[tilespmem:s18+$0x2810] =	vst v0  }
0x1c: {  	[tilespmem:s18+$0x2820] =	vst v0  }
0x1d: {  	[tilespmem:s18+$0x2830] =	vst v0  }
0x1e: {  	[tilespmem:s18+$0x2840] =	vst v0  }
0x1f: {  	[tilespmem:s18+$0x2850] =	vst v0  }
0x20: {  	[tilespmem:s18+$0x2860] =	vst v0;
	s18 =	simm.s32 $0x0;
	s19 =	simm.s32 $0x200  }
.LBB2_4:
0x21: {  	p0 =	sne.s32 s19, $0xFE00;
	[tilespmem:s18+$0x6870] =	vst v1  }
0x22: {  	[tilespmem:s18+$0x6800] =	vst v1  }
0x23: {  	[tilespmem:s18+$0x6810] =	vst v1  }
.Ltmp1:
0x24: {  	[tilespmem:s18+$0x6820] =	vst v1;
	(pc) =	sbr.rel @p0 .LBB2_4-.Ltmp1, $4  }
0x25: {  	[tilespmem:s18+$0x6830] =	vst v1  }
0x26: {  	[tilespmem:s18+$0x6840] =	vst v1  }
0x27: {  	[tilespmem:s18+$0x6850] =	vst v1  }
0x28: {  	[tilespmem:s18+$0x6860] =	vst v1;
	s18 =	sshra.s32 s19, $0x2;
	s19 =	sadd.s32 $0x200, s19  }
0x29: {  	[tilespmem:s18+$0x6870] =	vst v1  }
0x2a: {  	[tilespmem:s18+$0x6800] =	vst v1  }
0x2b: {  	[tilespmem:s18+$0x6810] =	vst v1  }
0x2c: {  	[tilespmem:s18+$0x6820] =	vst v1  }
0x2d: {  	[tilespmem:s18+$0x6830] =	vst v1  }
0x2e: {  	[tilespmem:s18+$0x6840] =	vst v1  }
0x2f: {  	[tilespmem:s18+$0x6850] =	vst v1  }
0x30: {  	[tilespmem:s18+$0x6860] =	vst v1  }
0x31: {  	[spmem:s4] =	stream.linear.scatter [tilespmem:s14], [sflag:$0x1], $0x4000, $0x38;
	[tilespmem:$0x1E800] =	vst v63  }
0x32: {  	_ =	swait.ge [sflag:s15], $0x4000  }
0x33: {  	[sflag:s15] =	ssyncset.done $0x0  }
0x34: {  	[sflag:s15] =	ssyncadd.s32 $0xFFFFC000  }
0x35: {  	[spmem:s5] =	stream.linear.scatter [tilespmem:s14], [sflag:$0x1], $0x4000, $0x38;
	[tilespmem:$0x1E800] =	vst v63  }
0x36: {  	_ =	swait.ge [sflag:s15], $0x4000  }
0x37: {  	[sflag:s15] =	ssyncset.done $0x0  }
0x38: {  	[sflag:s15] =	ssyncadd.s32 $0xFFFFC000  }
0x39: {  	[spmem:s6] =	stream.linear.scatter [tilespmem:s14], [sflag:$0x1], $0x4000, $0x38;
	[tilespmem:$0x1E800] =	vst v63  }
0x3a: {  	_ =	swait.ge [sflag:s15], $0x4000  }
0x3b: {  	[sflag:s15] =	ssyncset.done $0x0  }
0x3c: {  	[sflag:s15] =	ssyncadd.s32 $0xFFFFC000  }
0x3d: {  	[spmem:s7] =	stream.linear.scatter [tilespmem:s14], [sflag:$0x1], $0x4000, $0x38;
	[tilespmem:$0x1E800] =	vst v63  }
0x3e: {  	_ =	swait.ge [sflag:s15], $0x4000  }
0x3f: {  	[sflag:s15] =	ssyncset.done $0x0  }
0x40: {  	[sflag:s15] =	ssyncadd.s32 $0xFFFFC000  }
0x41: {  	[spmem:s8] =	stream.linear.scatter [tilespmem:s14], [sflag:$0x1], $0x4000, $0x38;
	[tilespmem:$0x1E800] =	vst v63  }
0x42: {  	_ =	swait.ge [sflag:s15], $0x4000  }
0x43: {  	[sflag:s15] =	ssyncset.done $0x0  }
0x44: {  	s30 =	simm.s32 $0x0;
	[sflag:s15] =	ssyncadd.s32 $0xFFFFC000  }
0x45: {  	[tilespmem:s30], [sflag:$0x1] =	stream.linear.gather [hbm4b:s9+s30], $0x2800, $0x38;
	[tilespmem:$0x1E800] =	vst v63  }
0x46: {  	_ =	swait.ge [sflag:s15], $0x2800  }
0x47: {  	[sflag:s15] =	ssyncset.done $0x0  }
0x48: {  	[sflag:s15] =	ssyncadd.s32 $0xFFFFD800  }
0x49: {  	s31 =	simm.s32 $0x0;
	[bflag:$0x0] =	sbarrier.arrive $0xFFFF  }
0x4a: {  	[spmem:s2] =	stream.indirect.scatter.add.f32 [tilespmem:s17], [sflag:$0x1], $0x80, s31, s16, $0xb8;
	[tilespmem:$0x1E800] =	vst v63  }
0x4b: {  	_ =	swait.ge [sflag:s15], $0x4000  }
0x4c: {  	s18 =	simm.s32 $0x200;
	[sflag:s15] =	ssyncset.done $0x0  }
.LBB2_6:
0x4d: {  	s19 =	sshra.s32 s18, $0x2;
	[sflag:s15] =	ssyncadd.s32 $0xFFFFC000;
	p0 =	sne.s32 s18, $0x9E00  }
0x4e: {  	[spmem:s2] =	stream.indirect.scatter.add.f32 [tilespmem:s17], [sflag:$0x1], $0x80, s19, s16, $0xb8;
	[tilespmem:$0x1E800] =	vst v63  }
.Ltmp2:
0x4f: {  	_ = 	snop;
	(pc) =	sbr.rel @p0 .LBB2_6-.Ltmp2, $4  }
0x50: {  	_ = 	snop  }
0x51: {  	s18 =	sadd.s32 $0x200, s18  }
0x52: {  	_ =	swait.ge [sflag:s15], $0x4000  }
0x53: {  	[sflag:s15] =	ssyncset.done $0x0  }
0x54: {  	[sflag:s15] =	ssyncadd.s32 $0xFFFFC000;
	s18 =	sshll.u32 s1, $0x6  }
0x55: {  	s19 =	sshrl.u32 s4, $0x3;
	[bflag:$0x0] =	sbarrier.arrive $0xFFFF;
	s18 =	sor.u32 $0x1C01, s18  }
0x56: {  	[hbm:s10], [sflag:s18] =	dma.local [spmem:s19], $0x2800  }
0x57: {  	_ =	swait.ge [sflag:s15], $0x2800  }
0x58: {  	[sflag:s15] =	ssyncset.done $0x0  }
0x59: {  	[sflag:s15] =	ssyncadd.s32 $0xFFFFD800  }
0x5a: {  	[bflag:$0x0] =	sbarrier.arrive $0xFFFF  }
0x5b: {  	[spmem:s4] =	stream.linear.scatter [tilespmem:s14], [sflag:$0x1], $0x4000, $0x38;
	[tilespmem:$0x1E800] =	vst v63  }
0x5c: {  	_ =	swait.ge [sflag:s15], $0x4000  }
0x5d: {  	[sflag:s15] =	ssyncset.done $0x0  }
0x5e: {  	[sflag:s15] =	ssyncadd.s32 $0xFFFFC000  }
0x5f: {  	[spmem:s5] =	stream.linear.scatter [tilespmem:s14], [sflag:$0x1], $0x4000, $0x38;
	[tilespmem:$0x1E800] =	vst v63  }
0x60: {  	_ =	swait.ge [sflag:s15], $0x4000  }
0x61: {  	[sflag:s15] =	ssyncset.done $0x0  }
0x62: {  	[sflag:s15] =	ssyncadd.s32 $0xFFFFC000  }
0x63: {  	[spmem:s6] =	stream.linear.scatter [tilespmem:s14], [sflag:$0x1], $0x4000, $0x38;
	[tilespmem:$0x1E800] =	vst v63  }
0x64: {  	_ =	swait.ge [sflag:s15], $0x4000  }
0x65: {  	[sflag:s15] =	ssyncset.done $0x0  }
0x66: {  	[sflag:s15] =	ssyncadd.s32 $0xFFFFC000  }
0x67: {  	[spmem:s7] =	stream.linear.scatter [tilespmem:s14], [sflag:$0x1], $0x4000, $0x38;
	[tilespmem:$0x1E800] =	vst v63  }
0x68: {  	_ =	swait.ge [sflag:s15], $0x4000  }
0x69: {  	[sflag:s15] =	ssyncset.done $0x0  }
0x6a: {  	[sflag:s15] =	ssyncadd.s32 $0xFFFFC000  }
0x6b: {  	[spmem:s8] =	stream.linear.scatter [tilespmem:s14], [sflag:$0x1], $0x4000, $0x38;
	[tilespmem:$0x1E800] =	vst v63  }
0x6c: {  	_ =	swait.ge [sflag:s15], $0x4000  }
0x6d: {  	[sflag:s15] =	ssyncset.done $0x0  }
0x6e: {  	s20 =	simm.s32 $0x0;
	[sflag:s15] =	ssyncadd.s32 $0xFFFFC000  }
0x6f: {  	[tilespmem:s20], [sflag:$0x1] =	stream.linear.gather [hbm4b:s11+s20], $0x2800, $0x38;
	[tilespmem:$0x1E800] =	vst v63  }
0x70: {  	_ =	swait.ge [sflag:s15], $0x2800  }
0x71: {  	[sflag:s15] =	ssyncset.done $0x0  }
0x72: {  	[sflag:s15] =	ssyncadd.s32 $0xFFFFD800  }
0x73: {  	s31 =	simm.s32 $0x0;
	[bflag:$0x0] =	sbarrier.arrive $0xFFFF  }
0x74: {  	[spmem:s2] =	stream.indirect.scatter.add.f32 [tilespmem:s17], [sflag:$0x1], $0x80, s31, s16, $0xb8;
	[tilespmem:$0x1E800] =	vst v63  }
0x75: {  	_ =	swait.ge [sflag:s15], $0x4000  }
0x76: {  	s20 =	simm.s32 $0x200;
	[sflag:s15] =	ssyncset.done $0x0  }
.LBB2_8:
0x77: {  	s21 =	sshra.s32 s20, $0x2;
	[sflag:s15] =	ssyncadd.s32 $0xFFFFC000;
	p0 =	sne.s32 s20, $0x9E00  }
0x78: {  	[spmem:s2] =	stream.indirect.scatter.add.f32 [tilespmem:s17], [sflag:$0x1], $0x80, s21, s16, $0xb8;
	[tilespmem:$0x1E800] =	vst v63  }
.Ltmp3:
0x79: {  	_ = 	snop;
	(pc) =	sbr.rel @p0 .LBB2_8-.Ltmp3, $4  }
0x7a: {  	_ = 	snop  }
0x7b: {  	s20 =	sadd.s32 $0x200, s20  }
0x7c: {  	_ =	swait.ge [sflag:s15], $0x4000  }
0x7d: {  	[sflag:s15] =	ssyncset.done $0x0  }
0x7e: {  	[sflag:s15] =	ssyncadd.s32 $0xFFFFC000;
	s3 =	sadd.s32 $0x1, s3  }
0x7f: {  	[bflag:$0x0] =	sbarrier.arrive $0xFFFF;
	p0 =	sne.s32 s3, s13  }
0x80: {  	[hbm:s12], [sflag:s18] =	dma.local [spmem:s19], $0x2800  }
.Ltmp4:
0x81: {  	_ =	swait.ge [sflag:s15], $0x2800;
	(pc) =	sbr.rel @p0 .LBB2_1-.Ltmp4, $3  }
0x82: {  	[sflag:s15] =	ssyncset.done $0x0  }
0x83: {  	[sflag:s15] =	ssyncadd.s32 $0xFFFFD800  }
0x84: {  	[bflag:$0x0] =	sbarrier.arrive $0xFFFF;
	_ =	sdelay $0x1  }
0x85: {  	_ =	sfence.sel $0x180000  }
0x86: {  	[bflag:$0x0] =	sbarrier.arrive $0xFFFF  }
0x87: {  	p0 =	sne.s32 s1, $0x0;
	_ =	strace $0x90000047  }
0x88: {  	s0 =	sadd.s32 @!p0 $0x100000, s0;
	[bflag:$0x2] =	sbarrier.arrive $0xFFFF  }
0x89: {  	[sflag:s0] =	ssyncadd.tile.s32 @!p0 $0x1;
	_ =	shalt  }
.Lfunc_end2:
_tile_overlayer_lowered:
.L_overlay_start_2:
0x8a: {  	(tag) =	ssettag $0x2  }
0x8b: {  	s0 =	rddreg [dreg:$0x0];
	s2 =	stileid.u32  }
0x8c: {  	s1 =	rddreg [dreg:$0x1];
	p0 =	sne.s32 s2, $0x0  }
0x8d: {  	s3 =	rddreg [dreg:$0x2];
	[bflag:$0x3] =	sbarrier.arrive $0xFFFF;
	s2 =	simm.s32 @!p0 $0x1C01  }
0x8e: {  	[timem:s3], [sflag:s2] =	dma.local @!p0 [hbm:s0], s1  }
0x8f: {  	s0 =	simm.s32 @!p0 $0x1  }
0x90: {  	_ =	swait.ge @!p0 [sflag:s0], s1  }
0x91: {  	s1 =	ssub.s32 @!p0 $0x0, s1;
	[sflag:s0] =	ssyncset.done @!p0 $0x0  }
0x92: {  	[sflag:s0] =	ssyncadd.s32 @!p0 s1  }
0x93: {  	[bflag:$0x3] =	sbarrier.arrive $0xFFFF  }
0x94: {  	_ =	shalt  }

</sc_bundles>
